<compile_context>
chip_gen: v7x
topology: tpu7x:2x2x1
jax: 0.10.2.dev20260603
libtpu: 0.0.44.dev20260713+nightly
codegen_flags: <defaults>
</compile_context>

<pallas_src>
import functools

import jax
import jax.numpy as jnp
from jax import lax
from jax.experimental import pallas as pl
from jax.experimental.pallas import tpu as pltpu
from jax.experimental.pallas import tpu_sc as plsc

_NUM_TYPES = 87
_F = 128
_N = 100000
_CH = 128
_BW = 256


def _fuse_body(extra_ref, onehot_ref, econf_ref, wconf_ref, w1_ref, out_ref):
    cfg = lax.dot_general(
        econf_ref[...], wconf_ref[...], (((1,), (1,)), ((), ())),
        preferred_element_type=jnp.float32)
    cat = jnp.concatenate([extra_ref[...], onehot_ref[...], cfg], axis=1)
    out_ref[...] = lax.dot_general(
        cat, w1_ref[...], (((1,), (1,)), ((), ())),
        preferred_element_type=jnp.float32)


def _fused_table(extra, onehot, econf, wconf, w1):
    return pl.pallas_call(
        _fuse_body,
        out_shape=jax.ShapeDtypeStruct((_NUM_TYPES, _F), jnp.float32),
    )(extra, onehot, econf, wconf, w1)


@functools.cache
def _make_gather():
    info = plsc.get_sparse_core_info()
    nc, ns = info.num_cores, info.num_subcores
    nw = nc * ns
    b_per_w = ((_N + nw - 1) // nw + _CH - 1) // _CH * _CH

    mesh = plsc.VectorSubcoreMesh(core_axis_name="c", subcore_axis_name="s")

    @functools.partial(
        pl.kernel,
        out_type=(jax.ShapeDtypeStruct((_N, _F), jnp.float32),
                  jax.ShapeDtypeStruct((_N, _F), jnp.float32)),
        mesh=mesh,
        scratch_types=[
            pltpu.VMEM((b_per_w,), jnp.int32),
            pltpu.VMEM((_BW, _F), jnp.float32),
            pltpu.VMEM((_BW, _F), jnp.float32),
            pltpu.VMEM_SHARED((_NUM_TYPES, _F), jnp.float32),
            pltpu.SemaphoreType.DMA,
            pltpu.SemaphoreType.DMA,
            pltpu.SemaphoreType.DMA,
            pltpu.SemaphoreType.DMA,
            pltpu.SemaphoreType.DMA,
        ],
    )
    def gather_k(idx_hbm, table_hbm, out_hbm, out2_hbm, idx_v,
                 buf_a, buf_b, tab_s,
                 isem, gsem_a, gsem_b, ssem_a, ssem_b):
        sid = lax.axis_index("s")
        wid = sid * nc + lax.axis_index("c")
        start = wid * b_per_w

        rows = [_BW] * (b_per_w // _BW) + (
            [b_per_w % _BW] if b_per_w % _BW else [])
        n_win = len(rows)
        woff = [sum(rows[:p]) for p in range(n_win)]
        s = [pl.multiple_of(jnp.minimum(start + woff[p], _N - rows[p]), 32)
             for p in range(n_win)]

        ih = [[pltpu.async_copy(idx_hbm.at[pl.ds(s[p] + j * _CH, _CH)],
                                idx_v.at[pl.ds(woff[p] + j * _CH, _CH)], isem)
               for j in range(rows[p] // _CH)] for p in range(n_win)]

        @pl.when(sid == 0)
        def _():
            pltpu.sync_copy(table_hbm, tab_s)
        plsc.subcore_barrier()

        nbuf = 2
        bufs = (buf_a, buf_b)
        gsems = (gsem_a, gsem_b)
        ssems = (ssem_a, ssem_b)
        gh = [[] for _ in range(n_win)]
        sh = [None] * n_win
        sh2 = [None] * n_win

        def issue_stores(p):
            b = p % nbuf
            src = bufs[b].at[pl.ds(0, rows[p])] if rows[p] != _BW else bufs[b]
            sh[p] = pltpu.async_copy(
                src, out_hbm.at[pl.ds(s[p], rows[p])], ssems[b])
            sh2[p] = pltpu.async_copy(
                src, out2_hbm.at[pl.ds(s[p], rows[p])], ssems[b])

        for p in range(n_win):
            b = p % nbuf
            if p >= nbuf:
                sh[p - nbuf].wait()
                sh2[p - nbuf].wait()
            for h in ih[p]:
                h.wait()
            for j in range(rows[p] // _CH):
                gh[p].append(pltpu.async_copy(
                    tab_s.at[idx_v.at[pl.ds(woff[p] + j * _CH, _CH)]],
                    bufs[b].at[pl.ds(j * _CH, _CH)], gsems[b]))
            if p >= 1:
                for h in gh[p - 1]:
                    h.wait()
                issue_stores(p - 1)
        last = n_win - 1
        for h in gh[last]:
            h.wait()
        issue_stores(last)
        for p in range(max(0, n_win - nbuf), n_win):
            sh[p].wait()
            sh2[p].wait()

    return gather_k


def kernel(atom_types, extra_table, W_onehot, electron_config, W_config, W1):
    table = _fused_table(extra_table, W_onehot, electron_config, W_config, W1)
    out, out2 = _make_gather()(atom_types.astype(jnp.int32), table)
    return out, out2

# --- scband reference (transcript-rebuilt; emitter-appended) ---
"""Pipeline reference for scband-nuclear-charge-embedding-21457656610961 (READ-ONLY COPY).

The authoritative reference and input builder live on the scoring server;
editing this copy changes nothing except your own understanding.
"""

import jax, jax.numpy as jnp
import numpy as np

NUM_TYPES = 87
NUM_FEATURES = 128
CONFIG_DIM = 20
N_NODES = 100000


def setup_inputs(seed: int = 0) -> dict:
    key = jax.random.key(seed)
    k1, k2, k3, k4, k5, k6 = jax.random.split(key, 6)
    atom_types = jax.random.randint(k1, (N_NODES,), 0, NUM_TYPES, dtype=jnp.int64 if jax.config.read('jax_enable_x64') else jnp.int32).astype(jnp.int32)
    # learned parameters
    extra_table = jax.random.normal(k2, (NUM_TYPES, NUM_FEATURES), dtype=jnp.float32) * 0.02
    # one_hot_embedding is Linear(num_types, num_features, bias=False); applied to identity
    # one-hot matrix it simply yields W^T, which we store directly as [num_types, num_features]
    W_onehot = jax.random.normal(k3, (NUM_TYPES, NUM_FEATURES), dtype=jnp.float32) * 0.02
    # electron_config buffer [num_types, config_dim] (non-negative occupations)
    electron_config = jax.random.uniform(k4, (NUM_TYPES, CONFIG_DIM), dtype=jnp.float32) * 2.0
    # config_embedding: Linear(config_dim, num_features, bias=False) -> weight [num_features, config_dim]
    W_config = jax.random.normal(k5, (NUM_FEATURES, CONFIG_DIM), dtype=jnp.float32) * 0.02
    # linear1: Linear(3*num_features, num_features, bias=False) -> weight [num_features, 3*num_features]
    W1 = jax.random.normal(k6, (NUM_FEATURES, 3 * NUM_FEATURES), dtype=jnp.float32) * 0.02
    return {
        'atom_types': atom_types,
        'extra_table': extra_table,
        'W_onehot': W_onehot,
        'electron_config': electron_config,
        'W_config': W_config,
        'W1': W1,
    }


def reference(atom_types, extra_table, W_onehot, electron_config, W_config, W1):
    # nn.Embedding lookup
    value_extra = jnp.take(extra_table, atom_types, axis=0)            # [N, F]
    # one_hot_embedding(one_hot)[idx] == W_onehot[idx]
    value_one_hot = jnp.take(W_onehot, atom_types, axis=0)             # [N, F]
    # config_embedding(electron_config)[idx]
    config_proj = electron_config @ W_config.T                          # [num_types, F]
    value_config = jnp.take(config_proj, atom_types, axis=0)           # [N, F]
    # use_concat=True path
    node_attrs = jnp.concatenate((value_extra, value_one_hot, value_config), axis=1)  # [N, 3F]
    node_attrs = node_attrs @ W1.T                                     # [N, F]
    # set_features=True: node_features is computed identically
    node_features = node_attrs
    return node_attrs, node_features

if __name__ == "__main__":
    import jax
    _d = setup_inputs()
    print(jax.jit(kernel)(*tuple(_d.values())))

</pallas_src>

<mosaic_0001>
#map = affine_map<(d0, d1) -> (0)>
#map1 = affine_map<(d0, d1) -> (0, 0)>
module attributes {stable_mosaic.version = 14 : i64} {
  func.func @gather_k(%arg0: i32, %arg1: i32, %arg2: memref<100000xi32, #tpu.memory_space<hbm>>, %arg3: memref<87x128xf32, #tpu.memory_space<hbm>>, %arg4: memref<100000x128xf32, #tpu.memory_space<hbm>>, %arg5: memref<100000x128xf32, #tpu.memory_space<hbm>>, %arg6: memref<3200xi32, #tpu.memory_space<vmem>>, %arg7: memref<256x128xf32, #tpu.memory_space<vmem>>, %arg8: memref<256x128xf32, #tpu.memory_space<vmem>>, %arg9: memref<87x128xf32, #tpu.memory_space<vmem_shared>>, %arg10: memref<!tpu.dma_semaphore, #tpu.memory_space<semaphore_mem>>, %arg11: memref<!tpu.dma_semaphore, #tpu.memory_space<semaphore_mem>>, %arg12: memref<!tpu.dma_semaphore, #tpu.memory_space<semaphore_mem>>, %arg13: memref<!tpu.dma_semaphore, #tpu.memory_space<semaphore_mem>>, %arg14: memref<!tpu.dma_semaphore, #tpu.memory_space<semaphore_mem>>) attributes {dimension_semantics = [#tpu.dimension_semantics<core_parallel>, #tpu.dimension_semantics<subcore_parallel>], iteration_bounds = array<i64: 2, 16>, scalar_prefetch = 0 : i64, scratch_operands = 9 : i64, tpu.core_type = #tpu.core_type<sc_vector_subcore>, window_params = [{transform_indices = #map}, {transform_indices = #map1}, {transform_indices = #map1}, {transform_indices = #map1}]} {
    %mul3A = arith.constant 2 : i32
    %mul3A_0 = arith.muli %arg1, %mul3A : i32
    %add3A = arith.addi %mul3A_0, %arg0 : i32
    %mul3A_1 = arith.constant 3200 : i32
    %mul3A_2 = arith.muli %add3A, %mul3A_1 : i32
    %add3A_3 = arith.constant 0 : i32
    %add3A_4 = arith.addi %mul3A_2, %add3A_3 : i32
    %min3A = arith.constant 99744 : i32
    %min3A_5 = arith.minsi %add3A_4, %min3A : i32
    %multiple_of3A = tpu.assume_multiple %min3A_5, 32 : i32
    %add3A_6 = arith.constant 256 : i32
    %add3A_7 = arith.addi %mul3A_2, %add3A_6 : i32
    %min3A_8 = arith.constant 99744 : i32
    %min3A_9 = arith.minsi %add3A_7, %min3A_8 : i32
    %multiple_of3A_10 = tpu.assume_multiple %min3A_9, 32 : i32
    %add3A_11 = arith.constant 512 : i32
    %add3A_12 = arith.addi %mul3A_2, %add3A_11 : i32
    %min3A_13 = arith.constant 99744 : i32
    %min3A_14 = arith.minsi %add3A_12, %min3A_13 : i32
    %multiple_of3A_15 = tpu.assume_multiple %min3A_14, 32 : i32
    %add3A_16 = arith.constant 768 : i32
    %add3A_17 = arith.addi %mul3A_2, %add3A_16 : i32
    %min3A_18 = arith.constant 99744 : i32
    %min3A_19 = arith.minsi %add3A_17, %min3A_18 : i32
    %multiple_of3A_20 = tpu.assume_multiple %min3A_19, 32 : i32
    %add3A_21 = arith.constant 1024 : i32
    %add3A_22 = arith.addi %mul3A_2, %add3A_21 : i32
    %min3A_23 = arith.constant 99744 : i32
    %min3A_24 = arith.minsi %add3A_22, %min3A_23 : i32
    %multiple_of3A_25 = tpu.assume_multiple %min3A_24, 32 : i32
    %add3A_26 = arith.constant 1280 : i32
    %add3A_27 = arith.addi %mul3A_2, %add3A_26 : i32
    %min3A_28 = arith.constant 99744 : i32
    %min3A_29 = arith.minsi %add3A_27, %min3A_28 : i32
    %multiple_of3A_30 = tpu.assume_multiple %min3A_29, 32 : i32
    %add3A_31 = arith.constant 1536 : i32
    %add3A_32 = arith.addi %mul3A_2, %add3A_31 : i32
    %min3A_33 = arith.constant 99744 : i32
    %min3A_34 = arith.minsi %add3A_32, %min3A_33 : i32
    %multiple_of3A_35 = tpu.assume_multiple %min3A_34, 32 : i32
    %add3A_36 = arith.constant 1792 : i32
    %add3A_37 = arith.addi %mul3A_2, %add3A_36 : i32
    %min3A_38 = arith.constant 99744 : i32
    %min3A_39 = arith.minsi %add3A_37, %min3A_38 : i32
    %multiple_of3A_40 = tpu.assume_multiple %min3A_39, 32 : i32
    %add3A_41 = arith.constant 2048 : i32
    %add3A_42 = arith.addi %mul3A_2, %add3A_41 : i32
    %min3A_43 = arith.constant 99744 : i32
    %min3A_44 = arith.minsi %add3A_42, %min3A_43 : i32
    %multiple_of3A_45 = tpu.assume_multiple %min3A_44, 32 : i32
    %add3A_46 = arith.constant 2304 : i32
    %add3A_47 = arith.addi %mul3A_2, %add3A_46 : i32
    %min3A_48 = arith.constant 99744 : i32
    %min3A_49 = arith.minsi %add3A_47, %min3A_48 : i32
    %multiple_of3A_50 = tpu.assume_multiple %min3A_49, 32 : i32
    %add3A_51 = arith.constant 2560 : i32
    %add3A_52 = arith.addi %mul3A_2, %add3A_51 : i32
    %min3A_53 = arith.constant 99744 : i32
    %min3A_54 = arith.minsi %add3A_52, %min3A_53 : i32
    %multiple_of3A_55 = tpu.assume_multiple %min3A_54, 32 : i32
    %add3A_56 = arith.constant 2816 : i32
    %add3A_57 = arith.addi %mul3A_2, %add3A_56 : i32
    %min3A_58 = arith.constant 99744 : i32
    %min3A_59 = arith.minsi %add3A_57, %min3A_58 : i32
    %multiple_of3A_60 = tpu.assume_multiple %min3A_59, 32 : i32
    %add3A_61 = arith.constant 3072 : i32
    %add3A_62 = arith.addi %mul3A_2, %add3A_61 : i32
    %min3A_63 = arith.constant 99872 : i32
    %min3A_64 = arith.minsi %add3A_62, %min3A_63 : i32
    %multiple_of3A_65 = tpu.assume_multiple %min3A_64, 32 : i32
    %add3A_66 = arith.constant 0 : i32
    %add3A_67 = arith.addi %multiple_of3A, %add3A_66 : i32
    %dma_start3A = arith.constant 0 : i32
    %dma_start3A_68 = tpu.memref_slice %arg6[%dma_start3A] : memref<3200xi32, #tpu.memory_space<vmem>> -> memref<128xi32, #tpu.memory_space<vmem>>
    %dma_start3A_69 = tpu.memref_slice %arg2[%add3A_67] : memref<100000xi32, #tpu.memory_space<hbm>> -> memref<128xi32, #tpu.memory_space<hbm>>
    %dma_start3A_70 = arith.constant 0 : i32
    %dma_start3A_71 = tpu.memref_slice %arg6[%dma_start3A_70] : memref<3200xi32, #tpu.memory_space<vmem>> -> memref<128xi32, #tpu.memory_space<vmem>>
    %dma_start3A_72 = tpu.memref_slice %arg2[%add3A_67] : memref<100000xi32, #tpu.memory_space<hbm>> -> memref<128xi32, #tpu.memory_space<hbm>>
    tpu.enqueue_dma source(%dma_start3A_72 : memref<128xi32, #tpu.memory_space<hbm>>) target(%dma_start3A_71 : memref<128xi32, #tpu.memory_space<vmem>>) target_semaphore(%arg10 : memref<!tpu.dma_semaphore, #tpu.memory_space<semaphore_mem>>)
    %add3A_73 = arith.constant 128 : i32
    %add3A_74 = arith.addi %multiple_of3A, %add3A_73 : i32
    %dma_start3A_75 = arith.constant 128 : i32
    %dma_start3A_76 = tpu.memref_slice %arg6[%dma_start3A_75] : memref<3200xi32, #tpu.memory_space<vmem>> -> memref<128xi32, #tpu.memory_space<vmem>>
    %dma_start3A_77 = tpu.memref_slice %arg2[%add3A_74] : memref<100000xi32, #tpu.memory_space<hbm>> -> memref<128xi32, #tpu.memory_space<hbm>>
    %dma_start3A_78 = arith.constant 128 : i32
    %dma_start3A_79 = tpu.memref_slice %arg6[%dma_start3A_78] : memref<3200xi32, #tpu.memory_space<vmem>> -> memref<128xi32, #tpu.memory_space<vmem>>
    %dma_start3A_80 = tpu.memref_slice %arg2[%add3A_74] : memref<100000xi32, #tpu.memory_space<hbm>> -> memref<128xi32, #tpu.memory_space<hbm>>
    tpu.enqueue_dma source(%dma_start3A_80 : memref<128xi32, #tpu.memory_space<hbm>>) target(%dma_start3A_79 : memref<128xi32, #tpu.memory_space<vmem>>) target_semaphore(%arg10 : memref<!tpu.dma_semaphore, #tpu.memory_space<semaphore_mem>>)
    %add3A_81 = arith.constant 0 : i32
    %add3A_82 = arith.addi %multiple_of3A_10, %add3A_81 : i32
    %dma_start3A_83 = arith.constant 256 : i32
    %dma_start3A_84 = tpu.memref_slice %arg6[%dma_start3A_83] : memref<3200xi32, #tpu.memory_space<vmem>> -> memref<128xi32, #tpu.memory_space<vmem>>
    %dma_start3A_85 = tpu.memref_slice %arg2[%add3A_82] : memref<100000xi32, #tpu.memory_space<hbm>> -> memref<128xi32, #tpu.memory_space<hbm>>
    %dma_start3A_86 = arith.constant 256 : i32
    %dma_start3A_87 = tpu.memref_slice %arg6[%dma_start3A_86] : memref<3200xi32, #tpu.memory_space<vmem>> -> memref<128xi32, #tpu.memory_space<vmem>>
    %dma_start3A_88 = tpu.memref_slice %arg2[%add3A_82] : memref<100000xi32, #tpu.memory_space<hbm>> -> memref<128xi32, #tpu.memory_space<hbm>>
    tpu.enqueue_dma source(%dma_start3A_88 : memref<128xi32, #tpu.memory_space<hbm>>) target(%dma_start3A_87 : memref<128xi32, #tpu.memory_space<vmem>>) target_semaphore(%arg10 : memref<!tpu.dma_semaphore, #tpu.memory_space<semaphore_mem>>)
    %add3A_89 = arith.constant 128 : i32
    %add3A_90 = arith.addi %multiple_of3A_10, %add3A_89 : i32
    %dma_start3A_91 = arith.constant 384 : i32
    %dma_start3A_92 = tpu.memref_slice %arg6[%dma_start3A_91] : memref<3200xi32, #tpu.memory_space<vmem>> -> memref<128xi32, #tpu.memory_space<vmem>>
    %dma_start3A_93 = tpu.memref_slice %arg2[%add3A_90] : memref<100000xi32, #tpu.memory_space<hbm>> -> memref<128xi32, #tpu.memory_space<hbm>>
    %dma_start3A_94 = arith.constant 384 : i32
    %dma_start3A_95 = tpu.memref_slice %arg6[%dma_start3A_94] : memref<3200xi32, #tpu.memory_space<vmem>> -> memref<128xi32, #tpu.memory_space<vmem>>
    %dma_start3A_96 = tpu.memref_slice %arg2[%add3A_90] : memref<100000xi32, #tpu.memory_space<hbm>> -> memref<128xi32, #tpu.memory_space<hbm>>
    tpu.enqueue_dma source(%dma_start3A_96 : memref<128xi32, #tpu.memory_space<hbm>>) target(%dma_start3A_95 : memref<128xi32, #tpu.memory_space<vmem>>) target_semaphore(%arg10 : memref<!tpu.dma_semaphore, #tpu.memory_space<semaphore_mem>>)
    %add3A_97 = arith.constant 0 : i32
    %add3A_98 = arith.addi %multiple_of3A_15, %add3A_97 : i32
    %dma_start3A_99 = arith.constant 512 : i32
    %dma_start3A_100 = tpu.memref_slice %arg6[%dma_start3A_99] : memref<3200xi32, #tpu.memory_space<vmem>> -> memref<128xi32, #tpu.memory_space<vmem>>
    %dma_start3A_101 = tpu.memref_slice %arg2[%add3A_98] : memref<100000xi32, #tpu.memory_space<hbm>> -> memref<128xi32, #tpu.memory_space<hbm>>
    %dma_start3A_102 = arith.constant 512 : i32
    %dma_start3A_103 = tpu.memref_slice %arg6[%dma_start3A_102] : memref<3200xi32, #tpu.memory_space<vmem>> -> memref<128xi32, #tpu.memory_space<vmem>>
    %dma_start3A_104 = tpu.memref_slice %arg2[%add3A_98] : memref<100000xi32, #tpu.memory_space<hbm>> -> memref<128xi32, #tpu.memory_space<hbm>>
    tpu.enqueue_dma source(%dma_start3A_104 : memref<128xi32, #tpu.memory_space<hbm>>) target(%dma_start3A_103 : memref<128xi32, #tpu.memory_space<vmem>>) target_semaphore(%arg10 : memref<!tpu.dma_semaphore, #tpu.memory_space<semaphore_mem>>)
    %add3A_105 = arith.constant 128 : i32
    %add3A_106 = arith.addi %multiple_of3A_15, %add3A_105 : i32
    %dma_start3A_107 = arith.constant 640 : i32
    %dma_start3A_108 = tpu.memref_slice %arg6[%dma_start3A_107] : memref<3200xi32, #tpu.memory_space<vmem>> -> memref<128xi32, #tpu.memory_space<vmem>>
    %dma_start3A_109 = tpu.memref_slice %arg2[%add3A_106] : memref<100000xi32, #tpu.memory_space<hbm>> -> memref<128xi32, #tpu.memory_space<hbm>>
    %dma_start3A_110 = arith.constant 640 : i32
    %dma_start3A_111 = tpu.memref_slice %arg6[%dma_start3A_110] : memref<3200xi32, #tpu.memory_space<vmem>> -> memref<128xi32, #tpu.memory_space<vmem>>
    %dma_start3A_112 = tpu.memref_slice %arg2[%add3A_106] : memref<100000xi32, #tpu.memory_space<hbm>> -> memref<128xi32, #tpu.memory_space<hbm>>
    tpu.enqueue_dma source(%dma_start3A_112 : memref<128xi32, #tpu.memory_space<hbm>>) target(%dma_start3A_111 : memref<128xi32, #tpu.memory_space<vmem>>) target_semaphore(%arg10 : memref<!tpu.dma_semaphore, #tpu.memory_space<semaphore_mem>>)
    %add3A_113 = arith.constant 0 : i32
    %add3A_114 = arith.addi %multiple_of3A_20, %add3A_113 : i32
    %dma_start3A_115 = arith.constant 768 : i32
    %dma_start3A_116 = tpu.memref_slice %arg6[%dma_start3A_115] : memref<3200xi32, #tpu.memory_space<vmem>> -> memref<128xi32, #tpu.memory_space<vmem>>
    %dma_start3A_117 = tpu.memref_slice %arg2[%add3A_114] : memref<100000xi32, #tpu.memory_space<hbm>> -> memref<128xi32, #tpu.memory_space<hbm>>
    %dma_start3A_118 = arith.constant 768 : i32
    %dma_start3A_119 = tpu.memref_slice %arg6[%dma_start3A_118] : memref<3200xi32, #tpu.memory_space<vmem>> -> memref<128xi32, #tpu.memory_space<vmem>>
    %dma_start3A_120 = tpu.memref_slice %arg2[%add3A_114] : memref<100000xi32, #tpu.memory_space<hbm>> -> memref<128xi32, #tpu.memory_space<hbm>>
    tpu.enqueue_dma source(%dma_start3A_120 : memref<128xi32, #tpu.memory_space<hbm>>) target(%dma_start3A_119 : memref<128xi32, #tpu.memory_space<vmem>>) target_semaphore(%arg10 : memref<!tpu.dma_semaphore, #tpu.memory_space<semaphore_mem>>)
    %add3A_121 = arith.constant 128 : i32
    %add3A_122 = arith.addi %multiple_of3A_20, %add3A_121 : i32
    %dma_start3A_123 = arith.constant 896 : i32
    %dma_start3A_124 = tpu.memref_slice %arg6[%dma_start3A_123] : memref<3200xi32, #tpu.memory_space<vmem>> -> memref<128xi32, #tpu.memory_space<vmem>>
    %dma_start3A_125 = tpu.memref_slice %arg2[%add3A_122] : memref<100000xi32, #tpu.memory_space<hbm>> -> memref<128xi32, #tpu.memory_space<hbm>>
    %dma_start3A_126 = arith.constant 896 : i32
    %dma_start3A_127 = tpu.memref_slice %arg6[%dma_start3A_126] : memref<3200xi32, #tpu.memory_space<vmem>> -> memref<128xi32, #tpu.memory_space<vmem>>
    %dma_start3A_128 = tpu.memref_slice %arg2[%add3A_122] : memref<100000xi32, #tpu.memory_space<hbm>> -> memref<128xi32, #tpu.memory_space<hbm>>
    tpu.enqueue_dma source(%dma_start3A_128 : memref<128xi32, #tpu.memory_space<hbm>>) target(%dma_start3A_127 : memref<128xi32, #tpu.memory_space<vmem>>) target_semaphore(%arg10 : memref<!tpu.dma_semaphore, #tpu.memory_space<semaphore_mem>>)
    %add3A_129 = arith.constant 0 : i32
    %add3A_130 = arith.addi %multiple_of3A_25, %add3A_129 : i32
    %dma_start3A_131 = arith.constant 1024 : i32
    %dma_start3A_132 = tpu.memref_slice %arg6[%dma_start3A_131] : memref<3200xi32, #tpu.memory_space<vmem>> -> memref<128xi32, #tpu.memory_space<vmem>>
    %dma_start3A_133 = tpu.memref_slice %arg2[%add3A_130] : memref<100000xi32, #tpu.memory_space<hbm>> -> memref<128xi32, #tpu.memory_space<hbm>>
    %dma_start3A_134 = arith.constant 1024 : i32
    %dma_start3A_135 = tpu.memref_slice %arg6[%dma_start3A_134] : memref<3200xi32, #tpu.memory_space<vmem>> -> memref<128xi32, #tpu.memory_space<vmem>>
    %dma_start3A_136 = tpu.memref_slice %arg2[%add3A_130] : memref<100000xi32, #tpu.memory_space<hbm>> -> memref<128xi32, #tpu.memory_space<hbm>>
    tpu.enqueue_dma source(%dma_start3A_136 : memref<128xi32, #tpu.memory_space<hbm>>) target(%dma_start3A_135 : memref<128xi32, #tpu.memory_space<vmem>>) target_semaphore(%arg10 : memref<!tpu.dma_semaphore, #tpu.memory_space<semaphore_mem>>)
    %add3A_137 = arith.constant 128 : i32
    %add3A_138 = arith.addi %multiple_of3A_25, %add3A_137 : i32
    %dma_start3A_139 = arith.constant 1152 : i32
    %dma_start3A_140 = tpu.memref_slice %arg6[%dma_start3A_139] : memref<3200xi32, #tpu.memory_space<vmem>> -> memref<128xi32, #tpu.memory_space<vmem>>
    %dma_start3A_141 = tpu.memref_slice %arg2[%add3A_138] : memref<100000xi32, #tpu.memory_space<hbm>> -> memref<128xi32, #tpu.memory_space<hbm>>
    %dma_start3A_142 = arith.constant 1152 : i32
    %dma_start3A_143 = tpu.memref_slice %arg6[%dma_start3A_142] : memref<3200xi32, #tpu.memory_space<vmem>> -> memref<128xi32, #tpu.memory_space<vmem>>
    %dma_start3A_144 = tpu.memref_slice %arg2[%add3A_138] : memref<100000xi32, #tpu.memory_space<hbm>> -> memref<128xi32, #tpu.memory_space<hbm>>
    tpu.enqueue_dma source(%dma_start3A_144 : memref<128xi32, #tpu.memory_space<hbm>>) target(%dma_start3A_143 : memref<128xi32, #tpu.memory_space<vmem>>) target_semaphore(%arg10 : memref<!tpu.dma_semaphore, #tpu.memory_space<semaphore_mem>>)
    %add3A_145 = arith.constant 0 : i32
    %add3A_146 = arith.addi %multiple_of3A_30, %add3A_145 : i32
    %dma_start3A_147 = arith.constant 1280 : i32
    %dma_start3A_148 = tpu.memref_slice %arg6[%dma_start3A_147] : memref<3200xi32, #tpu.memory_space<vmem>> -> memref<128xi32, #tpu.memory_space<vmem>>
    %dma_start3A_149 = tpu.memref_slice %arg2[%add3A_146] : memref<100000xi32, #tpu.memory_space<hbm>> -> memref<128xi32, #tpu.memory_space<hbm>>
    %dma_start3A_150 = arith.constant 1280 : i32
    %dma_start3A_151 = tpu.memref_slice %arg6[%dma_start3A_150] : memref<3200xi32, #tpu.memory_space<vmem>> -> memref<128xi32, #tpu.memory_space<vmem>>
    %dma_start3A_152 = tpu.memref_slice %arg2[%add3A_146] : memref<100000xi32, #tpu.memory_space<hbm>> -> memref<128xi32, #tpu.memory_space<hbm>>
    tpu.enqueue_dma source(%dma_start3A_152 : memref<128xi32, #tpu.memory_space<hbm>>) target(%dma_start3A_151 : memref<128xi32, #tpu.memory_space<vmem>>) target_semaphore(%arg10 : memref<!tpu.dma_semaphore, #tpu.memory_space<semaphore_mem>>)
    %add3A_153 = arith.constant 128 : i32
    %add3A_154 = arith.addi %multiple_of3A_30, %add3A_153 : i32
    %dma_start3A_155 = arith.constant 1408 : i32
    %dma_start3A_156 = tpu.memref_slice %arg6[%dma_start3A_155] : memref<3200xi32, #tpu.memory_space<vmem>> -> memref<128xi32, #tpu.memory_space<vmem>>
    %dma_start3A_157 = tpu.memref_slice %arg2[%add3A_154] : memref<100000xi32, #tpu.memory_space<hbm>> -> memref<128xi32, #tpu.memory_space<hbm>>
    %dma_start3A_158 = arith.constant 1408 : i32
    %dma_start3A_159 = tpu.memref_slice %arg6[%dma_start3A_158] : memref<3200xi32, #tpu.memory_space<vmem>> -> memref<128xi32, #tpu.memory_space<vmem>>
    %dma_start3A_160 = tpu.memref_slice %arg2[%add3A_154] : memref<100000xi32, #tpu.memory_space<hbm>> -> memref<128xi32, #tpu.memory_space<hbm>>
    tpu.enqueue_dma source(%dma_start3A_160 : memref<128xi32, #tpu.memory_space<hbm>>) target(%dma_start3A_159 : memref<128xi32, #tpu.memory_space<vmem>>) target_semaphore(%arg10 : memref<!tpu.dma_semaphore, #tpu.memory_space<semaphore_mem>>)
    %add3A_161 = arith.constant 0 : i32
    %add3A_162 = arith.addi %multiple_of3A_35, %add3A_161 : i32
    %dma_start3A_163 = arith.constant 1536 : i32
    %dma_start3A_164 = tpu.memref_slice %arg6[%dma_start3A_163] : memref<3200xi32, #tpu.memory_space<vmem>> -> memref<128xi32, #tpu.memory_space<vmem>>
    %dma_start3A_165 = tpu.memref_slice %arg2[%add3A_162] : memref<100000xi32, #tpu.memory_space<hbm>> -> memref<128xi32, #tpu.memory_space<hbm>>
    %dma_start3A_166 = arith.constant 1536 : i32
    %dma_start3A_167 = tpu.memref_slice %arg6[%dma_start3A_166] : memref<3200xi32, #tpu.memory_space<vmem>> -> memref<128xi32, #tpu.memory_space<vmem>>
    %dma_start3A_168 = tpu.memref_slice %arg2[%add3A_162] : memref<100000xi32, #tpu.memory_space<hbm>> -> memref<128xi32, #tpu.memory_space<hbm>>
    tpu.enqueue_dma source(%dma_start3A_168 : memref<128xi32, #tpu.memory_space<hbm>>) target(%dma_start3A_167 : memref<128xi32, #tpu.memory_space<vmem>>) target_semaphore(%arg10 : memref<!tpu.dma_semaphore, #tpu.memory_space<semaphore_mem>>)
    %add3A_169 = arith.constant 128 : i32
    %add3A_170 = arith.addi %multiple_of3A_35, %add3A_169 : i32
    %dma_start3A_171 = arith.constant 1664 : i32
    %dma_start3A_172 = tpu.memref_slice %arg6[%dma_start3A_171] : memref<3200xi32, #tpu.memory_space<vmem>> -> memref<128xi32, #tpu.memory_space<vmem>>
    %dma_start3A_173 = tpu.memref_slice %arg2[%add3A_170] : memref<100000xi32, #tpu.memory_space<hbm>> -> memref<128xi32, #tpu.memory_space<hbm>>
    %dma_start3A_174 = arith.constant 1664 : i32
    %dma_start3A_175 = tpu.memref_slice %arg6[%dma_start3A_174] : memref<3200xi32, #tpu.memory_space<vmem>> -> memref<128xi32, #tpu.memory_space<vmem>>
    %dma_start3A_176 = tpu.memref_slice %arg2[%add3A_170] : memref<100000xi32, #tpu.memory_space<hbm>> -> memref<128xi32, #tpu.memory_space<hbm>>
    tpu.enqueue_dma source(%dma_start3A_176 : memref<128xi32, #tpu.memory_space<hbm>>) target(%dma_start3A_175 : memref<128xi32, #tpu.memory_space<vmem>>) target_semaphore(%arg10 : memref<!tpu.dma_semaphore, #tpu.memory_space<semaphore_mem>>)
    %add3A_177 = arith.constant 0 : i32
    %add3A_178 = arith.addi %multiple_of3A_40, %add3A_177 : i32
    %dma_start3A_179 = arith.constant 1792 : i32
    %dma_start3A_180 = tpu.memref_slice %arg6[%dma_start3A_179] : memref<3200xi32, #tpu.memory_space<vmem>> -> memref<128xi32, #tpu.memory_space<vmem>>
    %dma_start3A_181 = tpu.memref_slice %arg2[%add3A_178] : memref<100000xi32, #tpu.memory_space<hbm>> -> memref<128xi32, #tpu.memory_space<hbm>>
    %dma_start3A_182 = arith.constant 1792 : i32
    %dma_start3A_183 = tpu.memref_slice %arg6[%dma_start3A_182] : memref<3200xi32, #tpu.memory_space<vmem>> -> memref<128xi32, #tpu.memory_space<vmem>>
    %dma_start3A_184 = tpu.memref_slice %arg2[%add3A_178] : memref<100000xi32, #tpu.memory_space<hbm>> -> memref<128xi32, #tpu.memory_space<hbm>>
    tpu.enqueue_dma source(%dma_start3A_184 : memref<128xi32, #tpu.memory_space<hbm>>) target(%dma_start3A_183 : memref<128xi32, #tpu.memory_space<vmem>>) target_semaphore(%arg10 : memref<!tpu.dma_semaphore, #tpu.memory_space<semaphore_mem>>)
    %add3A_185 = arith.constant 128 : i32
    %add3A_186 = arith.addi %multiple_of3A_40, %add3A_185 : i32
    %dma_start3A_187 = arith.constant 1920 : i32
    %dma_start3A_188 = tpu.memref_slice %arg6[%dma_start3A_187] : memref<3200xi32, #tpu.memory_space<vmem>> -> memref<128xi32, #tpu.memory_space<vmem>>
    %dma_start3A_189 = tpu.memref_slice %arg2[%add3A_186] : memref<100000xi32, #tpu.memory_space<hbm>> -> memref<128xi32, #tpu.memory_space<hbm>>
    %dma_start3A_190 = arith.constant 1920 : i32
    %dma_start3A_191 = tpu.memref_slice %arg6[%dma_start3A_190] : memref<3200xi32, #tpu.memory_space<vmem>> -> memref<128xi32, #tpu.memory_space<vmem>>
    %dma_start3A_192 = tpu.memref_slice %arg2[%add3A_186] : memref<100000xi32, #tpu.memory_space<hbm>> -> memref<128xi32, #tpu.memory_space<hbm>>
    tpu.enqueue_dma source(%dma_start3A_192 : memref<128xi32, #tpu.memory_space<hbm>>) target(%dma_start3A_191 : memref<128xi32, #tpu.memory_space<vmem>>) target_semaphore(%arg10 : memref<!tpu.dma_semaphore, #tpu.memory_space<semaphore_mem>>)
    %add3A_193 = arith.constant 0 : i32
    %add3A_194 = arith.addi %multiple_of3A_45, %add3A_193 : i32
    %dma_start3A_195 = arith.constant 2048 : i32
    %dma_start3A_196 = tpu.memref_slice %arg6[%dma_start3A_195] : memref<3200xi32, #tpu.memory_space<vmem>> -> memref<128xi32, #tpu.memory_space<vmem>>
    %dma_start3A_197 = tpu.memref_slice %arg2[%add3A_194] : memref<100000xi32, #tpu.memory_space<hbm>> -> memref<128xi32, #tpu.memory_space<hbm>>
    %dma_start3A_198 = arith.constant 2048 : i32
    %dma_start3A_199 = tpu.memref_slice %arg6[%dma_start3A_198] : memref<3200xi32, #tpu.memory_space<vmem>> -> memref<128xi32, #tpu.memory_space<vmem>>
    %dma_start3A_200 = tpu.memref_slice %arg2[%add3A_194] : memref<100000xi32, #tpu.memory_space<hbm>> -> memref<128xi32, #tpu.memory_space<hbm>>
    tpu.enqueue_dma source(%dma_start3A_200 : memref<128xi32, #tpu.memory_space<hbm>>) target(%dma_start3A_199 : memref<128xi32, #tpu.memory_space<vmem>>) target_semaphore(%arg10 : memref<!tpu.dma_semaphore, #tpu.memory_space<semaphore_mem>>)
    %add3A_201 = arith.constant 128 : i32
    %add3A_202 = arith.addi %multiple_of3A_45, %add3A_201 : i32
    %dma_start3A_203 = arith.constant 2176 : i32
    %dma_start3A_204 = tpu.memref_slice %arg6[%dma_start3A_203] : memref<3200xi32, #tpu.memory_space<vmem>> -> memref<128xi32, #tpu.memory_space<vmem>>
    %dma_start3A_205 = tpu.memref_slice %arg2[%add3A_202] : memref<100000xi32, #tpu.memory_space<hbm>> -> memref<128xi32, #tpu.memory_space<hbm>>
    %dma_start3A_206 = arith.constant 2176 : i32
    %dma_start3A_207 = tpu.memref_slice %arg6[%dma_start3A_206] : memref<3200xi32, #tpu.memory_space<vmem>> -> memref<128xi32, #tpu.memory_space<vmem>>
    %dma_start3A_208 = tpu.memref_slice %arg2[%add3A_202] : memref<100000xi32, #tpu.memory_space<hbm>> -> memref<128xi32, #tpu.memory_space<hbm>>
    tpu.enqueue_dma source(%dma_start3A_208 : memref<128xi32, #tpu.memory_space<hbm>>) target(%dma_start3A_207 : memref<128xi32, #tpu.memory_space<vmem>>) target_semaphore(%arg10 : memref<!tpu.dma_semaphore, #tpu.memory_space<semaphore_mem>>)
    %add3A_209 = arith.constant 0 : i32
    %add3A_210 = arith.addi %multiple_of3A_50, %add3A_209 : i32
    %dma_start3A_211 = arith.constant 2304 : i32
    %dma_start3A_212 = tpu.memref_slice %arg6[%dma_start3A_211] : memref<3200xi32, #tpu.memory_space<vmem>> -> memref<128xi32, #tpu.memory_space<vmem>>
    %dma_start3A_213 = tpu.memref_slice %arg2[%add3A_210] : memref<100000xi32, #tpu.memory_space<hbm>> -> memref<128xi32, #tpu.memory_space<hbm>>
    %dma_start3A_214 = arith.constant 2304 : i32
    %dma_start3A_215 = tpu.memref_slice %arg6[%dma_start3A_214] : memref<3200xi32, #tpu.memory_space<vmem>> -> memref<128xi32, #tpu.memory_space<vmem>>
    %dma_start3A_216 = tpu.memref_slice %arg2[%add3A_210] : memref<100000xi32, #tpu.memory_space<hbm>> -> memref<128xi32, #tpu.memory_space<hbm>>
    tpu.enqueue_dma source(%dma_start3A_216 : memref<128xi32, #tpu.memory_space<hbm>>) target(%dma_start3A_215 : memref<128xi32, #tpu.memory_space<vmem>>) target_semaphore(%arg10 : memref<!tpu.dma_semaphore, #tpu.memory_space<semaphore_mem>>)
    %add3A_217 = arith.constant 128 : i32
    %add3A_218 = arith.addi %multiple_of3A_50, %add3A_217 : i32
    %dma_start3A_219 = arith.constant 2432 : i32
    %dma_start3A_220 = tpu.memref_slice %arg6[%dma_start3A_219] : memref<3200xi32, #tpu.memory_space<vmem>> -> memref<128xi32, #tpu.memory_space<vmem>>
    %dma_start3A_221 = tpu.memref_slice %arg2[%add3A_218] : memref<100000xi32, #tpu.memory_space<hbm>> -> memref<128xi32, #tpu.memory_space<hbm>>
    %dma_start3A_222 = arith.constant 2432 : i32
    %dma_start3A_223 = tpu.memref_slice %arg6[%dma_start3A_222] : memref<3200xi32, #tpu.memory_space<vmem>> -> memref<128xi32, #tpu.memory_space<vmem>>
    %dma_start3A_224 = tpu.memref_slice %arg2[%add3A_218] : memref<100000xi32, #tpu.memory_space<hbm>> -> memref<128xi32, #tpu.memory_space<hbm>>
    tpu.enqueue_dma source(%dma_start3A_224 : memref<128xi32, #tpu.memory_space<hbm>>) target(%dma_start3A_223 : memref<128xi32, #tpu.memory_space<vmem>>) target_semaphore(%arg10 : memref<!tpu.dma_semaphore, #tpu.memory_space<semaphore_mem>>)
    %add3A_225 = arith.constant 0 : i32
    %add3A_226 = arith.addi %multiple_of3A_55, %add3A_225 : i32
    %dma_start3A_227 = arith.constant 2560 : i32
    %dma_start3A_228 = tpu.memref_slice %arg6[%dma_start3A_227] : memref<3200xi32, #tpu.memory_space<vmem>> -> memref<128xi32, #tpu.memory_space<vmem>>
    %dma_start3A_229 = tpu.memref_slice %arg2[%add3A_226] : memref<100000xi32, #tpu.memory_space<hbm>> -> memref<128xi32, #tpu.memory_space<hbm>>
    %dma_start3A_230 = arith.constant 2560 : i32
    %dma_start3A_231 = tpu.memref_slice %arg6[%dma_start3A_230] : memref<3200xi32, #tpu.memory_space<vmem>> -> memref<128xi32, #tpu.memory_space<vmem>>
    %dma_start3A_232 = tpu.memref_slice %arg2[%add3A_226] : memref<100000xi32, #tpu.memory_space<hbm>> -> memref<128xi32, #tpu.memory_space<hbm>>
    tpu.enqueue_dma source(%dma_start3A_232 : memref<128xi32, #tpu.memory_space<hbm>>) target(%dma_start3A_231 : memref<128xi32, #tpu.memory_space<vmem>>) target_semaphore(%arg10 : memref<!tpu.dma_semaphore, #tpu.memory_space<semaphore_mem>>)
    %add3A_233 = arith.constant 128 : i32
    %add3A_234 = arith.addi %multiple_of3A_55, %add3A_233 : i32
    %dma_start3A_235 = arith.constant 2688 : i32
    %dma_start3A_236 = tpu.memref_slice %arg6[%dma_start3A_235] : memref<3200xi32, #tpu.memory_space<vmem>> -> memref<128xi32, #tpu.memory_space<vmem>>
    %dma_start3A_237 = tpu.memref_slice %arg2[%add3A_234] : memref<100000xi32, #tpu.memory_space<hbm>> -> memref<128xi32, #tpu.memory_space<hbm>>
    %dma_start3A_238 = arith.constant 2688 : i32
    %dma_start3A_239 = tpu.memref_slice %arg6[%dma_start3A_238] : memref<3200xi32, #tpu.memory_space<vmem>> -> memref<128xi32, #tpu.memory_space<vmem>>
    %dma_start3A_240 = tpu.memref_slice %arg2[%add3A_234] : memref<100000xi32, #tpu.memory_space<hbm>> -> memref<128xi32, #tpu.memory_space<hbm>>
    tpu.enqueue_dma source(%dma_start3A_240 : memref<128xi32, #tpu.memory_space<hbm>>) target(%dma_start3A_239 : memref<128xi32, #tpu.memory_space<vmem>>) target_semaphore(%arg10 : memref<!tpu.dma_semaphore, #tpu.memory_space<semaphore_mem>>)
    %add3A_241 = arith.constant 0 : i32
    %add3A_242 = arith.addi %multiple_of3A_60, %add3A_241 : i32
    %dma_start3A_243 = arith.constant 2816 : i32
    %dma_start3A_244 = tpu.memref_slice %arg6[%dma_start3A_243] : memref<3200xi32, #tpu.memory_space<vmem>> -> memref<128xi32, #tpu.memory_space<vmem>>
    %dma_start3A_245 = tpu.memref_slice %arg2[%add3A_242] : memref<100000xi32, #tpu.memory_space<hbm>> -> memref<128xi32, #tpu.memory_space<hbm>>
    %dma_start3A_246 = arith.constant 2816 : i32
    %dma_start3A_247 = tpu.memref_slice %arg6[%dma_start3A_246] : memref<3200xi32, #tpu.memory_space<vmem>> -> memref<128xi32, #tpu.memory_space<vmem>>
    %dma_start3A_248 = tpu.memref_slice %arg2[%add3A_242] : memref<100000xi32, #tpu.memory_space<hbm>> -> memref<128xi32, #tpu.memory_space<hbm>>
    tpu.enqueue_dma source(%dma_start3A_248 : memref<128xi32, #tpu.memory_space<hbm>>) target(%dma_start3A_247 : memref<128xi32, #tpu.memory_space<vmem>>) target_semaphore(%arg10 : memref<!tpu.dma_semaphore, #tpu.memory_space<semaphore_mem>>)
    %add3A_249 = arith.constant 128 : i32
    %add3A_250 = arith.addi %multiple_of3A_60, %add3A_249 : i32
    %dma_start3A_251 = arith.constant 2944 : i32
    %dma_start3A_252 = tpu.memref_slice %arg6[%dma_start3A_251] : memref<3200xi32, #tpu.memory_space<vmem>> -> memref<128xi32, #tpu.memory_space<vmem>>
    %dma_start3A_253 = tpu.memref_slice %arg2[%add3A_250] : memref<100000xi32, #tpu.memory_space<hbm>> -> memref<128xi32, #tpu.memory_space<hbm>>
    %dma_start3A_254 = arith.constant 2944 : i32
    %dma_start3A_255 = tpu.memref_slice %arg6[%dma_start3A_254] : memref<3200xi32, #tpu.memory_space<vmem>> -> memref<128xi32, #tpu.memory_space<vmem>>
    %dma_start3A_256 = tpu.memref_slice %arg2[%add3A_250] : memref<100000xi32, #tpu.memory_space<hbm>> -> memref<128xi32, #tpu.memory_space<hbm>>
    tpu.enqueue_dma source(%dma_start3A_256 : memref<128xi32, #tpu.memory_space<hbm>>) target(%dma_start3A_255 : memref<128xi32, #tpu.memory_space<vmem>>) target_semaphore(%arg10 : memref<!tpu.dma_semaphore, #tpu.memory_space<semaphore_mem>>)
    %add3A_257 = arith.constant 0 : i32
    %add3A_258 = arith.addi %multiple_of3A_65, %add3A_257 : i32
    %dma_start3A_259 = arith.constant 3072 : i32
    %dma_start3A_260 = tpu.memref_slice %arg6[%dma_start3A_259] : memref<3200xi32, #tpu.memory_space<vmem>> -> memref<128xi32, #tpu.memory_space<vmem>>
    %dma_start3A_261 = tpu.memref_slice %arg2[%add3A_258] : memref<100000xi32, #tpu.memory_space<hbm>> -> memref<128xi32, #tpu.memory_space<hbm>>
    %dma_start3A_262 = arith.constant 3072 : i32
    %dma_start3A_263 = tpu.memref_slice %arg6[%dma_start3A_262] : memref<3200xi32, #tpu.memory_space<vmem>> -> memref<128xi32, #tpu.memory_space<vmem>>
    %dma_start3A_264 = tpu.memref_slice %arg2[%add3A_258] : memref<100000xi32, #tpu.memory_space<hbm>> -> memref<128xi32, #tpu.memory_space<hbm>>
    tpu.enqueue_dma source(%dma_start3A_264 : memref<128xi32, #tpu.memory_space<hbm>>) target(%dma_start3A_263 : memref<128xi32, #tpu.memory_space<vmem>>) target_semaphore(%arg10 : memref<!tpu.dma_semaphore, #tpu.memory_space<semaphore_mem>>)
    %eq3A = arith.constant 0 : i32
    %eq3A_265 = arith.cmpi eq, %arg1, %eq3A : i32
    %convert_element_type3A = arith.extui %eq3A_265 : i1 to i32
    %cond3A = arith.constant 0 : i32
    %cond3A_266 = arith.cmpi ne, %convert_element_type3A, %cond3A : i32
    scf.if %cond3A_266 {
      "tpu.region"() ({
        %run_scoped3A = tpu.sem_alloc : memref<!tpu.dma_semaphore, #tpu.memory_space<semaphore_mem>>
        tpu.enqueue_dma source(%arg3 : memref<87x128xf32, #tpu.memory_space<hbm>>) target(%arg9 : memref<87x128xf32, #tpu.memory_space<vmem_shared>>) target_semaphore(%run_scoped3A : memref<!tpu.dma_semaphore, #tpu.memory_space<semaphore_mem>>)
        tpu.wait_dma2 semaphore(%run_scoped3A : memref<!tpu.dma_semaphore, #tpu.memory_space<semaphore_mem>>) src(%arg3 : memref<87x128xf32, #tpu.memory_space<hbm>>) dst(%arg9 : memref<87x128xf32, #tpu.memory_space<vmem_shared>>)
        tpu.yield
      }) : () -> ()
    } else {
    }
    %barrier3A = arith.constant 0 : index
    tpu.barrier barrier_id(%barrier3A)
    %dma_wait3A = arith.constant 0 : i32
    %dma_wait3A_267 = tpu.memref_slice %arg6[%dma_wait3A] : memref<3200xi32, #tpu.memory_space<vmem>> -> memref<128xi32, #tpu.memory_space<vmem>>
    %dma_wait3A_268 = tpu.memref_slice %arg2[%add3A_67] : memref<100000xi32, #tpu.memory_space<hbm>> -> memref<128xi32, #tpu.memory_space<hbm>>
    %dma_wait3A_269 = arith.constant 0 : i32
    %dma_wait3A_270 = tpu.memref_slice %arg6[%dma_wait3A_269] : memref<3200xi32, #tpu.memory_space<vmem>> -> memref<128xi32, #tpu.memory_space<vmem>>
    %dma_wait3A_271 = tpu.memref_slice %arg2[%add3A_67] : memref<100000xi32, #tpu.memory_space<hbm>> -> memref<128xi32, #tpu.memory_space<hbm>>
    tpu.wait_dma2 semaphore(%arg10 : memref<!tpu.dma_semaphore, #tpu.memory_space<semaphore_mem>>) src(%dma_wait3A_271 : memref<128xi32, #tpu.memory_space<hbm>>) dst(%dma_wait3A_270 : memref<128xi32, #tpu.memory_space<vmem>>)
    %dma_wait3A_272 = arith.constant 128 : i32
    %dma_wait3A_273 = tpu.memref_slice %arg6[%dma_wait3A_272] : memref<3200xi32, #tpu.memory_space<vmem>> -> memref<128xi32, #tpu.memory_space<vmem>>
    %dma_wait3A_274 = tpu.memref_slice %arg2[%add3A_74] : memref<100000xi32, #tpu.memory_space<hbm>> -> memref<128xi32, #tpu.memory_space<hbm>>
    %dma_wait3A_275 = arith.constant 128 : i32
    %dma_wait3A_276 = tpu.memref_slice %arg6[%dma_wait3A_275] : memref<3200xi32, #tpu.memory_space<vmem>> -> memref<128xi32, #tpu.memory_space<vmem>>
    %dma_wait3A_277 = tpu.memref_slice %arg2[%add3A_74] : memref<100000xi32, #tpu.memory_space<hbm>> -> memref<128xi32, #tpu.memory_space<hbm>>
    tpu.wait_dma2 semaphore(%arg10 : memref<!tpu.dma_semaphore, #tpu.memory_space<semaphore_mem>>) src(%dma_wait3A_277 : memref<128xi32, #tpu.memory_space<hbm>>) dst(%dma_wait3A_276 : memref<128xi32, #tpu.memory_space<vmem>>)
    %dma_start3A_278 = arith.constant 0 : i32
    %dma_start3A_279 = arith.constant 0 : i32
    %dma_start3A_280 = tpu.memref_slice %arg7[%dma_start3A_278, %dma_start3A_279] : memref<256x128xf32, #tpu.memory_space<vmem>> -> memref<128x128xf32, #tpu.memory_space<vmem>>
    %dma_start3A_281 = arith.constant 0 : i32
    %dma_start3A_282 = tpu.memref_slice %arg6[%dma_start3A_281] : memref<3200xi32, #tpu.memory_space<vmem>> -> memref<128xi32, #tpu.memory_space<vmem>>
    %dma_start3A_283 = arith.constant 0 : i32
    %dma_start3A_284 = arith.constant 0 : i32
    %dma_start3A_285 = tpu.memref_slice %arg9[%dma_start3A_283, %dma_start3A_284] : memref<87x128xf32, #tpu.memory_space<vmem_shared>> -> memref<87x128xf32, #tpu.memory_space<vmem_shared>>
    tpu.enqueue_indirect_dma source(%dma_start3A_285 : memref<87x128xf32, #tpu.memory_space<vmem_shared>>) target(%dma_start3A_280 : memref<128x128xf32, #tpu.memory_space<vmem>>) offsets(%dma_start3A_282 : memref<128xi32, #tpu.memory_space<vmem>>) semaphore(%arg11 : memref<!tpu.dma_semaphore, #tpu.memory_space<semaphore_mem>>)
    %dma_start3A_286 = arith.constant 128 : i32
    %dma_start3A_287 = arith.constant 0 : i32
    %dma_start3A_288 = tpu.memref_slice %arg7[%dma_start3A_286, %dma_start3A_287] : memref<256x128xf32, #tpu.memory_space<vmem>> -> memref<128x128xf32, #tpu.memory_space<vmem>>
    %dma_start3A_289 = arith.constant 128 : i32
    %dma_start3A_290 = tpu.memref_slice %arg6[%dma_start3A_289] : memref<3200xi32, #tpu.memory_space<vmem>> -> memref<128xi32, #tpu.memory_space<vmem>>
    %dma_start3A_291 = arith.constant 0 : i32
    %dma_start3A_292 = arith.constant 0 : i32
    %dma_start3A_293 = tpu.memref_slice %arg9[%dma_start3A_291, %dma_start3A_292] : memref<87x128xf32, #tpu.memory_space<vmem_shared>> -> memref<87x128xf32, #tpu.memory_space<vmem_shared>>
    tpu.enqueue_indirect_dma source(%dma_start3A_293 : memref<87x128xf32, #tpu.memory_space<vmem_shared>>) target(%dma_start3A_288 : memref<128x128xf32, #tpu.memory_space<vmem>>) offsets(%dma_start3A_290 : memref<128xi32, #tpu.memory_space<vmem>>) semaphore(%arg11 : memref<!tpu.dma_semaphore, #tpu.memory_space<semaphore_mem>>)
    %dma_wait3A_294 = arith.constant 256 : i32
    %dma_wait3A_295 = tpu.memref_slice %arg6[%dma_wait3A_294] : memref<3200xi32, #tpu.memory_space<vmem>> -> memref<128xi32, #tpu.memory_space<vmem>>
    %dma_wait3A_296 = tpu.memref_slice %arg2[%add3A_82] : memref<100000xi32, #tpu.memory_space<hbm>> -> memref<128xi32, #tpu.memory_space<hbm>>
    %dma_wait3A_297 = arith.constant 256 : i32
    %dma_wait3A_298 = tpu.memref_slice %arg6[%dma_wait3A_297] : memref<3200xi32, #tpu.memory_space<vmem>> -> memref<128xi32, #tpu.memory_space<vmem>>
    %dma_wait3A_299 = tpu.memref_slice %arg2[%add3A_82] : memref<100000xi32, #tpu.memory_space<hbm>> -> memref<128xi32, #tpu.memory_space<hbm>>
    tpu.wait_dma2 semaphore(%arg10 : memref<!tpu.dma_semaphore, #tpu.memory_space<semaphore_mem>>) src(%dma_wait3A_299 : memref<128xi32, #tpu.memory_space<hbm>>) dst(%dma_wait3A_298 : memref<128xi32, #tpu.memory_space<vmem>>)
    %dma_wait3A_300 = arith.constant 384 : i32
    %dma_wait3A_301 = tpu.memref_slice %arg6[%dma_wait3A_300] : memref<3200xi32, #tpu.memory_space<vmem>> -> memref<128xi32, #tpu.memory_space<vmem>>
    %dma_wait3A_302 = tpu.memref_slice %arg2[%add3A_90] : memref<100000xi32, #tpu.memory_space<hbm>> -> memref<128xi32, #tpu.memory_space<hbm>>
    %dma_wait3A_303 = arith.constant 384 : i32
    %dma_wait3A_304 = tpu.memref_slice %arg6[%dma_wait3A_303] : memref<3200xi32, #tpu.memory_space<vmem>> -> memref<128xi32, #tpu.memory_space<vmem>>
    %dma_wait3A_305 = tpu.memref_slice %arg2[%add3A_90] : memref<100000xi32, #tpu.memory_space<hbm>> -> memref<128xi32, #tpu.memory_space<hbm>>
    tpu.wait_dma2 semaphore(%arg10 : memref<!tpu.dma_semaphore, #tpu.memory_space<semaphore_mem>>) src(%dma_wait3A_305 : memref<128xi32, #tpu.memory_space<hbm>>) dst(%dma_wait3A_304 : memref<128xi32, #tpu.memory_space<vmem>>)
    %dma_start3A_306 = arith.constant 0 : i32
    %dma_start3A_307 = arith.constant 0 : i32
    %dma_start3A_308 = tpu.memref_slice %arg8[%dma_start3A_306, %dma_start3A_307] : memref<256x128xf32, #tpu.memory_space<vmem>> -> memref<128x128xf32, #tpu.memory_space<vmem>>
    %dma_start3A_309 = arith.constant 256 : i32
    %dma_start3A_310 = tpu.memref_slice %arg6[%dma_start3A_309] : memref<3200xi32, #tpu.memory_space<vmem>> -> memref<128xi32, #tpu.memory_space<vmem>>
    %dma_start3A_311 = arith.constant 0 : i32
    %dma_start3A_312 = arith.constant 0 : i32
    %dma_start3A_313 = tpu.memref_slice %arg9[%dma_start3A_311, %dma_start3A_312] : memref<87x128xf32, #tpu.memory_space<vmem_shared>> -> memref<87x128xf32, #tpu.memory_space<vmem_shared>>
    tpu.enqueue_indirect_dma source(%dma_start3A_313 : memref<87x128xf32, #tpu.memory_space<vmem_shared>>) target(%dma_start3A_308 : memref<128x128xf32, #tpu.memory_space<vmem>>) offsets(%dma_start3A_310 : memref<128xi32, #tpu.memory_space<vmem>>) semaphore(%arg12 : memref<!tpu.dma_semaphore, #tpu.memory_space<semaphore_mem>>)
    %dma_start3A_314 = arith.constant 128 : i32
    %dma_start3A_315 = arith.constant 0 : i32
    %dma_start3A_316 = tpu.memref_slice %arg8[%dma_start3A_314, %dma_start3A_315] : memref<256x128xf32, #tpu.memory_space<vmem>> -> memref<128x128xf32, #tpu.memory_space<vmem>>
    %dma_start3A_317 = arith.constant 384 : i32
    %dma_start3A_318 = tpu.memref_slice %arg6[%dma_start3A_317] : memref<3200xi32, #tpu.memory_space<vmem>> -> memref<128xi32, #tpu.memory_space<vmem>>
    %dma_start3A_319 = arith.constant 0 : i32
    %dma_start3A_320 = arith.constant 0 : i32
    %dma_start3A_321 = tpu.memref_slice %arg9[%dma_start3A_319, %dma_start3A_320] : memref<87x128xf32, #tpu.memory_space<vmem_shared>> -> memref<87x128xf32, #tpu.memory_space<vmem_shared>>
    tpu.enqueue_indirect_dma source(%dma_start3A_321 : memref<87x128xf32, #tpu.memory_space<vmem_shared>>) target(%dma_start3A_316 : memref<128x128xf32, #tpu.memory_space<vmem>>) offsets(%dma_start3A_318 : memref<128xi32, #tpu.memory_space<vmem>>) semaphore(%arg12 : memref<!tpu.dma_semaphore, #tpu.memory_space<semaphore_mem>>)
    %dma_wait3A_322 = arith.constant 0 : i32
    %dma_wait3A_323 = arith.constant 0 : i32
    %dma_wait3A_324 = tpu.memref_slice %arg7[%dma_wait3A_322, %dma_wait3A_323] : memref<256x128xf32, #tpu.memory_space<vmem>> -> memref<128x128xf32, #tpu.memory_space<vmem>>
    %dma_wait3A_325 = arith.constant 0 : i32
    %dma_wait3A_326 = tpu.memref_slice %arg6[%dma_wait3A_325] : memref<3200xi32, #tpu.memory_space<vmem>> -> memref<128xi32, #tpu.memory_space<vmem>>
    %dma_wait3A_327 = arith.constant 0 : i32
    %dma_wait3A_328 = arith.constant 0 : i32
    %dma_wait3A_329 = tpu.memref_slice %arg9[%dma_wait3A_327, %dma_wait3A_328] : memref<87x128xf32, #tpu.memory_space<vmem_shared>> -> memref<87x128xf32, #tpu.memory_space<vmem_shared>>
    tpu.wait_indirect_dma semaphore(%arg11 : memref<!tpu.dma_semaphore, #tpu.memory_space<semaphore_mem>>) src(%dma_wait3A_329 : memref<87x128xf32, #tpu.memory_space<vmem_shared>>) dst(%dma_wait3A_324 : memref<128x128xf32, #tpu.memory_space<vmem>>)
    %dma_wait3A_330 = arith.constant 128 : i32
    %dma_wait3A_331 = arith.constant 0 : i32
    %dma_wait3A_332 = tpu.memref_slice %arg7[%dma_wait3A_330, %dma_wait3A_331] : memref<256x128xf32, #tpu.memory_space<vmem>> -> memref<128x128xf32, #tpu.memory_space<vmem>>
    %dma_wait3A_333 = arith.constant 128 : i32
    %dma_wait3A_334 = tpu.memref_slice %arg6[%dma_wait3A_333] : memref<3200xi32, #tpu.memory_space<vmem>> -> memref<128xi32, #tpu.memory_space<vmem>>
    %dma_wait3A_335 = arith.constant 0 : i32
    %dma_wait3A_336 = arith.constant 0 : i32
    %dma_wait3A_337 = tpu.memref_slice %arg9[%dma_wait3A_335, %dma_wait3A_336] : memref<87x128xf32, #tpu.memory_space<vmem_shared>> -> memref<87x128xf32, #tpu.memory_space<vmem_shared>>
    tpu.wait_indirect_dma semaphore(%arg11 : memref<!tpu.dma_semaphore, #tpu.memory_space<semaphore_mem>>) src(%dma_wait3A_337 : memref<87x128xf32, #tpu.memory_space<vmem_shared>>) dst(%dma_wait3A_332 : memref<128x128xf32, #tpu.memory_space<vmem>>)
    %dma_start3A_338 = arith.constant 0 : i32
    %dma_start3A_339 = tpu.memref_slice %arg4[%multiple_of3A, %dma_start3A_338] : memref<100000x128xf32, #tpu.memory_space<hbm>> -> memref<256x128xf32, #tpu.memory_space<hbm>>
    %dma_start3A_340 = arith.constant 0 : i32
    %dma_start3A_341 = tpu.memref_slice %arg4[%multiple_of3A, %dma_start3A_340] : memref<100000x128xf32, #tpu.memory_space<hbm>> -> memref<256x128xf32, #tpu.memory_space<hbm>>
    tpu.enqueue_dma source(%arg7 : memref<256x128xf32, #tpu.memory_space<vmem>>) target(%dma_start3A_341 : memref<256x128xf32, #tpu.memory_space<hbm>>) target_semaphore(%arg13 : memref<!tpu.dma_semaphore, #tpu.memory_space<semaphore_mem>>)
    %dma_start3A_342 = arith.constant 0 : i32
    %dma_start3A_343 = tpu.memref_slice %arg5[%multiple_of3A, %dma_start3A_342] : memref<100000x128xf32, #tpu.memory_space<hbm>> -> memref<256x128xf32, #tpu.memory_space<hbm>>
    %dma_start3A_344 = arith.constant 0 : i32
    %dma_start3A_345 = tpu.memref_slice %arg5[%multiple_of3A, %dma_start3A_344] : memref<100000x128xf32, #tpu.memory_space<hbm>> -> memref<256x128xf32, #tpu.memory_space<hbm>>
    tpu.enqueue_dma source(%arg7 : memref<256x128xf32, #tpu.memory_space<vmem>>) target(%dma_start3A_345 : memref<256x128xf32, #tpu.memory_space<hbm>>) target_semaphore(%arg13 : memref<!tpu.dma_semaphore, #tpu.memory_space<semaphore_mem>>)
    %dma_wait3A_346 = arith.constant 0 : i32
    %dma_wait3A_347 = tpu.memref_slice %arg4[%multiple_of3A, %dma_wait3A_346] : memref<100000x128xf32, #tpu.memory_space<hbm>> -> memref<256x128xf32, #tpu.memory_space<hbm>>
    %dma_wait3A_348 = arith.constant 0 : i32
    %dma_wait3A_349 = tpu.memref_slice %arg4[%multiple_of3A, %dma_wait3A_348] : memref<100000x128xf32, #tpu.memory_space<hbm>> -> memref<256x128xf32, #tpu.memory_space<hbm>>
    tpu.wait_dma2 semaphore(%arg13 : memref<!tpu.dma_semaphore, #tpu.memory_space<semaphore_mem>>) src(%arg7 : memref<256x128xf32, #tpu.memory_space<vmem>>) dst(%dma_wait3A_349 : memref<256x128xf32, #tpu.memory_space<hbm>>)
    %dma_wait3A_350 = arith.constant 0 : i32
    %dma_wait3A_351 = tpu.memref_slice %arg5[%multiple_of3A, %dma_wait3A_350] : memref<100000x128xf32, #tpu.memory_space<hbm>> -> memref<256x128xf32, #tpu.memory_space<hbm>>
    %dma_wait3A_352 = arith.constant 0 : i32
    %dma_wait3A_353 = tpu.memref_slice %arg5[%multiple_of3A, %dma_wait3A_352] : memref<100000x128xf32, #tpu.memory_space<hbm>> -> memref<256x128xf32, #tpu.memory_space<hbm>>
    tpu.wait_dma2 semaphore(%arg13 : memref<!tpu.dma_semaphore, #tpu.memory_space<semaphore_mem>>) src(%arg7 : memref<256x128xf32, #tpu.memory_space<vmem>>) dst(%dma_wait3A_353 : memref<256x128xf32, #tpu.memory_space<hbm>>)
    %dma_wait3A_354 = arith.constant 512 : i32
    %dma_wait3A_355 = tpu.memref_slice %arg6[%dma_wait3A_354] : memref<3200xi32, #tpu.memory_space<vmem>> -> memref<128xi32, #tpu.memory_space<vmem>>
    %dma_wait3A_356 = tpu.memref_slice %arg2[%add3A_98] : memref<100000xi32, #tpu.memory_space<hbm>> -> memref<128xi32, #tpu.memory_space<hbm>>
    %dma_wait3A_357 = arith.constant 512 : i32
    %dma_wait3A_358 = tpu.memref_slice %arg6[%dma_wait3A_357] : memref<3200xi32, #tpu.memory_space<vmem>> -> memref<128xi32, #tpu.memory_space<vmem>>
    %dma_wait3A_359 = tpu.memref_slice %arg2[%add3A_98] : memref<100000xi32, #tpu.memory_space<hbm>> -> memref<128xi32, #tpu.memory_space<hbm>>
    tpu.wait_dma2 semaphore(%arg10 : memref<!tpu.dma_semaphore, #tpu.memory_space<semaphore_mem>>) src(%dma_wait3A_359 : memref<128xi32, #tpu.memory_space<hbm>>) dst(%dma_wait3A_358 : memref<128xi32, #tpu.memory_space<vmem>>)
    %dma_wait3A_360 = arith.constant 640 : i32
    %dma_wait3A_361 = tpu.memref_slice %arg6[%dma_wait3A_360] : memref<3200xi32, #tpu.memory_space<vmem>> -> memref<128xi32, #tpu.memory_space<vmem>>
    %dma_wait3A_362 = tpu.memref_slice %arg2[%add3A_106] : memref<100000xi32, #tpu.memory_space<hbm>> -> memref<128xi32, #tpu.memory_space<hbm>>
    %dma_wait3A_363 = arith.constant 640 : i32
    %dma_wait3A_364 = tpu.memref_slice %arg6[%dma_wait3A_363] : memref<3200xi32, #tpu.memory_space<vmem>> -> memref<128xi32, #tpu.memory_space<vmem>>
    %dma_wait3A_365 = tpu.memref_slice %arg2[%add3A_106] : memref<100000xi32, #tpu.memory_space<hbm>> -> memref<128xi32, #tpu.memory_space<hbm>>
    tpu.wait_dma2 semaphore(%arg10 : memref<!tpu.dma_semaphore, #tpu.memory_space<semaphore_mem>>) src(%dma_wait3A_365 : memref<128xi32, #tpu.memory_space<hbm>>) dst(%dma_wait3A_364 : memref<128xi32, #tpu.memory_space<vmem>>)
    %dma_start3A_366 = arith.constant 0 : i32
    %dma_start3A_367 = arith.constant 0 : i32
    %dma_start3A_368 = tpu.memref_slice %arg7[%dma_start3A_366, %dma_start3A_367] : memref<256x128xf32, #tpu.memory_space<vmem>> -> memref<128x128xf32, #tpu.memory_space<vmem>>
    %dma_start3A_369 = arith.constant 512 : i32
    %dma_start3A_370 = tpu.memref_slice %arg6[%dma_start3A_369] : memref<3200xi32, #tpu.memory_space<vmem>> -> memref<128xi32, #tpu.memory_space<vmem>>
    %dma_start3A_371 = arith.constant 0 : i32
    %dma_start3A_372 = arith.constant 0 : i32
    %dma_start3A_373 = tpu.memref_slice %arg9[%dma_start3A_371, %dma_start3A_372] : memref<87x128xf32, #tpu.memory_space<vmem_shared>> -> memref<87x128xf32, #tpu.memory_space<vmem_shared>>
    tpu.enqueue_indirect_dma source(%dma_start3A_373 : memref<87x128xf32, #tpu.memory_space<vmem_shared>>) target(%dma_start3A_368 : memref<128x128xf32, #tpu.memory_space<vmem>>) offsets(%dma_start3A_370 : memref<128xi32, #tpu.memory_space<vmem>>) semaphore(%arg11 : memref<!tpu.dma_semaphore, #tpu.memory_space<semaphore_mem>>)
    %dma_start3A_374 = arith.constant 128 : i32
    %dma_start3A_375 = arith.constant 0 : i32
    %dma_start3A_376 = tpu.memref_slice %arg7[%dma_start3A_374, %dma_start3A_375] : memref<256x128xf32, #tpu.memory_space<vmem>> -> memref<128x128xf32, #tpu.memory_space<vmem>>
    %dma_start3A_377 = arith.constant 640 : i32
    %dma_start3A_378 = tpu.memref_slice %arg6[%dma_start3A_377] : memref<3200xi32, #tpu.memory_space<vmem>> -> memref<128xi32, #tpu.memory_space<vmem>>
    %dma_start3A_379 = arith.constant 0 : i32
    %dma_start3A_380 = arith.constant 0 : i32
    %dma_start3A_381 = tpu.memref_slice %arg9[%dma_start3A_379, %dma_start3A_380] : memref<87x128xf32, #tpu.memory_space<vmem_shared>> -> memref<87x128xf32, #tpu.memory_space<vmem_shared>>
    tpu.enqueue_indirect_dma source(%dma_start3A_381 : memref<87x128xf32, #tpu.memory_space<vmem_shared>>) target(%dma_start3A_376 : memref<128x128xf32, #tpu.memory_space<vmem>>) offsets(%dma_start3A_378 : memref<128xi32, #tpu.memory_space<vmem>>) semaphore(%arg11 : memref<!tpu.dma_semaphore, #tpu.memory_space<semaphore_mem>>)
    %dma_wait3A_382 = arith.constant 0 : i32
    %dma_wait3A_383 = arith.constant 0 : i32
    %dma_wait3A_384 = tpu.memref_slice %arg8[%dma_wait3A_382, %dma_wait3A_383] : memref<256x128xf32, #tpu.memory_space<vmem>> -> memref<128x128xf32, #tpu.memory_space<vmem>>
    %dma_wait3A_385 = arith.constant 256 : i32
    %dma_wait3A_386 = tpu.memref_slice %arg6[%dma_wait3A_385] : memref<3200xi32, #tpu.memory_space<vmem>> -> memref<128xi32, #tpu.memory_space<vmem>>
    %dma_wait3A_387 = arith.constant 0 : i32
    %dma_wait3A_388 = arith.constant 0 : i32
    %dma_wait3A_389 = tpu.memref_slice %arg9[%dma_wait3A_387, %dma_wait3A_388] : memref<87x128xf32, #tpu.memory_space<vmem_shared>> -> memref<87x128xf32, #tpu.memory_space<vmem_shared>>
    tpu.wait_indirect_dma semaphore(%arg12 : memref<!tpu.dma_semaphore, #tpu.memory_space<semaphore_mem>>) src(%dma_wait3A_389 : memref<87x128xf32, #tpu.memory_space<vmem_shared>>) dst(%dma_wait3A_384 : memref<128x128xf32, #tpu.memory_space<vmem>>)
    %dma_wait3A_390 = arith.constant 128 : i32
    %dma_wait3A_391 = arith.constant 0 : i32
    %dma_wait3A_392 = tpu.memref_slice %arg8[%dma_wait3A_390, %dma_wait3A_391] : memref<256x128xf32, #tpu.memory_space<vmem>> -> memref<128x128xf32, #tpu.memory_space<vmem>>
    %dma_wait3A_393 = arith.constant 384 : i32
    %dma_wait3A_394 = tpu.memref_slice %arg6[%dma_wait3A_393] : memref<3200xi32, #tpu.memory_space<vmem>> -> memref<128xi32, #tpu.memory_space<vmem>>
    %dma_wait3A_395 = arith.constant 0 : i32
    %dma_wait3A_396 = arith.constant 0 : i32
    %dma_wait3A_397 = tpu.memref_slice %arg9[%dma_wait3A_395, %dma_wait3A_396] : memref<87x128xf32, #tpu.memory_space<vmem_shared>> -> memref<87x128xf32, #tpu.memory_space<vmem_shared>>
    tpu.wait_indirect_dma semaphore(%arg12 : memref<!tpu.dma_semaphore, #tpu.memory_space<semaphore_mem>>) src(%dma_wait3A_397 : memref<87x128xf32, #tpu.memory_space<vmem_shared>>) dst(%dma_wait3A_392 : memref<128x128xf32, #tpu.memory_space<vmem>>)
    %dma_start3A_398 = arith.constant 0 : i32
    %dma_start3A_399 = tpu.memref_slice %arg4[%multiple_of3A_10, %dma_start3A_398] : memref<100000x128xf32, #tpu.memory_space<hbm>> -> memref<256x128xf32, #tpu.memory_space<hbm>>
    %dma_start3A_400 = arith.constant 0 : i32
    %dma_start3A_401 = tpu.memref_slice %arg4[%multiple_of3A_10, %dma_start3A_400] : memref<100000x128xf32, #tpu.memory_space<hbm>> -> memref<256x128xf32, #tpu.memory_space<hbm>>
    tpu.enqueue_dma source(%arg8 : memref<256x128xf32, #tpu.memory_space<vmem>>) target(%dma_start3A_401 : memref<256x128xf32, #tpu.memory_space<hbm>>) target_semaphore(%arg14 : memref<!tpu.dma_semaphore, #tpu.memory_space<semaphore_mem>>)
    %dma_start3A_402 = arith.constant 0 : i32
    %dma_start3A_403 = tpu.memref_slice %arg5[%multiple_of3A_10, %dma_start3A_402] : memref<100000x128xf32, #tpu.memory_space<hbm>> -> memref<256x128xf32, #tpu.memory_space<hbm>>
    %dma_start3A_404 = arith.constant 0 : i32
    %dma_start3A_405 = tpu.memref_slice %arg5[%multiple_of3A_10, %dma_start3A_404] : memref<100000x128xf32, #tpu.memory_space<hbm>> -> memref<256x128xf32, #tpu.memory_space<hbm>>
    tpu.enqueue_dma source(%arg8 : memref<256x128xf32, #tpu.memory_space<vmem>>) target(%dma_start3A_405 : memref<256x128xf32, #tpu.memory_space<hbm>>) target_semaphore(%arg14 : memref<!tpu.dma_semaphore, #tpu.memory_space<semaphore_mem>>)
    %dma_wait3A_406 = arith.constant 0 : i32
    %dma_wait3A_407 = tpu.memref_slice %arg4[%multiple_of3A_10, %dma_wait3A_406] : memref<100000x128xf32, #tpu.memory_space<hbm>> -> memref<256x128xf32, #tpu.memory_space<hbm>>
    %dma_wait3A_408 = arith.constant 0 : i32
    %dma_wait3A_409 = tpu.memref_slice %arg4[%multiple_of3A_10, %dma_wait3A_408] : memref<100000x128xf32, #tpu.memory_space<hbm>> -> memref<256x128xf32, #tpu.memory_space<hbm>>
    tpu.wait_dma2 semaphore(%arg14 : memref<!tpu.dma_semaphore, #tpu.memory_space<semaphore_mem>>) src(%arg8 : memref<256x128xf32, #tpu.memory_space<vmem>>) dst(%dma_wait3A_409 : memref<256x128xf32, #tpu.memory_space<hbm>>)
    %dma_wait3A_410 = arith.constant 0 : i32
    %dma_wait3A_411 = tpu.memref_slice %arg5[%multiple_of3A_10, %dma_wait3A_410] : memref<100000x128xf32, #tpu.memory_space<hbm>> -> memref<256x128xf32, #tpu.memory_space<hbm>>
    %dma_wait3A_412 = arith.constant 0 : i32
    %dma_wait3A_413 = tpu.memref_slice %arg5[%multiple_of3A_10, %dma_wait3A_412] : memref<100000x128xf32, #tpu.memory_space<hbm>> -> memref<256x128xf32, #tpu.memory_space<hbm>>
    tpu.wait_dma2 semaphore(%arg14 : memref<!tpu.dma_semaphore, #tpu.memory_space<semaphore_mem>>) src(%arg8 : memref<256x128xf32, #tpu.memory_space<vmem>>) dst(%dma_wait3A_413 : memref<256x128xf32, #tpu.memory_space<hbm>>)
    %dma_wait3A_414 = arith.constant 768 : i32
    %dma_wait3A_415 = tpu.memref_slice %arg6[%dma_wait3A_414] : memref<3200xi32, #tpu.memory_space<vmem>> -> memref<128xi32, #tpu.memory_space<vmem>>
    %dma_wait3A_416 = tpu.memref_slice %arg2[%add3A_114] : memref<100000xi32, #tpu.memory_space<hbm>> -> memref<128xi32, #tpu.memory_space<hbm>>
    %dma_wait3A_417 = arith.constant 768 : i32
    %dma_wait3A_418 = tpu.memref_slice %arg6[%dma_wait3A_417] : memref<3200xi32, #tpu.memory_space<vmem>> -> memref<128xi32, #tpu.memory_space<vmem>>
    %dma_wait3A_419 = tpu.memref_slice %arg2[%add3A_114] : memref<100000xi32, #tpu.memory_space<hbm>> -> memref<128xi32, #tpu.memory_space<hbm>>
    tpu.wait_dma2 semaphore(%arg10 : memref<!tpu.dma_semaphore, #tpu.memory_space<semaphore_mem>>) src(%dma_wait3A_419 : memref<128xi32, #tpu.memory_space<hbm>>) dst(%dma_wait3A_418 : memref<128xi32, #tpu.memory_space<vmem>>)
    %dma_wait3A_420 = arith.constant 896 : i32
    %dma_wait3A_421 = tpu.memref_slice %arg6[%dma_wait3A_420] : memref<3200xi32, #tpu.memory_space<vmem>> -> memref<128xi32, #tpu.memory_space<vmem>>
    %dma_wait3A_422 = tpu.memref_slice %arg2[%add3A_122] : memref<100000xi32, #tpu.memory_space<hbm>> -> memref<128xi32, #tpu.memory_space<hbm>>
    %dma_wait3A_423 = arith.constant 896 : i32
    %dma_wait3A_424 = tpu.memref_slice %arg6[%dma_wait3A_423] : memref<3200xi32, #tpu.memory_space<vmem>> -> memref<128xi32, #tpu.memory_space<vmem>>
    %dma_wait3A_425 = tpu.memref_slice %arg2[%add3A_122] : memref<100000xi32, #tpu.memory_space<hbm>> -> memref<128xi32, #tpu.memory_space<hbm>>
    tpu.wait_dma2 semaphore(%arg10 : memref<!tpu.dma_semaphore, #tpu.memory_space<semaphore_mem>>) src(%dma_wait3A_425 : memref<128xi32, #tpu.memory_space<hbm>>) dst(%dma_wait3A_424 : memref<128xi32, #tpu.memory_space<vmem>>)
    %dma_start3A_426 = arith.constant 0 : i32
    %dma_start3A_427 = arith.constant 0 : i32
    %dma_start3A_428 = tpu.memref_slice %arg8[%dma_start3A_426, %dma_start3A_427] : memref<256x128xf32, #tpu.memory_space<vmem>> -> memref<128x128xf32, #tpu.memory_space<vmem>>
    %dma_start3A_429 = arith.constant 768 : i32
    %dma_start3A_430 = tpu.memref_slice %arg6[%dma_start3A_429] : memref<3200xi32, #tpu.memory_space<vmem>> -> memref<128xi32, #tpu.memory_space<vmem>>
    %dma_start3A_431 = arith.constant 0 : i32
    %dma_start3A_432 = arith.constant 0 : i32
    %dma_start3A_433 = tpu.memref_slice %arg9[%dma_start3A_431, %dma_start3A_432] : memref<87x128xf32, #tpu.memory_space<vmem_shared>> -> memref<87x128xf32, #tpu.memory_space<vmem_shared>>
    tpu.enqueue_indirect_dma source(%dma_start3A_433 : memref<87x128xf32, #tpu.memory_space<vmem_shared>>) target(%dma_start3A_428 : memref<128x128xf32, #tpu.memory_space<vmem>>) offsets(%dma_start3A_430 : memref<128xi32, #tpu.memory_space<vmem>>) semaphore(%arg12 : memref<!tpu.dma_semaphore, #tpu.memory_space<semaphore_mem>>)
    %dma_start3A_434 = arith.constant 128 : i32
    %dma_start3A_435 = arith.constant 0 : i32
    %dma_start3A_436 = tpu.memref_slice %arg8[%dma_start3A_434, %dma_start3A_435] : memref<256x128xf32, #tpu.memory_space<vmem>> -> memref<128x128xf32, #tpu.memory_space<vmem>>
    %dma_start3A_437 = arith.constant 896 : i32
    %dma_start3A_438 = tpu.memref_slice %arg6[%dma_start3A_437] : memref<3200xi32, #tpu.memory_space<vmem>> -> memref<128xi32, #tpu.memory_space<vmem>>
    %dma_start3A_439 = arith.constant 0 : i32
    %dma_start3A_440 = arith.constant 0 : i32
    %dma_start3A_441 = tpu.memref_slice %arg9[%dma_start3A_439, %dma_start3A_440] : memref<87x128xf32, #tpu.memory_space<vmem_shared>> -> memref<87x128xf32, #tpu.memory_space<vmem_shared>>
    tpu.enqueue_indirect_dma source(%dma_start3A_441 : memref<87x128xf32, #tpu.memory_space<vmem_shared>>) target(%dma_start3A_436 : memref<128x128xf32, #tpu.memory_space<vmem>>) offsets(%dma_start3A_438 : memref<128xi32, #tpu.memory_space<vmem>>) semaphore(%arg12 : memref<!tpu.dma_semaphore, #tpu.memory_space<semaphore_mem>>)
    %dma_wait3A_442 = arith.constant 0 : i32
    %dma_wait3A_443 = arith.constant 0 : i32
    %dma_wait3A_444 = tpu.memref_slice %arg7[%dma_wait3A_442, %dma_wait3A_443] : memref<256x128xf32, #tpu.memory_space<vmem>> -> memref<128x128xf32, #tpu.memory_space<vmem>>
    %dma_wait3A_445 = arith.constant 512 : i32
    %dma_wait3A_446 = tpu.memref_slice %arg6[%dma_wait3A_445] : memref<3200xi32, #tpu.memory_space<vmem>> -> memref<128xi32, #tpu.memory_space<vmem>>
    %dma_wait3A_447 = arith.constant 0 : i32
    %dma_wait3A_448 = arith.constant 0 : i32
    %dma_wait3A_449 = tpu.memref_slice %arg9[%dma_wait3A_447, %dma_wait3A_448] : memref<87x128xf32, #tpu.memory_space<vmem_shared>> -> memref<87x128xf32, #tpu.memory_space<vmem_shared>>
    tpu.wait_indirect_dma semaphore(%arg11 : memref<!tpu.dma_semaphore, #tpu.memory_space<semaphore_mem>>) src(%dma_wait3A_449 : memref<87x128xf32, #tpu.memory_space<vmem_shared>>) dst(%dma_wait3A_444 : memref<128x128xf32, #tpu.memory_space<vmem>>)
    %dma_wait3A_450 = arith.constant 128 : i32
    %dma_wait3A_451 = arith.constant 0 : i32
    %dma_wait3A_452 = tpu.memref_slice %arg7[%dma_wait3A_450, %dma_wait3A_451] : memref<256x128xf32, #tpu.memory_space<vmem>> -> memref<128x128xf32, #tpu.memory_space<vmem>>
    %dma_wait3A_453 = arith.constant 640 : i32
    %dma_wait3A_454 = tpu.memref_slice %arg6[%dma_wait3A_453] : memref<3200xi32, #tpu.memory_space<vmem>> -> memref<128xi32, #tpu.memory_space<vmem>>
    %dma_wait3A_455 = arith.constant 0 : i32
    %dma_wait3A_456 = arith.constant 0 : i32
    %dma_wait3A_457 = tpu.memref_slice %arg9[%dma_wait3A_455, %dma_wait3A_456] : memref<87x128xf32, #tpu.memory_space<vmem_shared>> -> memref<87x128xf32, #tpu.memory_space<vmem_shared>>
    tpu.wait_indirect_dma semaphore(%arg11 : memref<!tpu.dma_semaphore, #tpu.memory_space<semaphore_mem>>) src(%dma_wait3A_457 : memref<87x128xf32, #tpu.memory_space<vmem_shared>>) dst(%dma_wait3A_452 : memref<128x128xf32, #tpu.memory_space<vmem>>)
    %dma_start3A_458 = arith.constant 0 : i32
    %dma_start3A_459 = tpu.memref_slice %arg4[%multiple_of3A_15, %dma_start3A_458] : memref<100000x128xf32, #tpu.memory_space<hbm>> -> memref<256x128xf32, #tpu.memory_space<hbm>>
    %dma_start3A_460 = arith.constant 0 : i32
    %dma_start3A_461 = tpu.memref_slice %arg4[%multiple_of3A_15, %dma_start3A_460] : memref<100000x128xf32, #tpu.memory_space<hbm>> -> memref<256x128xf32, #tpu.memory_space<hbm>>
    tpu.enqueue_dma source(%arg7 : memref<256x128xf32, #tpu.memory_space<vmem>>) target(%dma_start3A_461 : memref<256x128xf32, #tpu.memory_space<hbm>>) target_semaphore(%arg13 : memref<!tpu.dma_semaphore, #tpu.memory_space<semaphore_mem>>)
    %dma_start3A_462 = arith.constant 0 : i32
    %dma_start3A_463 = tpu.memref_slice %arg5[%multiple_of3A_15, %dma_start3A_462] : memref<100000x128xf32, #tpu.memory_space<hbm>> -> memref<256x128xf32, #tpu.memory_space<hbm>>
    %dma_start3A_464 = arith.constant 0 : i32
    %dma_start3A_465 = tpu.memref_slice %arg5[%multiple_of3A_15, %dma_start3A_464] : memref<100000x128xf32, #tpu.memory_space<hbm>> -> memref<256x128xf32, #tpu.memory_space<hbm>>
    tpu.enqueue_dma source(%arg7 : memref<256x128xf32, #tpu.memory_space<vmem>>) target(%dma_start3A_465 : memref<256x128xf32, #tpu.memory_space<hbm>>) target_semaphore(%arg13 : memref<!tpu.dma_semaphore, #tpu.memory_space<semaphore_mem>>)
    %dma_wait3A_466 = arith.constant 0 : i32
    %dma_wait3A_467 = tpu.memref_slice %arg4[%multiple_of3A_15, %dma_wait3A_466] : memref<100000x128xf32, #tpu.memory_space<hbm>> -> memref<256x128xf32, #tpu.memory_space<hbm>>
    %dma_wait3A_468 = arith.constant 0 : i32
    %dma_wait3A_469 = tpu.memref_slice %arg4[%multiple_of3A_15, %dma_wait3A_468] : memref<100000x128xf32, #tpu.memory_space<hbm>> -> memref<256x128xf32, #tpu.memory_space<hbm>>
    tpu.wait_dma2 semaphore(%arg13 : memref<!tpu.dma_semaphore, #tpu.memory_space<semaphore_mem>>) src(%arg7 : memref<256x128xf32, #tpu.memory_space<vmem>>) dst(%dma_wait3A_469 : memref<256x128xf32, #tpu.memory_space<hbm>>)
    %dma_wait3A_470 = arith.constant 0 : i32
    %dma_wait3A_471 = tpu.memref_slice %arg5[%multiple_of3A_15, %dma_wait3A_470] : memref<100000x128xf32, #tpu.memory_space<hbm>> -> memref<256x128xf32, #tpu.memory_space<hbm>>
    %dma_wait3A_472 = arith.constant 0 : i32
    %dma_wait3A_473 = tpu.memref_slice %arg5[%multiple_of3A_15, %dma_wait3A_472] : memref<100000x128xf32, #tpu.memory_space<hbm>> -> memref<256x128xf32, #tpu.memory_space<hbm>>
    tpu.wait_dma2 semaphore(%arg13 : memref<!tpu.dma_semaphore, #tpu.memory_space<semaphore_mem>>) src(%arg7 : memref<256x128xf32, #tpu.memory_space<vmem>>) dst(%dma_wait3A_473 : memref<256x128xf32, #tpu.memory_space<hbm>>)
    %dma_wait3A_474 = arith.constant 1024 : i32
    %dma_wait3A_475 = tpu.memref_slice %arg6[%dma_wait3A_474] : memref<3200xi32, #tpu.memory_space<vmem>> -> memref<128xi32, #tpu.memory_space<vmem>>
    %dma_wait3A_476 = tpu.memref_slice %arg2[%add3A_130] : memref<100000xi32, #tpu.memory_space<hbm>> -> memref<128xi32, #tpu.memory_space<hbm>>
    %dma_wait3A_477 = arith.constant 1024 : i32
    %dma_wait3A_478 = tpu.memref_slice %arg6[%dma_wait3A_477] : memref<3200xi32, #tpu.memory_space<vmem>> -> memref<128xi32, #tpu.memory_space<vmem>>
    %dma_wait3A_479 = tpu.memref_slice %arg2[%add3A_130] : memref<100000xi32, #tpu.memory_space<hbm>> -> memref<128xi32, #tpu.memory_space<hbm>>
    tpu.wait_dma2 semaphore(%arg10 : memref<!tpu.dma_semaphore, #tpu.memory_space<semaphore_mem>>) src(%dma_wait3A_479 : memref<128xi32, #tpu.memory_space<hbm>>) dst(%dma_wait3A_478 : memref<128xi32, #tpu.memory_space<vmem>>)
    %dma_wait3A_480 = arith.constant 1152 : i32
    %dma_wait3A_481 = tpu.memref_slice %arg6[%dma_wait3A_480] : memref<3200xi32, #tpu.memory_space<vmem>> -> memref<128xi32, #tpu.memory_space<vmem>>
    %dma_wait3A_482 = tpu.memref_slice %arg2[%add3A_138] : memref<100000xi32, #tpu.memory_space<hbm>> -> memref<128xi32, #tpu.memory_space<hbm>>
    %dma_wait3A_483 = arith.constant 1152 : i32
    %dma_wait3A_484 = tpu.memref_slice %arg6[%dma_wait3A_483] : memref<3200xi32, #tpu.memory_space<vmem>> -> memref<128xi32, #tpu.memory_space<vmem>>
    %dma_wait3A_485 = tpu.memref_slice %arg2[%add3A_138] : memref<100000xi32, #tpu.memory_space<hbm>> -> memref<128xi32, #tpu.memory_space<hbm>>
    tpu.wait_dma2 semaphore(%arg10 : memref<!tpu.dma_semaphore, #tpu.memory_space<semaphore_mem>>) src(%dma_wait3A_485 : memref<128xi32, #tpu.memory_space<hbm>>) dst(%dma_wait3A_484 : memref<128xi32, #tpu.memory_space<vmem>>)
    %dma_start3A_486 = arith.constant 0 : i32
    %dma_start3A_487 = arith.constant 0 : i32
    %dma_start3A_488 = tpu.memref_slice %arg7[%dma_start3A_486, %dma_start3A_487] : memref<256x128xf32, #tpu.memory_space<vmem>> -> memref<128x128xf32, #tpu.memory_space<vmem>>
    %dma_start3A_489 = arith.constant 1024 : i32
    %dma_start3A_490 = tpu.memref_slice %arg6[%dma_start3A_489] : memref<3200xi32, #tpu.memory_space<vmem>> -> memref<128xi32, #tpu.memory_space<vmem>>
    %dma_start3A_491 = arith.constant 0 : i32
    %dma_start3A_492 = arith.constant 0 : i32
    %dma_start3A_493 = tpu.memref_slice %arg9[%dma_start3A_491, %dma_start3A_492] : memref<87x128xf32, #tpu.memory_space<vmem_shared>> -> memref<87x128xf32, #tpu.memory_space<vmem_shared>>
    tpu.enqueue_indirect_dma source(%dma_start3A_493 : memref<87x128xf32, #tpu.memory_space<vmem_shared>>) target(%dma_start3A_488 : memref<128x128xf32, #tpu.memory_space<vmem>>) offsets(%dma_start3A_490 : memref<128xi32, #tpu.memory_space<vmem>>) semaphore(%arg11 : memref<!tpu.dma_semaphore, #tpu.memory_space<semaphore_mem>>)
    %dma_start3A_494 = arith.constant 128 : i32
    %dma_start3A_495 = arith.constant 0 : i32
    %dma_start3A_496 = tpu.memref_slice %arg7[%dma_start3A_494, %dma_start3A_495] : memref<256x128xf32, #tpu.memory_space<vmem>> -> memref<128x128xf32, #tpu.memory_space<vmem>>
    %dma_start3A_497 = arith.constant 1152 : i32
    %dma_start3A_498 = tpu.memref_slice %arg6[%dma_start3A_497] : memref<3200xi32, #tpu.memory_space<vmem>> -> memref<128xi32, #tpu.memory_space<vmem>>
    %dma_start3A_499 = arith.constant 0 : i32
    %dma_start3A_500 = arith.constant 0 : i32
    %dma_start3A_501 = tpu.memref_slice %arg9[%dma_start3A_499, %dma_start3A_500] : memref<87x128xf32, #tpu.memory_space<vmem_shared>> -> memref<87x128xf32, #tpu.memory_space<vmem_shared>>
    tpu.enqueue_indirect_dma source(%dma_start3A_501 : memref<87x128xf32, #tpu.memory_space<vmem_shared>>) target(%dma_start3A_496 : memref<128x128xf32, #tpu.memory_space<vmem>>) offsets(%dma_start3A_498 : memref<128xi32, #tpu.memory_space<vmem>>) semaphore(%arg11 : memref<!tpu.dma_semaphore, #tpu.memory_space<semaphore_mem>>)
    %dma_wait3A_502 = arith.constant 0 : i32
    %dma_wait3A_503 = arith.constant 0 : i32
    %dma_wait3A_504 = tpu.memref_slice %arg8[%dma_wait3A_502, %dma_wait3A_503] : memref<256x128xf32, #tpu.memory_space<vmem>> -> memref<128x128xf32, #tpu.memory_space<vmem>>
    %dma_wait3A_505 = arith.constant 768 : i32
    %dma_wait3A_506 = tpu.memref_slice %arg6[%dma_wait3A_505] : memref<3200xi32, #tpu.memory_space<vmem>> -> memref<128xi32, #tpu.memory_space<vmem>>
    %dma_wait3A_507 = arith.constant 0 : i32
    %dma_wait3A_508 = arith.constant 0 : i32
    %dma_wait3A_509 = tpu.memref_slice %arg9[%dma_wait3A_507, %dma_wait3A_508] : memref<87x128xf32, #tpu.memory_space<vmem_shared>> -> memref<87x128xf32, #tpu.memory_space<vmem_shared>>
    tpu.wait_indirect_dma semaphore(%arg12 : memref<!tpu.dma_semaphore, #tpu.memory_space<semaphore_mem>>) src(%dma_wait3A_509 : memref<87x128xf32, #tpu.memory_space<vmem_shared>>) dst(%dma_wait3A_504 : memref<128x128xf32, #tpu.memory_space<vmem>>)
    %dma_wait3A_510 = arith.constant 128 : i32
    %dma_wait3A_511 = arith.constant 0 : i32
    %dma_wait3A_512 = tpu.memref_slice %arg8[%dma_wait3A_510, %dma_wait3A_511] : memref<256x128xf32, #tpu.memory_space<vmem>> -> memref<128x128xf32, #tpu.memory_space<vmem>>
    %dma_wait3A_513 = arith.constant 896 : i32
    %dma_wait3A_514 = tpu.memref_slice %arg6[%dma_wait3A_513] : memref<3200xi32, #tpu.memory_space<vmem>> -> memref<128xi32, #tpu.memory_space<vmem>>
    %dma_wait3A_515 = arith.constant 0 : i32
    %dma_wait3A_516 = arith.constant 0 : i32
    %dma_wait3A_517 = tpu.memref_slice %arg9[%dma_wait3A_515, %dma_wait3A_516] : memref<87x128xf32, #tpu.memory_space<vmem_shared>> -> memref<87x128xf32, #tpu.memory_space<vmem_shared>>
    tpu.wait_indirect_dma semaphore(%arg12 : memref<!tpu.dma_semaphore, #tpu.memory_space<semaphore_mem>>) src(%dma_wait3A_517 : memref<87x128xf32, #tpu.memory_space<vmem_shared>>) dst(%dma_wait3A_512 : memref<128x128xf32, #tpu.memory_space<vmem>>)
    %dma_start3A_518 = arith.constant 0 : i32
    %dma_start3A_519 = tpu.memref_slice %arg4[%multiple_of3A_20, %dma_start3A_518] : memref<100000x128xf32, #tpu.memory_space<hbm>> -> memref<256x128xf32, #tpu.memory_space<hbm>>
    %dma_start3A_520 = arith.constant 0 : i32
    %dma_start3A_521 = tpu.memref_slice %arg4[%multiple_of3A_20, %dma_start3A_520] : memref<100000x128xf32, #tpu.memory_space<hbm>> -> memref<256x128xf32, #tpu.memory_space<hbm>>
    tpu.enqueue_dma source(%arg8 : memref<256x128xf32, #tpu.memory_space<vmem>>) target(%dma_start3A_521 : memref<256x128xf32, #tpu.memory_space<hbm>>) target_semaphore(%arg14 : memref<!tpu.dma_semaphore, #tpu.memory_space<semaphore_mem>>)
    %dma_start3A_522 = arith.constant 0 : i32
    %dma_start3A_523 = tpu.memref_slice %arg5[%multiple_of3A_20, %dma_start3A_522] : memref<100000x128xf32, #tpu.memory_space<hbm>> -> memref<256x128xf32, #tpu.memory_space<hbm>>
    %dma_start3A_524 = arith.constant 0 : i32
    %dma_start3A_525 = tpu.memref_slice %arg5[%multiple_of3A_20, %dma_start3A_524] : memref<100000x128xf32, #tpu.memory_space<hbm>> -> memref<256x128xf32, #tpu.memory_space<hbm>>
    tpu.enqueue_dma source(%arg8 : memref<256x128xf32, #tpu.memory_space<vmem>>) target(%dma_start3A_525 : memref<256x128xf32, #tpu.memory_space<hbm>>) target_semaphore(%arg14 : memref<!tpu.dma_semaphore, #tpu.memory_space<semaphore_mem>>)
    %dma_wait3A_526 = arith.constant 0 : i32
    %dma_wait3A_527 = tpu.memref_slice %arg4[%multiple_of3A_20, %dma_wait3A_526] : memref<100000x128xf32, #tpu.memory_space<hbm>> -> memref<256x128xf32, #tpu.memory_space<hbm>>
    %dma_wait3A_528 = arith.constant 0 : i32
    %dma_wait3A_529 = tpu.memref_slice %arg4[%multiple_of3A_20, %dma_wait3A_528] : memref<100000x128xf32, #tpu.memory_space<hbm>> -> memref<256x128xf32, #tpu.memory_space<hbm>>
    tpu.wait_dma2 semaphore(%arg14 : memref<!tpu.dma_semaphore, #tpu.memory_space<semaphore_mem>>) src(%arg8 : memref<256x128xf32, #tpu.memory_space<vmem>>) dst(%dma_wait3A_529 : memref<256x128xf32, #tpu.memory_space<hbm>>)
    %dma_wait3A_530 = arith.constant 0 : i32
    %dma_wait3A_531 = tpu.memref_slice %arg5[%multiple_of3A_20, %dma_wait3A_530] : memref<100000x128xf32, #tpu.memory_space<hbm>> -> memref<256x128xf32, #tpu.memory_space<hbm>>
    %dma_wait3A_532 = arith.constant 0 : i32
    %dma_wait3A_533 = tpu.memref_slice %arg5[%multiple_of3A_20, %dma_wait3A_532] : memref<100000x128xf32, #tpu.memory_space<hbm>> -> memref<256x128xf32, #tpu.memory_space<hbm>>
    tpu.wait_dma2 semaphore(%arg14 : memref<!tpu.dma_semaphore, #tpu.memory_space<semaphore_mem>>) src(%arg8 : memref<256x128xf32, #tpu.memory_space<vmem>>) dst(%dma_wait3A_533 : memref<256x128xf32, #tpu.memory_space<hbm>>)
    %dma_wait3A_534 = arith.constant 1280 : i32
    %dma_wait3A_535 = tpu.memref_slice %arg6[%dma_wait3A_534] : memref<3200xi32, #tpu.memory_space<vmem>> -> memref<128xi32, #tpu.memory_space<vmem>>
    %dma_wait3A_536 = tpu.memref_slice %arg2[%add3A_146] : memref<100000xi32, #tpu.memory_space<hbm>> -> memref<128xi32, #tpu.memory_space<hbm>>
    %dma_wait3A_537 = arith.constant 1280 : i32
    %dma_wait3A_538 = tpu.memref_slice %arg6[%dma_wait3A_537] : memref<3200xi32, #tpu.memory_space<vmem>> -> memref<128xi32, #tpu.memory_space<vmem>>
    %dma_wait3A_539 = tpu.memref_slice %arg2[%add3A_146] : memref<100000xi32, #tpu.memory_space<hbm>> -> memref<128xi32, #tpu.memory_space<hbm>>
    tpu.wait_dma2 semaphore(%arg10 : memref<!tpu.dma_semaphore, #tpu.memory_space<semaphore_mem>>) src(%dma_wait3A_539 : memref<128xi32, #tpu.memory_space<hbm>>) dst(%dma_wait3A_538 : memref<128xi32, #tpu.memory_space<vmem>>)
    %dma_wait3A_540 = arith.constant 1408 : i32
    %dma_wait3A_541 = tpu.memref_slice %arg6[%dma_wait3A_540] : memref<3200xi32, #tpu.memory_space<vmem>> -> memref<128xi32, #tpu.memory_space<vmem>>
    %dma_wait3A_542 = tpu.memref_slice %arg2[%add3A_154] : memref<100000xi32, #tpu.memory_space<hbm>> -> memref<128xi32, #tpu.memory_space<hbm>>
    %dma_wait3A_543 = arith.constant 1408 : i32
    %dma_wait3A_544 = tpu.memref_slice %arg6[%dma_wait3A_543] : memref<3200xi32, #tpu.memory_space<vmem>> -> memref<128xi32, #tpu.memory_space<vmem>>
    %dma_wait3A_545 = tpu.memref_slice %arg2[%add3A_154] : memref<100000xi32, #tpu.memory_space<hbm>> -> memref<128xi32, #tpu.memory_space<hbm>>
    tpu.wait_dma2 semaphore(%arg10 : memref<!tpu.dma_semaphore, #tpu.memory_space<semaphore_mem>>) src(%dma_wait3A_545 : memref<128xi32, #tpu.memory_space<hbm>>) dst(%dma_wait3A_544 : memref<128xi32, #tpu.memory_space<vmem>>)
    %dma_start3A_546 = arith.constant 0 : i32
    %dma_start3A_547 = arith.constant 0 : i32
    %dma_start3A_548 = tpu.memref_slice %arg8[%dma_start3A_546, %dma_start3A_547] : memref<256x128xf32, #tpu.memory_space<vmem>> -> memref<128x128xf32, #tpu.memory_space<vmem>>
    %dma_start3A_549 = arith.constant 1280 : i32
    %dma_start3A_550 = tpu.memref_slice %arg6[%dma_start3A_549] : memref<3200xi32, #tpu.memory_space<vmem>> -> memref<128xi32, #tpu.memory_space<vmem>>
    %dma_start3A_551 = arith.constant 0 : i32
    %dma_start3A_552 = arith.constant 0 : i32
    %dma_start3A_553 = tpu.memref_slice %arg9[%dma_start3A_551, %dma_start3A_552] : memref<87x128xf32, #tpu.memory_space<vmem_shared>> -> memref<87x128xf32, #tpu.memory_space<vmem_shared>>
    tpu.enqueue_indirect_dma source(%dma_start3A_553 : memref<87x128xf32, #tpu.memory_space<vmem_shared>>) target(%dma_start3A_548 : memref<128x128xf32, #tpu.memory_space<vmem>>) offsets(%dma_start3A_550 : memref<128xi32, #tpu.memory_space<vmem>>) semaphore(%arg12 : memref<!tpu.dma_semaphore, #tpu.memory_space<semaphore_mem>>)
    %dma_start3A_554 = arith.constant 128 : i32
    %dma_start3A_555 = arith.constant 0 : i32
    %dma_start3A_556 = tpu.memref_slice %arg8[%dma_start3A_554, %dma_start3A_555] : memref<256x128xf32, #tpu.memory_space<vmem>> -> memref<128x128xf32, #tpu.memory_space<vmem>>
    %dma_start3A_557 = arith.constant 1408 : i32
    %dma_start3A_558 = tpu.memref_slice %arg6[%dma_start3A_557] : memref<3200xi32, #tpu.memory_space<vmem>> -> memref<128xi32, #tpu.memory_space<vmem>>
    %dma_start3A_559 = arith.constant 0 : i32
    %dma_start3A_560 = arith.constant 0 : i32
    %dma_start3A_561 = tpu.memref_slice %arg9[%dma_start3A_559, %dma_start3A_560] : memref<87x128xf32, #tpu.memory_space<vmem_shared>> -> memref<87x128xf32, #tpu.memory_space<vmem_shared>>
    tpu.enqueue_indirect_dma source(%dma_start3A_561 : memref<87x128xf32, #tpu.memory_space<vmem_shared>>) target(%dma_start3A_556 : memref<128x128xf32, #tpu.memory_space<vmem>>) offsets(%dma_start3A_558 : memref<128xi32, #tpu.memory_space<vmem>>) semaphore(%arg12 : memref<!tpu.dma_semaphore, #tpu.memory_space<semaphore_mem>>)
    %dma_wait3A_562 = arith.constant 0 : i32
    %dma_wait3A_563 = arith.constant 0 : i32
    %dma_wait3A_564 = tpu.memref_slice %arg7[%dma_wait3A_562, %dma_wait3A_563] : memref<256x128xf32, #tpu.memory_space<vmem>> -> memref<128x128xf32, #tpu.memory_space<vmem>>
    %dma_wait3A_565 = arith.constant 1024 : i32
    %dma_wait3A_566 = tpu.memref_slice %arg6[%dma_wait3A_565] : memref<3200xi32, #tpu.memory_space<vmem>> -> memref<128xi32, #tpu.memory_space<vmem>>
    %dma_wait3A_567 = arith.constant 0 : i32
    %dma_wait3A_568 = arith.constant 0 : i32
    %dma_wait3A_569 = tpu.memref_slice %arg9[%dma_wait3A_567, %dma_wait3A_568] : memref<87x128xf32, #tpu.memory_space<vmem_shared>> -> memref<87x128xf32, #tpu.memory_space<vmem_shared>>
    tpu.wait_indirect_dma semaphore(%arg11 : memref<!tpu.dma_semaphore, #tpu.memory_space<semaphore_mem>>) src(%dma_wait3A_569 : memref<87x128xf32, #tpu.memory_space<vmem_shared>>) dst(%dma_wait3A_564 : memref<128x128xf32, #tpu.memory_space<vmem>>)
    %dma_wait3A_570 = arith.constant 128 : i32
    %dma_wait3A_571 = arith.constant 0 : i32
    %dma_wait3A_572 = tpu.memref_slice %arg7[%dma_wait3A_570, %dma_wait3A_571] : memref<256x128xf32, #tpu.memory_space<vmem>> -> memref<128x128xf32, #tpu.memory_space<vmem>>
    %dma_wait3A_573 = arith.constant 1152 : i32
    %dma_wait3A_574 = tpu.memref_slice %arg6[%dma_wait3A_573] : memref<3200xi32, #tpu.memory_space<vmem>> -> memref<128xi32, #tpu.memory_space<vmem>>
    %dma_wait3A_575 = arith.constant 0 : i32
    %dma_wait3A_576 = arith.constant 0 : i32
    %dma_wait3A_577 = tpu.memref_slice %arg9[%dma_wait3A_575, %dma_wait3A_576] : memref<87x128xf32, #tpu.memory_space<vmem_shared>> -> memref<87x128xf32, #tpu.memory_space<vmem_shared>>
    tpu.wait_indirect_dma semaphore(%arg11 : memref<!tpu.dma_semaphore, #tpu.memory_space<semaphore_mem>>) src(%dma_wait3A_577 : memref<87x128xf32, #tpu.memory_space<vmem_shared>>) dst(%dma_wait3A_572 : memref<128x128xf32, #tpu.memory_space<vmem>>)
    %dma_start3A_578 = arith.constant 0 : i32
    %dma_start3A_579 = tpu.memref_slice %arg4[%multiple_of3A_25, %dma_start3A_578] : memref<100000x128xf32, #tpu.memory_space<hbm>> -> memref<256x128xf32, #tpu.memory_space<hbm>>
    %dma_start3A_580 = arith.constant 0 : i32
    %dma_start3A_581 = tpu.memref_slice %arg4[%multiple_of3A_25, %dma_start3A_580] : memref<100000x128xf32, #tpu.memory_space<hbm>> -> memref<256x128xf32, #tpu.memory_space<hbm>>
    tpu.enqueue_dma source(%arg7 : memref<256x128xf32, #tpu.memory_space<vmem>>) target(%dma_start3A_581 : memref<256x128xf32, #tpu.memory_space<hbm>>) target_semaphore(%arg13 : memref<!tpu.dma_semaphore, #tpu.memory_space<semaphore_mem>>)
    %dma_start3A_582 = arith.constant 0 : i32
    %dma_start3A_583 = tpu.memref_slice %arg5[%multiple_of3A_25, %dma_start3A_582] : memref<100000x128xf32, #tpu.memory_space<hbm>> -> memref<256x128xf32, #tpu.memory_space<hbm>>
    %dma_start3A_584 = arith.constant 0 : i32
    %dma_start3A_585 = tpu.memref_slice %arg5[%multiple_of3A_25, %dma_start3A_584] : memref<100000x128xf32, #tpu.memory_space<hbm>> -> memref<256x128xf32, #tpu.memory_space<hbm>>
    tpu.enqueue_dma source(%arg7 : memref<256x128xf32, #tpu.memory_space<vmem>>) target(%dma_start3A_585 : memref<256x128xf32, #tpu.memory_space<hbm>>) target_semaphore(%arg13 : memref<!tpu.dma_semaphore, #tpu.memory_space<semaphore_mem>>)
    %dma_wait3A_586 = arith.constant 0 : i32
    %dma_wait3A_587 = tpu.memref_slice %arg4[%multiple_of3A_25, %dma_wait3A_586] : memref<100000x128xf32, #tpu.memory_space<hbm>> -> memref<256x128xf32, #tpu.memory_space<hbm>>
    %dma_wait3A_588 = arith.constant 0 : i32
    %dma_wait3A_589 = tpu.memref_slice %arg4[%multiple_of3A_25, %dma_wait3A_588] : memref<100000x128xf32, #tpu.memory_space<hbm>> -> memref<256x128xf32, #tpu.memory_space<hbm>>
    tpu.wait_dma2 semaphore(%arg13 : memref<!tpu.dma_semaphore, #tpu.memory_space<semaphore_mem>>) src(%arg7 : memref<256x128xf32, #tpu.memory_space<vmem>>) dst(%dma_wait3A_589 : memref<256x128xf32, #tpu.memory_space<hbm>>)
    %dma_wait3A_590 = arith.constant 0 : i32
    %dma_wait3A_591 = tpu.memref_slice %arg5[%multiple_of3A_25, %dma_wait3A_590] : memref<100000x128xf32, #tpu.memory_space<hbm>> -> memref<256x128xf32, #tpu.memory_space<hbm>>
    %dma_wait3A_592 = arith.constant 0 : i32
    %dma_wait3A_593 = tpu.memref_slice %arg5[%multiple_of3A_25, %dma_wait3A_592] : memref<100000x128xf32, #tpu.memory_space<hbm>> -> memref<256x128xf32, #tpu.memory_space<hbm>>
    tpu.wait_dma2 semaphore(%arg13 : memref<!tpu.dma_semaphore, #tpu.memory_space<semaphore_mem>>) src(%arg7 : memref<256x128xf32, #tpu.memory_space<vmem>>) dst(%dma_wait3A_593 : memref<256x128xf32, #tpu.memory_space<hbm>>)
    %dma_wait3A_594 = arith.constant 1536 : i32
    %dma_wait3A_595 = tpu.memref_slice %arg6[%dma_wait3A_594] : memref<3200xi32, #tpu.memory_space<vmem>> -> memref<128xi32, #tpu.memory_space<vmem>>
    %dma_wait3A_596 = tpu.memref_slice %arg2[%add3A_162] : memref<100000xi32, #tpu.memory_space<hbm>> -> memref<128xi32, #tpu.memory_space<hbm>>
    %dma_wait3A_597 = arith.constant 1536 : i32
    %dma_wait3A_598 = tpu.memref_slice %arg6[%dma_wait3A_597] : memref<3200xi32, #tpu.memory_space<vmem>> -> memref<128xi32, #tpu.memory_space<vmem>>
    %dma_wait3A_599 = tpu.memref_slice %arg2[%add3A_162] : memref<100000xi32, #tpu.memory_space<hbm>> -> memref<128xi32, #tpu.memory_space<hbm>>
    tpu.wait_dma2 semaphore(%arg10 : memref<!tpu.dma_semaphore, #tpu.memory_space<semaphore_mem>>) src(%dma_wait3A_599 : memref<128xi32, #tpu.memory_space<hbm>>) dst(%dma_wait3A_598 : memref<128xi32, #tpu.memory_space<vmem>>)
    %dma_wait3A_600 = arith.constant 1664 : i32
    %dma_wait3A_601 = tpu.memref_slice %arg6[%dma_wait3A_600] : memref<3200xi32, #tpu.memory_space<vmem>> -> memref<128xi32, #tpu.memory_space<vmem>>
    %dma_wait3A_602 = tpu.memref_slice %arg2[%add3A_170] : memref<100000xi32, #tpu.memory_space<hbm>> -> memref<128xi32, #tpu.memory_space<hbm>>
    %dma_wait3A_603 = arith.constant 1664 : i32
    %dma_wait3A_604 = tpu.memref_slice %arg6[%dma_wait3A_603] : memref<3200xi32, #tpu.memory_space<vmem>> -> memref<128xi32, #tpu.memory_space<vmem>>
    %dma_wait3A_605 = tpu.memref_slice %arg2[%add3A_170] : memref<100000xi32, #tpu.memory_space<hbm>> -> memref<128xi32, #tpu.memory_space<hbm>>
    tpu.wait_dma2 semaphore(%arg10 : memref<!tpu.dma_semaphore, #tpu.memory_space<semaphore_mem>>) src(%dma_wait3A_605 : memref<128xi32, #tpu.memory_space<hbm>>) dst(%dma_wait3A_604 : memref<128xi32, #tpu.memory_space<vmem>>)
    %dma_start3A_606 = arith.constant 0 : i32
    %dma_start3A_607 = arith.constant 0 : i32
    %dma_start3A_608 = tpu.memref_slice %arg7[%dma_start3A_606, %dma_start3A_607] : memref<256x128xf32, #tpu.memory_space<vmem>> -> memref<128x128xf32, #tpu.memory_space<vmem>>
    %dma_start3A_609 = arith.constant 1536 : i32
    %dma_start3A_610 = tpu.memref_slice %arg6[%dma_start3A_609] : memref<3200xi32, #tpu.memory_space<vmem>> -> memref<128xi32, #tpu.memory_space<vmem>>
    %dma_start3A_611 = arith.constant 0 : i32
    %dma_start3A_612 = arith.constant 0 : i32
    %dma_start3A_613 = tpu.memref_slice %arg9[%dma_start3A_611, %dma_start3A_612] : memref<87x128xf32, #tpu.memory_space<vmem_shared>> -> memref<87x128xf32, #tpu.memory_space<vmem_shared>>
    tpu.enqueue_indirect_dma source(%dma_start3A_613 : memref<87x128xf32, #tpu.memory_space<vmem_shared>>) target(%dma_start3A_608 : memref<128x128xf32, #tpu.memory_space<vmem>>) offsets(%dma_start3A_610 : memref<128xi32, #tpu.memory_space<vmem>>) semaphore(%arg11 : memref<!tpu.dma_semaphore, #tpu.memory_space<semaphore_mem>>)
    %dma_start3A_614 = arith.constant 128 : i32
    %dma_start3A_615 = arith.constant 0 : i32
    %dma_start3A_616 = tpu.memref_slice %arg7[%dma_start3A_614, %dma_start3A_615] : memref<256x128xf32, #tpu.memory_space<vmem>> -> memref<128x128xf32, #tpu.memory_space<vmem>>
    %dma_start3A_617 = arith.constant 1664 : i32
    %dma_start3A_618 = tpu.memref_slice %arg6[%dma_start3A_617] : memref<3200xi32, #tpu.memory_space<vmem>> -> memref<128xi32, #tpu.memory_space<vmem>>
    %dma_start3A_619 = arith.constant 0 : i32
    %dma_start3A_620 = arith.constant 0 : i32
    %dma_start3A_621 = tpu.memref_slice %arg9[%dma_start3A_619, %dma_start3A_620] : memref<87x128xf32, #tpu.memory_space<vmem_shared>> -> memref<87x128xf32, #tpu.memory_space<vmem_shared>>
    tpu.enqueue_indirect_dma source(%dma_start3A_621 : memref<87x128xf32, #tpu.memory_space<vmem_shared>>) target(%dma_start3A_616 : memref<128x128xf32, #tpu.memory_space<vmem>>) offsets(%dma_start3A_618 : memref<128xi32, #tpu.memory_space<vmem>>) semaphore(%arg11 : memref<!tpu.dma_semaphore, #tpu.memory_space<semaphore_mem>>)
    %dma_wait3A_622 = arith.constant 0 : i32
    %dma_wait3A_623 = arith.constant 0 : i32
    %dma_wait3A_624 = tpu.memref_slice %arg8[%dma_wait3A_622, %dma_wait3A_623] : memref<256x128xf32, #tpu.memory_space<vmem>> -> memref<128x128xf32, #tpu.memory_space<vmem>>
    %dma_wait3A_625 = arith.constant 1280 : i32
    %dma_wait3A_626 = tpu.memref_slice %arg6[%dma_wait3A_625] : memref<3200xi32, #tpu.memory_space<vmem>> -> memref<128xi32, #tpu.memory_space<vmem>>
    %dma_wait3A_627 = arith.constant 0 : i32
    %dma_wait3A_628 = arith.constant 0 : i32
    %dma_wait3A_629 = tpu.memref_slice %arg9[%dma_wait3A_627, %dma_wait3A_628] : memref<87x128xf32, #tpu.memory_space<vmem_shared>> -> memref<87x128xf32, #tpu.memory_space<vmem_shared>>
    tpu.wait_indirect_dma semaphore(%arg12 : memref<!tpu.dma_semaphore, #tpu.memory_space<semaphore_mem>>) src(%dma_wait3A_629 : memref<87x128xf32, #tpu.memory_space<vmem_shared>>) dst(%dma_wait3A_624 : memref<128x128xf32, #tpu.memory_space<vmem>>)
    %dma_wait3A_630 = arith.constant 128 : i32
    %dma_wait3A_631 = arith.constant 0 : i32
    %dma_wait3A_632 = tpu.memref_slice %arg8[%dma_wait3A_630, %dma_wait3A_631] : memref<256x128xf32, #tpu.memory_space<vmem>> -> memref<128x128xf32, #tpu.memory_space<vmem>>
    %dma_wait3A_633 = arith.constant 1408 : i32
    %dma_wait3A_634 = tpu.memref_slice %arg6[%dma_wait3A_633] : memref<3200xi32, #tpu.memory_space<vmem>> -> memref<128xi32, #tpu.memory_space<vmem>>
    %dma_wait3A_635 = arith.constant 0 : i32
    %dma_wait3A_636 = arith.constant 0 : i32
    %dma_wait3A_637 = tpu.memref_slice %arg9[%dma_wait3A_635, %dma_wait3A_636] : memref<87x128xf32, #tpu.memory_space<vmem_shared>> -> memref<87x128xf32, #tpu.memory_space<vmem_shared>>
    tpu.wait_indirect_dma semaphore(%arg12 : memref<!tpu.dma_semaphore, #tpu.memory_space<semaphore_mem>>) src(%dma_wait3A_637 : memref<87x128xf32, #tpu.memory_space<vmem_shared>>) dst(%dma_wait3A_632 : memref<128x128xf32, #tpu.memory_space<vmem>>)
    %dma_start3A_638 = arith.constant 0 : i32
    %dma_start3A_639 = tpu.memref_slice %arg4[%multiple_of3A_30, %dma_start3A_638] : memref<100000x128xf32, #tpu.memory_space<hbm>> -> memref<256x128xf32, #tpu.memory_space<hbm>>
    %dma_start3A_640 = arith.constant 0 : i32
    %dma_start3A_641 = tpu.memref_slice %arg4[%multiple_of3A_30, %dma_start3A_640] : memref<100000x128xf32, #tpu.memory_space<hbm>> -> memref<256x128xf32, #tpu.memory_space<hbm>>
    tpu.enqueue_dma source(%arg8 : memref<256x128xf32, #tpu.memory_space<vmem>>) target(%dma_start3A_641 : memref<256x128xf32, #tpu.memory_space<hbm>>) target_semaphore(%arg14 : memref<!tpu.dma_semaphore, #tpu.memory_space<semaphore_mem>>)
    %dma_start3A_642 = arith.constant 0 : i32
    %dma_start3A_643 = tpu.memref_slice %arg5[%multiple_of3A_30, %dma_start3A_642] : memref<100000x128xf32, #tpu.memory_space<hbm>> -> memref<256x128xf32, #tpu.memory_space<hbm>>
    %dma_start3A_644 = arith.constant 0 : i32
    %dma_start3A_645 = tpu.memref_slice %arg5[%multiple_of3A_30, %dma_start3A_644] : memref<100000x128xf32, #tpu.memory_space<hbm>> -> memref<256x128xf32, #tpu.memory_space<hbm>>
    tpu.enqueue_dma source(%arg8 : memref<256x128xf32, #tpu.memory_space<vmem>>) target(%dma_start3A_645 : memref<256x128xf32, #tpu.memory_space<hbm>>) target_semaphore(%arg14 : memref<!tpu.dma_semaphore, #tpu.memory_space<semaphore_mem>>)
    %dma_wait3A_646 = arith.constant 0 : i32
    %dma_wait3A_647 = tpu.memref_slice %arg4[%multiple_of3A_30, %dma_wait3A_646] : memref<100000x128xf32, #tpu.memory_space<hbm>> -> memref<256x128xf32, #tpu.memory_space<hbm>>
    %dma_wait3A_648 = arith.constant 0 : i32
    %dma_wait3A_649 = tpu.memref_slice %arg4[%multiple_of3A_30, %dma_wait3A_648] : memref<100000x128xf32, #tpu.memory_space<hbm>> -> memref<256x128xf32, #tpu.memory_space<hbm>>
    tpu.wait_dma2 semaphore(%arg14 : memref<!tpu.dma_semaphore, #tpu.memory_space<semaphore_mem>>) src(%arg8 : memref<256x128xf32, #tpu.memory_space<vmem>>) dst(%dma_wait3A_649 : memref<256x128xf32, #tpu.memory_space<hbm>>)
    %dma_wait3A_650 = arith.constant 0 : i32
    %dma_wait3A_651 = tpu.memref_slice %arg5[%multiple_of3A_30, %dma_wait3A_650] : memref<100000x128xf32, #tpu.memory_space<hbm>> -> memref<256x128xf32, #tpu.memory_space<hbm>>
    %dma_wait3A_652 = arith.constant 0 : i32
    %dma_wait3A_653 = tpu.memref_slice %arg5[%multiple_of3A_30, %dma_wait3A_652] : memref<100000x128xf32, #tpu.memory_space<hbm>> -> memref<256x128xf32, #tpu.memory_space<hbm>>
    tpu.wait_dma2 semaphore(%arg14 : memref<!tpu.dma_semaphore, #tpu.memory_space<semaphore_mem>>) src(%arg8 : memref<256x128xf32, #tpu.memory_space<vmem>>) dst(%dma_wait3A_653 : memref<256x128xf32, #tpu.memory_space<hbm>>)
    %dma_wait3A_654 = arith.constant 1792 : i32
    %dma_wait3A_655 = tpu.memref_slice %arg6[%dma_wait3A_654] : memref<3200xi32, #tpu.memory_space<vmem>> -> memref<128xi32, #tpu.memory_space<vmem>>
    %dma_wait3A_656 = tpu.memref_slice %arg2[%add3A_178] : memref<100000xi32, #tpu.memory_space<hbm>> -> memref<128xi32, #tpu.memory_space<hbm>>
    %dma_wait3A_657 = arith.constant 1792 : i32
    %dma_wait3A_658 = tpu.memref_slice %arg6[%dma_wait3A_657] : memref<3200xi32, #tpu.memory_space<vmem>> -> memref<128xi32, #tpu.memory_space<vmem>>
    %dma_wait3A_659 = tpu.memref_slice %arg2[%add3A_178] : memref<100000xi32, #tpu.memory_space<hbm>> -> memref<128xi32, #tpu.memory_space<hbm>>
    tpu.wait_dma2 semaphore(%arg10 : memref<!tpu.dma_semaphore, #tpu.memory_space<semaphore_mem>>) src(%dma_wait3A_659 : memref<128xi32, #tpu.memory_space<hbm>>) dst(%dma_wait3A_658 : memref<128xi32, #tpu.memory_space<vmem>>)
    %dma_wait3A_660 = arith.constant 1920 : i32
    %dma_wait3A_661 = tpu.memref_slice %arg6[%dma_wait3A_660] : memref<3200xi32, #tpu.memory_space<vmem>> -> memref<128xi32, #tpu.memory_space<vmem>>
    %dma_wait3A_662 = tpu.memref_slice %arg2[%add3A_186] : memref<100000xi32, #tpu.memory_space<hbm>> -> memref<128xi32, #tpu.memory_space<hbm>>
    %dma_wait3A_663 = arith.constant 1920 : i32
    %dma_wait3A_664 = tpu.memref_slice %arg6[%dma_wait3A_663] : memref<3200xi32, #tpu.memory_space<vmem>> -> memref<128xi32, #tpu.memory_space<vmem>>
    %dma_wait3A_665 = tpu.memref_slice %arg2[%add3A_186] : memref<100000xi32, #tpu.memory_space<hbm>> -> memref<128xi32, #tpu.memory_space<hbm>>
    tpu.wait_dma2 semaphore(%arg10 : memref<!tpu.dma_semaphore, #tpu.memory_space<semaphore_mem>>) src(%dma_wait3A_665 : memref<128xi32, #tpu.memory_space<hbm>>) dst(%dma_wait3A_664 : memref<128xi32, #tpu.memory_space<vmem>>)
    %dma_start3A_666 = arith.constant 0 : i32
    %dma_start3A_667 = arith.constant 0 : i32
    %dma_start3A_668 = tpu.memref_slice %arg8[%dma_start3A_666, %dma_start3A_667] : memref<256x128xf32, #tpu.memory_space<vmem>> -> memref<128x128xf32, #tpu.memory_space<vmem>>
    %dma_start3A_669 = arith.constant 1792 : i32
    %dma_start3A_670 = tpu.memref_slice %arg6[%dma_start3A_669] : memref<3200xi32, #tpu.memory_space<vmem>> -> memref<128xi32, #tpu.memory_space<vmem>>
    %dma_start3A_671 = arith.constant 0 : i32
    %dma_start3A_672 = arith.constant 0 : i32
    %dma_start3A_673 = tpu.memref_slice %arg9[%dma_start3A_671, %dma_start3A_672] : memref<87x128xf32, #tpu.memory_space<vmem_shared>> -> memref<87x128xf32, #tpu.memory_space<vmem_shared>>
    tpu.enqueue_indirect_dma source(%dma_start3A_673 : memref<87x128xf32, #tpu.memory_space<vmem_shared>>) target(%dma_start3A_668 : memref<128x128xf32, #tpu.memory_space<vmem>>) offsets(%dma_start3A_670 : memref<128xi32, #tpu.memory_space<vmem>>) semaphore(%arg12 : memref<!tpu.dma_semaphore, #tpu.memory_space<semaphore_mem>>)
    %dma_start3A_674 = arith.constant 128 : i32
    %dma_start3A_675 = arith.constant 0 : i32
    %dma_start3A_676 = tpu.memref_slice %arg8[%dma_start3A_674, %dma_start3A_675] : memref<256x128xf32, #tpu.memory_space<vmem>> -> memref<128x128xf32, #tpu.memory_space<vmem>>
    %dma_start3A_677 = arith.constant 1920 : i32
    %dma_start3A_678 = tpu.memref_slice %arg6[%dma_start3A_677] : memref<3200xi32, #tpu.memory_space<vmem>> -> memref<128xi32, #tpu.memory_space<vmem>>
    %dma_start3A_679 = arith.constant 0 : i32
    %dma_start3A_680 = arith.constant 0 : i32
    %dma_start3A_681 = tpu.memref_slice %arg9[%dma_start3A_679, %dma_start3A_680] : memref<87x128xf32, #tpu.memory_space<vmem_shared>> -> memref<87x128xf32, #tpu.memory_space<vmem_shared>>
    tpu.enqueue_indirect_dma source(%dma_start3A_681 : memref<87x128xf32, #tpu.memory_space<vmem_shared>>) target(%dma_start3A_676 : memref<128x128xf32, #tpu.memory_space<vmem>>) offsets(%dma_start3A_678 : memref<128xi32, #tpu.memory_space<vmem>>) semaphore(%arg12 : memref<!tpu.dma_semaphore, #tpu.memory_space<semaphore_mem>>)
    %dma_wait3A_682 = arith.constant 0 : i32
    %dma_wait3A_683 = arith.constant 0 : i32
    %dma_wait3A_684 = tpu.memref_slice %arg7[%dma_wait3A_682, %dma_wait3A_683] : memref<256x128xf32, #tpu.memory_space<vmem>> -> memref<128x128xf32, #tpu.memory_space<vmem>>
    %dma_wait3A_685 = arith.constant 1536 : i32
    %dma_wait3A_686 = tpu.memref_slice %arg6[%dma_wait3A_685] : memref<3200xi32, #tpu.memory_space<vmem>> -> memref<128xi32, #tpu.memory_space<vmem>>
    %dma_wait3A_687 = arith.constant 0 : i32
    %dma_wait3A_688 = arith.constant 0 : i32
    %dma_wait3A_689 = tpu.memref_slice %arg9[%dma_wait3A_687, %dma_wait3A_688] : memref<87x128xf32, #tpu.memory_space<vmem_shared>> -> memref<87x128xf32, #tpu.memory_space<vmem_shared>>
    tpu.wait_indirect_dma semaphore(%arg11 : memref<!tpu.dma_semaphore, #tpu.memory_space<semaphore_mem>>) src(%dma_wait3A_689 : memref<87x128xf32, #tpu.memory_space<vmem_shared>>) dst(%dma_wait3A_684 : memref<128x128xf32, #tpu.memory_space<vmem>>)
    %dma_wait3A_690 = arith.constant 128 : i32
    %dma_wait3A_691 = arith.constant 0 : i32
    %dma_wait3A_692 = tpu.memref_slice %arg7[%dma_wait3A_690, %dma_wait3A_691] : memref<256x128xf32, #tpu.memory_space<vmem>> -> memref<128x128xf32, #tpu.memory_space<vmem>>
    %dma_wait3A_693 = arith.constant 1664 : i32
    %dma_wait3A_694 = tpu.memref_slice %arg6[%dma_wait3A_693] : memref<3200xi32, #tpu.memory_space<vmem>> -> memref<128xi32, #tpu.memory_space<vmem>>
    %dma_wait3A_695 = arith.constant 0 : i32
    %dma_wait3A_696 = arith.constant 0 : i32
    %dma_wait3A_697 = tpu.memref_slice %arg9[%dma_wait3A_695, %dma_wait3A_696] : memref<87x128xf32, #tpu.memory_space<vmem_shared>> -> memref<87x128xf32, #tpu.memory_space<vmem_shared>>
    tpu.wait_indirect_dma semaphore(%arg11 : memref<!tpu.dma_semaphore, #tpu.memory_space<semaphore_mem>>) src(%dma_wait3A_697 : memref<87x128xf32, #tpu.memory_space<vmem_shared>>) dst(%dma_wait3A_692 : memref<128x128xf32, #tpu.memory_space<vmem>>)
    %dma_start3A_698 = arith.constant 0 : i32
    %dma_start3A_699 = tpu.memref_slice %arg4[%multiple_of3A_35, %dma_start3A_698] : memref<100000x128xf32, #tpu.memory_space<hbm>> -> memref<256x128xf32, #tpu.memory_space<hbm>>
    %dma_start3A_700 = arith.constant 0 : i32
    %dma_start3A_701 = tpu.memref_slice %arg4[%multiple_of3A_35, %dma_start3A_700] : memref<100000x128xf32, #tpu.memory_space<hbm>> -> memref<256x128xf32, #tpu.memory_space<hbm>>
    tpu.enqueue_dma source(%arg7 : memref<256x128xf32, #tpu.memory_space<vmem>>) target(%dma_start3A_701 : memref<256x128xf32, #tpu.memory_space<hbm>>) target_semaphore(%arg13 : memref<!tpu.dma_semaphore, #tpu.memory_space<semaphore_mem>>)
    %dma_start3A_702 = arith.constant 0 : i32
    %dma_start3A_703 = tpu.memref_slice %arg5[%multiple_of3A_35, %dma_start3A_702] : memref<100000x128xf32, #tpu.memory_space<hbm>> -> memref<256x128xf32, #tpu.memory_space<hbm>>
    %dma_start3A_704 = arith.constant 0 : i32
    %dma_start3A_705 = tpu.memref_slice %arg5[%multiple_of3A_35, %dma_start3A_704] : memref<100000x128xf32, #tpu.memory_space<hbm>> -> memref<256x128xf32, #tpu.memory_space<hbm>>
    tpu.enqueue_dma source(%arg7 : memref<256x128xf32, #tpu.memory_space<vmem>>) target(%dma_start3A_705 : memref<256x128xf32, #tpu.memory_space<hbm>>) target_semaphore(%arg13 : memref<!tpu.dma_semaphore, #tpu.memory_space<semaphore_mem>>)
    %dma_wait3A_706 = arith.constant 0 : i32
    %dma_wait3A_707 = tpu.memref_slice %arg4[%multiple_of3A_35, %dma_wait3A_706] : memref<100000x128xf32, #tpu.memory_space<hbm>> -> memref<256x128xf32, #tpu.memory_space<hbm>>
    %dma_wait3A_708 = arith.constant 0 : i32
    %dma_wait3A_709 = tpu.memref_slice %arg4[%multiple_of3A_35, %dma_wait3A_708] : memref<100000x128xf32, #tpu.memory_space<hbm>> -> memref<256x128xf32, #tpu.memory_space<hbm>>
    tpu.wait_dma2 semaphore(%arg13 : memref<!tpu.dma_semaphore, #tpu.memory_space<semaphore_mem>>) src(%arg7 : memref<256x128xf32, #tpu.memory_space<vmem>>) dst(%dma_wait3A_709 : memref<256x128xf32, #tpu.memory_space<hbm>>)
    %dma_wait3A_710 = arith.constant 0 : i32
    %dma_wait3A_711 = tpu.memref_slice %arg5[%multiple_of3A_35, %dma_wait3A_710] : memref<100000x128xf32, #tpu.memory_space<hbm>> -> memref<256x128xf32, #tpu.memory_space<hbm>>
    %dma_wait3A_712 = arith.constant 0 : i32
    %dma_wait3A_713 = tpu.memref_slice %arg5[%multiple_of3A_35, %dma_wait3A_712] : memref<100000x128xf32, #tpu.memory_space<hbm>> -> memref<256x128xf32, #tpu.memory_space<hbm>>
    tpu.wait_dma2 semaphore(%arg13 : memref<!tpu.dma_semaphore, #tpu.memory_space<semaphore_mem>>) src(%arg7 : memref<256x128xf32, #tpu.memory_space<vmem>>) dst(%dma_wait3A_713 : memref<256x128xf32, #tpu.memory_space<hbm>>)
    %dma_wait3A_714 = arith.constant 2048 : i32
    %dma_wait3A_715 = tpu.memref_slice %arg6[%dma_wait3A_714] : memref<3200xi32, #tpu.memory_space<vmem>> -> memref<128xi32, #tpu.memory_space<vmem>>
    %dma_wait3A_716 = tpu.memref_slice %arg2[%add3A_194] : memref<100000xi32, #tpu.memory_space<hbm>> -> memref<128xi32, #tpu.memory_space<hbm>>
    %dma_wait3A_717 = arith.constant 2048 : i32
    %dma_wait3A_718 = tpu.memref_slice %arg6[%dma_wait3A_717] : memref<3200xi32, #tpu.memory_space<vmem>> -> memref<128xi32, #tpu.memory_space<vmem>>
    %dma_wait3A_719 = tpu.memref_slice %arg2[%add3A_194] : memref<100000xi32, #tpu.memory_space<hbm>> -> memref<128xi32, #tpu.memory_space<hbm>>
    tpu.wait_dma2 semaphore(%arg10 : memref<!tpu.dma_semaphore, #tpu.memory_space<semaphore_mem>>) src(%dma_wait3A_719 : memref<128xi32, #tpu.memory_space<hbm>>) dst(%dma_wait3A_718 : memref<128xi32, #tpu.memory_space<vmem>>)
    %dma_wait3A_720 = arith.constant 2176 : i32
    %dma_wait3A_721 = tpu.memref_slice %arg6[%dma_wait3A_720] : memref<3200xi32, #tpu.memory_space<vmem>> -> memref<128xi32, #tpu.memory_space<vmem>>
    %dma_wait3A_722 = tpu.memref_slice %arg2[%add3A_202] : memref<100000xi32, #tpu.memory_space<hbm>> -> memref<128xi32, #tpu.memory_space<hbm>>
    %dma_wait3A_723 = arith.constant 2176 : i32
    %dma_wait3A_724 = tpu.memref_slice %arg6[%dma_wait3A_723] : memref<3200xi32, #tpu.memory_space<vmem>> -> memref<128xi32, #tpu.memory_space<vmem>>
    %dma_wait3A_725 = tpu.memref_slice %arg2[%add3A_202] : memref<100000xi32, #tpu.memory_space<hbm>> -> memref<128xi32, #tpu.memory_space<hbm>>
    tpu.wait_dma2 semaphore(%arg10 : memref<!tpu.dma_semaphore, #tpu.memory_space<semaphore_mem>>) src(%dma_wait3A_725 : memref<128xi32, #tpu.memory_space<hbm>>) dst(%dma_wait3A_724 : memref<128xi32, #tpu.memory_space<vmem>>)
    %dma_start3A_726 = arith.constant 0 : i32
    %dma_start3A_727 = arith.constant 0 : i32
    %dma_start3A_728 = tpu.memref_slice %arg7[%dma_start3A_726, %dma_start3A_727] : memref<256x128xf32, #tpu.memory_space<vmem>> -> memref<128x128xf32, #tpu.memory_space<vmem>>
    %dma_start3A_729 = arith.constant 2048 : i32
    %dma_start3A_730 = tpu.memref_slice %arg6[%dma_start3A_729] : memref<3200xi32, #tpu.memory_space<vmem>> -> memref<128xi32, #tpu.memory_space<vmem>>
    %dma_start3A_731 = arith.constant 0 : i32
    %dma_start3A_732 = arith.constant 0 : i32
    %dma_start3A_733 = tpu.memref_slice %arg9[%dma_start3A_731, %dma_start3A_732] : memref<87x128xf32, #tpu.memory_space<vmem_shared>> -> memref<87x128xf32, #tpu.memory_space<vmem_shared>>
    tpu.enqueue_indirect_dma source(%dma_start3A_733 : memref<87x128xf32, #tpu.memory_space<vmem_shared>>) target(%dma_start3A_728 : memref<128x128xf32, #tpu.memory_space<vmem>>) offsets(%dma_start3A_730 : memref<128xi32, #tpu.memory_space<vmem>>) semaphore(%arg11 : memref<!tpu.dma_semaphore, #tpu.memory_space<semaphore_mem>>)
    %dma_start3A_734 = arith.constant 128 : i32
    %dma_start3A_735 = arith.constant 0 : i32
    %dma_start3A_736 = tpu.memref_slice %arg7[%dma_start3A_734, %dma_start3A_735] : memref<256x128xf32, #tpu.memory_space<vmem>> -> memref<128x128xf32, #tpu.memory_space<vmem>>
    %dma_start3A_737 = arith.constant 2176 : i32
    %dma_start3A_738 = tpu.memref_slice %arg6[%dma_start3A_737] : memref<3200xi32, #tpu.memory_space<vmem>> -> memref<128xi32, #tpu.memory_space<vmem>>
    %dma_start3A_739 = arith.constant 0 : i32
    %dma_start3A_740 = arith.constant 0 : i32
    %dma_start3A_741 = tpu.memref_slice %arg9[%dma_start3A_739, %dma_start3A_740] : memref<87x128xf32, #tpu.memory_space<vmem_shared>> -> memref<87x128xf32, #tpu.memory_space<vmem_shared>>
    tpu.enqueue_indirect_dma source(%dma_start3A_741 : memref<87x128xf32, #tpu.memory_space<vmem_shared>>) target(%dma_start3A_736 : memref<128x128xf32, #tpu.memory_space<vmem>>) offsets(%dma_start3A_738 : memref<128xi32, #tpu.memory_space<vmem>>) semaphore(%arg11 : memref<!tpu.dma_semaphore, #tpu.memory_space<semaphore_mem>>)
    %dma_wait3A_742 = arith.constant 0 : i32
    %dma_wait3A_743 = arith.constant 0 : i32
    %dma_wait3A_744 = tpu.memref_slice %arg8[%dma_wait3A_742, %dma_wait3A_743] : memref<256x128xf32, #tpu.memory_space<vmem>> -> memref<128x128xf32, #tpu.memory_space<vmem>>
    %dma_wait3A_745 = arith.constant 1792 : i32
    %dma_wait3A_746 = tpu.memref_slice %arg6[%dma_wait3A_745] : memref<3200xi32, #tpu.memory_space<vmem>> -> memref<128xi32, #tpu.memory_space<vmem>>
    %dma_wait3A_747 = arith.constant 0 : i32
    %dma_wait3A_748 = arith.constant 0 : i32
    %dma_wait3A_749 = tpu.memref_slice %arg9[%dma_wait3A_747, %dma_wait3A_748] : memref<87x128xf32, #tpu.memory_space<vmem_shared>> -> memref<87x128xf32, #tpu.memory_space<vmem_shared>>
    tpu.wait_indirect_dma semaphore(%arg12 : memref<!tpu.dma_semaphore, #tpu.memory_space<semaphore_mem>>) src(%dma_wait3A_749 : memref<87x128xf32, #tpu.memory_space<vmem_shared>>) dst(%dma_wait3A_744 : memref<128x128xf32, #tpu.memory_space<vmem>>)
    %dma_wait3A_750 = arith.constant 128 : i32
    %dma_wait3A_751 = arith.constant 0 : i32
    %dma_wait3A_752 = tpu.memref_slice %arg8[%dma_wait3A_750, %dma_wait3A_751] : memref<256x128xf32, #tpu.memory_space<vmem>> -> memref<128x128xf32, #tpu.memory_space<vmem>>
    %dma_wait3A_753 = arith.constant 1920 : i32
    %dma_wait3A_754 = tpu.memref_slice %arg6[%dma_wait3A_753] : memref<3200xi32, #tpu.memory_space<vmem>> -> memref<128xi32, #tpu.memory_space<vmem>>
    %dma_wait3A_755 = arith.constant 0 : i32
    %dma_wait3A_756 = arith.constant 0 : i32
    %dma_wait3A_757 = tpu.memref_slice %arg9[%dma_wait3A_755, %dma_wait3A_756] : memref<87x128xf32, #tpu.memory_space<vmem_shared>> -> memref<87x128xf32, #tpu.memory_space<vmem_shared>>
    tpu.wait_indirect_dma semaphore(%arg12 : memref<!tpu.dma_semaphore, #tpu.memory_space<semaphore_mem>>) src(%dma_wait3A_757 : memref<87x128xf32, #tpu.memory_space<vmem_shared>>) dst(%dma_wait3A_752 : memref<128x128xf32, #tpu.memory_space<vmem>>)
    %dma_start3A_758 = arith.constant 0 : i32
    %dma_start3A_759 = tpu.memref_slice %arg4[%multiple_of3A_40, %dma_start3A_758] : memref<100000x128xf32, #tpu.memory_space<hbm>> -> memref<256x128xf32, #tpu.memory_space<hbm>>
    %dma_start3A_760 = arith.constant 0 : i32
    %dma_start3A_761 = tpu.memref_slice %arg4[%multiple_of3A_40, %dma_start3A_760] : memref<100000x128xf32, #tpu.memory_space<hbm>> -> memref<256x128xf32, #tpu.memory_space<hbm>>
    tpu.enqueue_dma source(%arg8 : memref<256x128xf32, #tpu.memory_space<vmem>>) target(%dma_start3A_761 : memref<256x128xf32, #tpu.memory_space<hbm>>) target_semaphore(%arg14 : memref<!tpu.dma_semaphore, #tpu.memory_space<semaphore_mem>>)
    %dma_start3A_762 = arith.constant 0 : i32
    %dma_start3A_763 = tpu.memref_slice %arg5[%multiple_of3A_40, %dma_start3A_762] : memref<100000x128xf32, #tpu.memory_space<hbm>> -> memref<256x128xf32, #tpu.memory_space<hbm>>
    %dma_start3A_764 = arith.constant 0 : i32
    %dma_start3A_765 = tpu.memref_slice %arg5[%multiple_of3A_40, %dma_start3A_764] : memref<100000x128xf32, #tpu.memory_space<hbm>> -> memref<256x128xf32, #tpu.memory_space<hbm>>
    tpu.enqueue_dma source(%arg8 : memref<256x128xf32, #tpu.memory_space<vmem>>) target(%dma_start3A_765 : memref<256x128xf32, #tpu.memory_space<hbm>>) target_semaphore(%arg14 : memref<!tpu.dma_semaphore, #tpu.memory_space<semaphore_mem>>)
    %dma_wait3A_766 = arith.constant 0 : i32
    %dma_wait3A_767 = tpu.memref_slice %arg4[%multiple_of3A_40, %dma_wait3A_766] : memref<100000x128xf32, #tpu.memory_space<hbm>> -> memref<256x128xf32, #tpu.memory_space<hbm>>
    %dma_wait3A_768 = arith.constant 0 : i32
    %dma_wait3A_769 = tpu.memref_slice %arg4[%multiple_of3A_40, %dma_wait3A_768] : memref<100000x128xf32, #tpu.memory_space<hbm>> -> memref<256x128xf32, #tpu.memory_space<hbm>>
    tpu.wait_dma2 semaphore(%arg14 : memref<!tpu.dma_semaphore, #tpu.memory_space<semaphore_mem>>) src(%arg8 : memref<256x128xf32, #tpu.memory_space<vmem>>) dst(%dma_wait3A_769 : memref<256x128xf32, #tpu.memory_space<hbm>>)
    %dma_wait3A_770 = arith.constant 0 : i32
    %dma_wait3A_771 = tpu.memref_slice %arg5[%multiple_of3A_40, %dma_wait3A_770] : memref<100000x128xf32, #tpu.memory_space<hbm>> -> memref<256x128xf32, #tpu.memory_space<hbm>>
    %dma_wait3A_772 = arith.constant 0 : i32
    %dma_wait3A_773 = tpu.memref_slice %arg5[%multiple_of3A_40, %dma_wait3A_772] : memref<100000x128xf32, #tpu.memory_space<hbm>> -> memref<256x128xf32, #tpu.memory_space<hbm>>
    tpu.wait_dma2 semaphore(%arg14 : memref<!tpu.dma_semaphore, #tpu.memory_space<semaphore_mem>>) src(%arg8 : memref<256x128xf32, #tpu.memory_space<vmem>>) dst(%dma_wait3A_773 : memref<256x128xf32, #tpu.memory_space<hbm>>)
    %dma_wait3A_774 = arith.constant 2304 : i32
    %dma_wait3A_775 = tpu.memref_slice %arg6[%dma_wait3A_774] : memref<3200xi32, #tpu.memory_space<vmem>> -> memref<128xi32, #tpu.memory_space<vmem>>
    %dma_wait3A_776 = tpu.memref_slice %arg2[%add3A_210] : memref<100000xi32, #tpu.memory_space<hbm>> -> memref<128xi32, #tpu.memory_space<hbm>>
    %dma_wait3A_777 = arith.constant 2304 : i32
    %dma_wait3A_778 = tpu.memref_slice %arg6[%dma_wait3A_777] : memref<3200xi32, #tpu.memory_space<vmem>> -> memref<128xi32, #tpu.memory_space<vmem>>
    %dma_wait3A_779 = tpu.memref_slice %arg2[%add3A_210] : memref<100000xi32, #tpu.memory_space<hbm>> -> memref<128xi32, #tpu.memory_space<hbm>>
    tpu.wait_dma2 semaphore(%arg10 : memref<!tpu.dma_semaphore, #tpu.memory_space<semaphore_mem>>) src(%dma_wait3A_779 : memref<128xi32, #tpu.memory_space<hbm>>) dst(%dma_wait3A_778 : memref<128xi32, #tpu.memory_space<vmem>>)
    %dma_wait3A_780 = arith.constant 2432 : i32
    %dma_wait3A_781 = tpu.memref_slice %arg6[%dma_wait3A_780] : memref<3200xi32, #tpu.memory_space<vmem>> -> memref<128xi32, #tpu.memory_space<vmem>>
    %dma_wait3A_782 = tpu.memref_slice %arg2[%add3A_218] : memref<100000xi32, #tpu.memory_space<hbm>> -> memref<128xi32, #tpu.memory_space<hbm>>
    %dma_wait3A_783 = arith.constant 2432 : i32
    %dma_wait3A_784 = tpu.memref_slice %arg6[%dma_wait3A_783] : memref<3200xi32, #tpu.memory_space<vmem>> -> memref<128xi32, #tpu.memory_space<vmem>>
    %dma_wait3A_785 = tpu.memref_slice %arg2[%add3A_218] : memref<100000xi32, #tpu.memory_space<hbm>> -> memref<128xi32, #tpu.memory_space<hbm>>
    tpu.wait_dma2 semaphore(%arg10 : memref<!tpu.dma_semaphore, #tpu.memory_space<semaphore_mem>>) src(%dma_wait3A_785 : memref<128xi32, #tpu.memory_space<hbm>>) dst(%dma_wait3A_784 : memref<128xi32, #tpu.memory_space<vmem>>)
    %dma_start3A_786 = arith.constant 0 : i32
    %dma_start3A_787 = arith.constant 0 : i32
    %dma_start3A_788 = tpu.memref_slice %arg8[%dma_start3A_786, %dma_start3A_787] : memref<256x128xf32, #tpu.memory_space<vmem>> -> memref<128x128xf32, #tpu.memory_space<vmem>>
    %dma_start3A_789 = arith.constant 2304 : i32
    %dma_start3A_790 = tpu.memref_slice %arg6[%dma_start3A_789] : memref<3200xi32, #tpu.memory_space<vmem>> -> memref<128xi32, #tpu.memory_space<vmem>>
    %dma_start3A_791 = arith.constant 0 : i32
    %dma_start3A_792 = arith.constant 0 : i32
    %dma_start3A_793 = tpu.memref_slice %arg9[%dma_start3A_791, %dma_start3A_792] : memref<87x128xf32, #tpu.memory_space<vmem_shared>> -> memref<87x128xf32, #tpu.memory_space<vmem_shared>>
    tpu.enqueue_indirect_dma source(%dma_start3A_793 : memref<87x128xf32, #tpu.memory_space<vmem_shared>>) target(%dma_start3A_788 : memref<128x128xf32, #tpu.memory_space<vmem>>) offsets(%dma_start3A_790 : memref<128xi32, #tpu.memory_space<vmem>>) semaphore(%arg12 : memref<!tpu.dma_semaphore, #tpu.memory_space<semaphore_mem>>)
    %dma_start3A_794 = arith.constant 128 : i32
    %dma_start3A_795 = arith.constant 0 : i32
    %dma_start3A_796 = tpu.memref_slice %arg8[%dma_start3A_794, %dma_start3A_795] : memref<256x128xf32, #tpu.memory_space<vmem>> -> memref<128x128xf32, #tpu.memory_space<vmem>>
    %dma_start3A_797 = arith.constant 2432 : i32
    %dma_start3A_798 = tpu.memref_slice %arg6[%dma_start3A_797] : memref<3200xi32, #tpu.memory_space<vmem>> -> memref<128xi32, #tpu.memory_space<vmem>>
    %dma_start3A_799 = arith.constant 0 : i32
    %dma_start3A_800 = arith.constant 0 : i32
    %dma_start3A_801 = tpu.memref_slice %arg9[%dma_start3A_799, %dma_start3A_800] : memref<87x128xf32, #tpu.memory_space<vmem_shared>> -> memref<87x128xf32, #tpu.memory_space<vmem_shared>>
    tpu.enqueue_indirect_dma source(%dma_start3A_801 : memref<87x128xf32, #tpu.memory_space<vmem_shared>>) target(%dma_start3A_796 : memref<128x128xf32, #tpu.memory_space<vmem>>) offsets(%dma_start3A_798 : memref<128xi32, #tpu.memory_space<vmem>>) semaphore(%arg12 : memref<!tpu.dma_semaphore, #tpu.memory_space<semaphore_mem>>)
    %dma_wait3A_802 = arith.constant 0 : i32
    %dma_wait3A_803 = arith.constant 0 : i32
    %dma_wait3A_804 = tpu.memref_slice %arg7[%dma_wait3A_802, %dma_wait3A_803] : memref<256x128xf32, #tpu.memory_space<vmem>> -> memref<128x128xf32, #tpu.memory_space<vmem>>
    %dma_wait3A_805 = arith.constant 2048 : i32
    %dma_wait3A_806 = tpu.memref_slice %arg6[%dma_wait3A_805] : memref<3200xi32, #tpu.memory_space<vmem>> -> memref<128xi32, #tpu.memory_space<vmem>>
    %dma_wait3A_807 = arith.constant 0 : i32
    %dma_wait3A_808 = arith.constant 0 : i32
    %dma_wait3A_809 = tpu.memref_slice %arg9[%dma_wait3A_807, %dma_wait3A_808] : memref<87x128xf32, #tpu.memory_space<vmem_shared>> -> memref<87x128xf32, #tpu.memory_space<vmem_shared>>
    tpu.wait_indirect_dma semaphore(%arg11 : memref<!tpu.dma_semaphore, #tpu.memory_space<semaphore_mem>>) src(%dma_wait3A_809 : memref<87x128xf32, #tpu.memory_space<vmem_shared>>) dst(%dma_wait3A_804 : memref<128x128xf32, #tpu.memory_space<vmem>>)
    %dma_wait3A_810 = arith.constant 128 : i32
    %dma_wait3A_811 = arith.constant 0 : i32
    %dma_wait3A_812 = tpu.memref_slice %arg7[%dma_wait3A_810, %dma_wait3A_811] : memref<256x128xf32, #tpu.memory_space<vmem>> -> memref<128x128xf32, #tpu.memory_space<vmem>>
    %dma_wait3A_813 = arith.constant 2176 : i32
    %dma_wait3A_814 = tpu.memref_slice %arg6[%dma_wait3A_813] : memref<3200xi32, #tpu.memory_space<vmem>> -> memref<128xi32, #tpu.memory_space<vmem>>
    %dma_wait3A_815 = arith.constant 0 : i32
    %dma_wait3A_816 = arith.constant 0 : i32
    %dma_wait3A_817 = tpu.memref_slice %arg9[%dma_wait3A_815, %dma_wait3A_816] : memref<87x128xf32, #tpu.memory_space<vmem_shared>> -> memref<87x128xf32, #tpu.memory_space<vmem_shared>>
    tpu.wait_indirect_dma semaphore(%arg11 : memref<!tpu.dma_semaphore, #tpu.memory_space<semaphore_mem>>) src(%dma_wait3A_817 : memref<87x128xf32, #tpu.memory_space<vmem_shared>>) dst(%dma_wait3A_812 : memref<128x128xf32, #tpu.memory_space<vmem>>)
    %dma_start3A_818 = arith.constant 0 : i32
    %dma_start3A_819 = tpu.memref_slice %arg4[%multiple_of3A_45, %dma_start3A_818] : memref<100000x128xf32, #tpu.memory_space<hbm>> -> memref<256x128xf32, #tpu.memory_space<hbm>>
    %dma_start3A_820 = arith.constant 0 : i32
    %dma_start3A_821 = tpu.memref_slice %arg4[%multiple_of3A_45, %dma_start3A_820] : memref<100000x128xf32, #tpu.memory_space<hbm>> -> memref<256x128xf32, #tpu.memory_space<hbm>>
    tpu.enqueue_dma source(%arg7 : memref<256x128xf32, #tpu.memory_space<vmem>>) target(%dma_start3A_821 : memref<256x128xf32, #tpu.memory_space<hbm>>) target_semaphore(%arg13 : memref<!tpu.dma_semaphore, #tpu.memory_space<semaphore_mem>>)
    %dma_start3A_822 = arith.constant 0 : i32
    %dma_start3A_823 = tpu.memref_slice %arg5[%multiple_of3A_45, %dma_start3A_822] : memref<100000x128xf32, #tpu.memory_space<hbm>> -> memref<256x128xf32, #tpu.memory_space<hbm>>
    %dma_start3A_824 = arith.constant 0 : i32
    %dma_start3A_825 = tpu.memref_slice %arg5[%multiple_of3A_45, %dma_start3A_824] : memref<100000x128xf32, #tpu.memory_space<hbm>> -> memref<256x128xf32, #tpu.memory_space<hbm>>
    tpu.enqueue_dma source(%arg7 : memref<256x128xf32, #tpu.memory_space<vmem>>) target(%dma_start3A_825 : memref<256x128xf32, #tpu.memory_space<hbm>>) target_semaphore(%arg13 : memref<!tpu.dma_semaphore, #tpu.memory_space<semaphore_mem>>)
    %dma_wait3A_826 = arith.constant 0 : i32
    %dma_wait3A_827 = tpu.memref_slice %arg4[%multiple_of3A_45, %dma_wait3A_826] : memref<100000x128xf32, #tpu.memory_space<hbm>> -> memref<256x128xf32, #tpu.memory_space<hbm>>
    %dma_wait3A_828 = arith.constant 0 : i32
    %dma_wait3A_829 = tpu.memref_slice %arg4[%multiple_of3A_45, %dma_wait3A_828] : memref<100000x128xf32, #tpu.memory_space<hbm>> -> memref<256x128xf32, #tpu.memory_space<hbm>>
    tpu.wait_dma2 semaphore(%arg13 : memref<!tpu.dma_semaphore, #tpu.memory_space<semaphore_mem>>) src(%arg7 : memref<256x128xf32, #tpu.memory_space<vmem>>) dst(%dma_wait3A_829 : memref<256x128xf32, #tpu.memory_space<hbm>>)
    %dma_wait3A_830 = arith.constant 0 : i32
    %dma_wait3A_831 = tpu.memref_slice %arg5[%multiple_of3A_45, %dma_wait3A_830] : memref<100000x128xf32, #tpu.memory_space<hbm>> -> memref<256x128xf32, #tpu.memory_space<hbm>>
    %dma_wait3A_832 = arith.constant 0 : i32
    %dma_wait3A_833 = tpu.memref_slice %arg5[%multiple_of3A_45, %dma_wait3A_832] : memref<100000x128xf32, #tpu.memory_space<hbm>> -> memref<256x128xf32, #tpu.memory_space<hbm>>
    tpu.wait_dma2 semaphore(%arg13 : memref<!tpu.dma_semaphore, #tpu.memory_space<semaphore_mem>>) src(%arg7 : memref<256x128xf32, #tpu.memory_space<vmem>>) dst(%dma_wait3A_833 : memref<256x128xf32, #tpu.memory_space<hbm>>)
    %dma_wait3A_834 = arith.constant 2560 : i32
    %dma_wait3A_835 = tpu.memref_slice %arg6[%dma_wait3A_834] : memref<3200xi32, #tpu.memory_space<vmem>> -> memref<128xi32, #tpu.memory_space<vmem>>
    %dma_wait3A_836 = tpu.memref_slice %arg2[%add3A_226] : memref<100000xi32, #tpu.memory_space<hbm>> -> memref<128xi32, #tpu.memory_space<hbm>>
    %dma_wait3A_837 = arith.constant 2560 : i32
    %dma_wait3A_838 = tpu.memref_slice %arg6[%dma_wait3A_837] : memref<3200xi32, #tpu.memory_space<vmem>> -> memref<128xi32, #tpu.memory_space<vmem>>
    %dma_wait3A_839 = tpu.memref_slice %arg2[%add3A_226] : memref<100000xi32, #tpu.memory_space<hbm>> -> memref<128xi32, #tpu.memory_space<hbm>>
    tpu.wait_dma2 semaphore(%arg10 : memref<!tpu.dma_semaphore, #tpu.memory_space<semaphore_mem>>) src(%dma_wait3A_839 : memref<128xi32, #tpu.memory_space<hbm>>) dst(%dma_wait3A_838 : memref<128xi32, #tpu.memory_space<vmem>>)
    %dma_wait3A_840 = arith.constant 2688 : i32
    %dma_wait3A_841 = tpu.memref_slice %arg6[%dma_wait3A_840] : memref<3200xi32, #tpu.memory_space<vmem>> -> memref<128xi32, #tpu.memory_space<vmem>>
    %dma_wait3A_842 = tpu.memref_slice %arg2[%add3A_234] : memref<100000xi32, #tpu.memory_space<hbm>> -> memref<128xi32, #tpu.memory_space<hbm>>
    %dma_wait3A_843 = arith.constant 2688 : i32
    %dma_wait3A_844 = tpu.memref_slice %arg6[%dma_wait3A_843] : memref<3200xi32, #tpu.memory_space<vmem>> -> memref<128xi32, #tpu.memory_space<vmem>>
    %dma_wait3A_845 = tpu.memref_slice %arg2[%add3A_234] : memref<100000xi32, #tpu.memory_space<hbm>> -> memref<128xi32, #tpu.memory_space<hbm>>
    tpu.wait_dma2 semaphore(%arg10 : memref<!tpu.dma_semaphore, #tpu.memory_space<semaphore_mem>>) src(%dma_wait3A_845 : memref<128xi32, #tpu.memory_space<hbm>>) dst(%dma_wait3A_844 : memref<128xi32, #tpu.memory_space<vmem>>)
    %dma_start3A_846 = arith.constant 0 : i32
    %dma_start3A_847 = arith.constant 0 : i32
    %dma_start3A_848 = tpu.memref_slice %arg7[%dma_start3A_846, %dma_start3A_847] : memref<256x128xf32, #tpu.memory_space<vmem>> -> memref<128x128xf32, #tpu.memory_space<vmem>>
    %dma_start3A_849 = arith.constant 2560 : i32
    %dma_start3A_850 = tpu.memref_slice %arg6[%dma_start3A_849] : memref<3200xi32, #tpu.memory_space<vmem>> -> memref<128xi32, #tpu.memory_space<vmem>>
    %dma_start3A_851 = arith.constant 0 : i32
    %dma_start3A_852 = arith.constant 0 : i32
    %dma_start3A_853 = tpu.memref_slice %arg9[%dma_start3A_851, %dma_start3A_852] : memref<87x128xf32, #tpu.memory_space<vmem_shared>> -> memref<87x128xf32, #tpu.memory_space<vmem_shared>>
    tpu.enqueue_indirect_dma source(%dma_start3A_853 : memref<87x128xf32, #tpu.memory_space<vmem_shared>>) target(%dma_start3A_848 : memref<128x128xf32, #tpu.memory_space<vmem>>) offsets(%dma_start3A_850 : memref<128xi32, #tpu.memory_space<vmem>>) semaphore(%arg11 : memref<!tpu.dma_semaphore, #tpu.memory_space<semaphore_mem>>)
    %dma_start3A_854 = arith.constant 128 : i32
    %dma_start3A_855 = arith.constant 0 : i32
    %dma_start3A_856 = tpu.memref_slice %arg7[%dma_start3A_854, %dma_start3A_855] : memref<256x128xf32, #tpu.memory_space<vmem>> -> memref<128x128xf32, #tpu.memory_space<vmem>>
    %dma_start3A_857 = arith.constant 2688 : i32
    %dma_start3A_858 = tpu.memref_slice %arg6[%dma_start3A_857] : memref<3200xi32, #tpu.memory_space<vmem>> -> memref<128xi32, #tpu.memory_space<vmem>>
    %dma_start3A_859 = arith.constant 0 : i32
    %dma_start3A_860 = arith.constant 0 : i32
    %dma_start3A_861 = tpu.memref_slice %arg9[%dma_start3A_859, %dma_start3A_860] : memref<87x128xf32, #tpu.memory_space<vmem_shared>> -> memref<87x128xf32, #tpu.memory_space<vmem_shared>>
    tpu.enqueue_indirect_dma source(%dma_start3A_861 : memref<87x128xf32, #tpu.memory_space<vmem_shared>>) target(%dma_start3A_856 : memref<128x128xf32, #tpu.memory_space<vmem>>) offsets(%dma_start3A_858 : memref<128xi32, #tpu.memory_space<vmem>>) semaphore(%arg11 : memref<!tpu.dma_semaphore, #tpu.memory_space<semaphore_mem>>)
    %dma_wait3A_862 = arith.constant 0 : i32
    %dma_wait3A_863 = arith.constant 0 : i32
    %dma_wait3A_864 = tpu.memref_slice %arg8[%dma_wait3A_862, %dma_wait3A_863] : memref<256x128xf32, #tpu.memory_space<vmem>> -> memref<128x128xf32, #tpu.memory_space<vmem>>
    %dma_wait3A_865 = arith.constant 2304 : i32
    %dma_wait3A_866 = tpu.memref_slice %arg6[%dma_wait3A_865] : memref<3200xi32, #tpu.memory_space<vmem>> -> memref<128xi32, #tpu.memory_space<vmem>>
    %dma_wait3A_867 = arith.constant 0 : i32
    %dma_wait3A_868 = arith.constant 0 : i32
    %dma_wait3A_869 = tpu.memref_slice %arg9[%dma_wait3A_867, %dma_wait3A_868] : memref<87x128xf32, #tpu.memory_space<vmem_shared>> -> memref<87x128xf32, #tpu.memory_space<vmem_shared>>
    tpu.wait_indirect_dma semaphore(%arg12 : memref<!tpu.dma_semaphore, #tpu.memory_space<semaphore_mem>>) src(%dma_wait3A_869 : memref<87x128xf32, #tpu.memory_space<vmem_shared>>) dst(%dma_wait3A_864 : memref<128x128xf32, #tpu.memory_space<vmem>>)
    %dma_wait3A_870 = arith.constant 128 : i32
    %dma_wait3A_871 = arith.constant 0 : i32
    %dma_wait3A_872 = tpu.memref_slice %arg8[%dma_wait3A_870, %dma_wait3A_871] : memref<256x128xf32, #tpu.memory_space<vmem>> -> memref<128x128xf32, #tpu.memory_space<vmem>>
    %dma_wait3A_873 = arith.constant 2432 : i32
    %dma_wait3A_874 = tpu.memref_slice %arg6[%dma_wait3A_873] : memref<3200xi32, #tpu.memory_space<vmem>> -> memref<128xi32, #tpu.memory_space<vmem>>
    %dma_wait3A_875 = arith.constant 0 : i32
    %dma_wait3A_876 = arith.constant 0 : i32
    %dma_wait3A_877 = tpu.memref_slice %arg9[%dma_wait3A_875, %dma_wait3A_876] : memref<87x128xf32, #tpu.memory_space<vmem_shared>> -> memref<87x128xf32, #tpu.memory_space<vmem_shared>>
    tpu.wait_indirect_dma semaphore(%arg12 : memref<!tpu.dma_semaphore, #tpu.memory_space<semaphore_mem>>) src(%dma_wait3A_877 : memref<87x128xf32, #tpu.memory_space<vmem_shared>>) dst(%dma_wait3A_872 : memref<128x128xf32, #tpu.memory_space<vmem>>)
    %dma_start3A_878 = arith.constant 0 : i32
    %dma_start3A_879 = tpu.memref_slice %arg4[%multiple_of3A_50, %dma_start3A_878] : memref<100000x128xf32, #tpu.memory_space<hbm>> -> memref<256x128xf32, #tpu.memory_space<hbm>>
    %dma_start3A_880 = arith.constant 0 : i32
    %dma_start3A_881 = tpu.memref_slice %arg4[%multiple_of3A_50, %dma_start3A_880] : memref<100000x128xf32, #tpu.memory_space<hbm>> -> memref<256x128xf32, #tpu.memory_space<hbm>>
    tpu.enqueue_dma source(%arg8 : memref<256x128xf32, #tpu.memory_space<vmem>>) target(%dma_start3A_881 : memref<256x128xf32, #tpu.memory_space<hbm>>) target_semaphore(%arg14 : memref<!tpu.dma_semaphore, #tpu.memory_space<semaphore_mem>>)
    %dma_start3A_882 = arith.constant 0 : i32
    %dma_start3A_883 = tpu.memref_slice %arg5[%multiple_of3A_50, %dma_start3A_882] : memref<100000x128xf32, #tpu.memory_space<hbm>> -> memref<256x128xf32, #tpu.memory_space<hbm>>
    %dma_start3A_884 = arith.constant 0 : i32
    %dma_start3A_885 = tpu.memref_slice %arg5[%multiple_of3A_50, %dma_start3A_884] : memref<100000x128xf32, #tpu.memory_space<hbm>> -> memref<256x128xf32, #tpu.memory_space<hbm>>
    tpu.enqueue_dma source(%arg8 : memref<256x128xf32, #tpu.memory_space<vmem>>) target(%dma_start3A_885 : memref<256x128xf32, #tpu.memory_space<hbm>>) target_semaphore(%arg14 : memref<!tpu.dma_semaphore, #tpu.memory_space<semaphore_mem>>)
    %dma_wait3A_886 = arith.constant 0 : i32
    %dma_wait3A_887 = tpu.memref_slice %arg4[%multiple_of3A_50, %dma_wait3A_886] : memref<100000x128xf32, #tpu.memory_space<hbm>> -> memref<256x128xf32, #tpu.memory_space<hbm>>
    %dma_wait3A_888 = arith.constant 0 : i32
    %dma_wait3A_889 = tpu.memref_slice %arg4[%multiple_of3A_50, %dma_wait3A_888] : memref<100000x128xf32, #tpu.memory_space<hbm>> -> memref<256x128xf32, #tpu.memory_space<hbm>>
    tpu.wait_dma2 semaphore(%arg14 : memref<!tpu.dma_semaphore, #tpu.memory_space<semaphore_mem>>) src(%arg8 : memref<256x128xf32, #tpu.memory_space<vmem>>) dst(%dma_wait3A_889 : memref<256x128xf32, #tpu.memory_space<hbm>>)
    %dma_wait3A_890 = arith.constant 0 : i32
    %dma_wait3A_891 = tpu.memref_slice %arg5[%multiple_of3A_50, %dma_wait3A_890] : memref<100000x128xf32, #tpu.memory_space<hbm>> -> memref<256x128xf32, #tpu.memory_space<hbm>>
    %dma_wait3A_892 = arith.constant 0 : i32
    %dma_wait3A_893 = tpu.memref_slice %arg5[%multiple_of3A_50, %dma_wait3A_892] : memref<100000x128xf32, #tpu.memory_space<hbm>> -> memref<256x128xf32, #tpu.memory_space<hbm>>
    tpu.wait_dma2 semaphore(%arg14 : memref<!tpu.dma_semaphore, #tpu.memory_space<semaphore_mem>>) src(%arg8 : memref<256x128xf32, #tpu.memory_space<vmem>>) dst(%dma_wait3A_893 : memref<256x128xf32, #tpu.memory_space<hbm>>)
    %dma_wait3A_894 = arith.constant 2816 : i32
    %dma_wait3A_895 = tpu.memref_slice %arg6[%dma_wait3A_894] : memref<3200xi32, #tpu.memory_space<vmem>> -> memref<128xi32, #tpu.memory_space<vmem>>
    %dma_wait3A_896 = tpu.memref_slice %arg2[%add3A_242] : memref<100000xi32, #tpu.memory_space<hbm>> -> memref<128xi32, #tpu.memory_space<hbm>>
    %dma_wait3A_897 = arith.constant 2816 : i32
    %dma_wait3A_898 = tpu.memref_slice %arg6[%dma_wait3A_897] : memref<3200xi32, #tpu.memory_space<vmem>> -> memref<128xi32, #tpu.memory_space<vmem>>
    %dma_wait3A_899 = tpu.memref_slice %arg2[%add3A_242] : memref<100000xi32, #tpu.memory_space<hbm>> -> memref<128xi32, #tpu.memory_space<hbm>>
    tpu.wait_dma2 semaphore(%arg10 : memref<!tpu.dma_semaphore, #tpu.memory_space<semaphore_mem>>) src(%dma_wait3A_899 : memref<128xi32, #tpu.memory_space<hbm>>) dst(%dma_wait3A_898 : memref<128xi32, #tpu.memory_space<vmem>>)
    %dma_wait3A_900 = arith.constant 2944 : i32
    %dma_wait3A_901 = tpu.memref_slice %arg6[%dma_wait3A_900] : memref<3200xi32, #tpu.memory_space<vmem>> -> memref<128xi32, #tpu.memory_space<vmem>>
    %dma_wait3A_902 = tpu.memref_slice %arg2[%add3A_250] : memref<100000xi32, #tpu.memory_space<hbm>> -> memref<128xi32, #tpu.memory_space<hbm>>
    %dma_wait3A_903 = arith.constant 2944 : i32
    %dma_wait3A_904 = tpu.memref_slice %arg6[%dma_wait3A_903] : memref<3200xi32, #tpu.memory_space<vmem>> -> memref<128xi32, #tpu.memory_space<vmem>>
    %dma_wait3A_905 = tpu.memref_slice %arg2[%add3A_250] : memref<100000xi32, #tpu.memory_space<hbm>> -> memref<128xi32, #tpu.memory_space<hbm>>
    tpu.wait_dma2 semaphore(%arg10 : memref<!tpu.dma_semaphore, #tpu.memory_space<semaphore_mem>>) src(%dma_wait3A_905 : memref<128xi32, #tpu.memory_space<hbm>>) dst(%dma_wait3A_904 : memref<128xi32, #tpu.memory_space<vmem>>)
    %dma_start3A_906 = arith.constant 0 : i32
    %dma_start3A_907 = arith.constant 0 : i32
    %dma_start3A_908 = tpu.memref_slice %arg8[%dma_start3A_906, %dma_start3A_907] : memref<256x128xf32, #tpu.memory_space<vmem>> -> memref<128x128xf32, #tpu.memory_space<vmem>>
    %dma_start3A_909 = arith.constant 2816 : i32
    %dma_start3A_910 = tpu.memref_slice %arg6[%dma_start3A_909] : memref<3200xi32, #tpu.memory_space<vmem>> -> memref<128xi32, #tpu.memory_space<vmem>>
    %dma_start3A_911 = arith.constant 0 : i32
    %dma_start3A_912 = arith.constant 0 : i32
    %dma_start3A_913 = tpu.memref_slice %arg9[%dma_start3A_911, %dma_start3A_912] : memref<87x128xf32, #tpu.memory_space<vmem_shared>> -> memref<87x128xf32, #tpu.memory_space<vmem_shared>>
    tpu.enqueue_indirect_dma source(%dma_start3A_913 : memref<87x128xf32, #tpu.memory_space<vmem_shared>>) target(%dma_start3A_908 : memref<128x128xf32, #tpu.memory_space<vmem>>) offsets(%dma_start3A_910 : memref<128xi32, #tpu.memory_space<vmem>>) semaphore(%arg12 : memref<!tpu.dma_semaphore, #tpu.memory_space<semaphore_mem>>)
    %dma_start3A_914 = arith.constant 128 : i32
    %dma_start3A_915 = arith.constant 0 : i32
    %dma_start3A_916 = tpu.memref_slice %arg8[%dma_start3A_914, %dma_start3A_915] : memref<256x128xf32, #tpu.memory_space<vmem>> -> memref<128x128xf32, #tpu.memory_space<vmem>>
    %dma_start3A_917 = arith.constant 2944 : i32
    %dma_start3A_918 = tpu.memref_slice %arg6[%dma_start3A_917] : memref<3200xi32, #tpu.memory_space<vmem>> -> memref<128xi32, #tpu.memory_space<vmem>>
    %dma_start3A_919 = arith.constant 0 : i32
    %dma_start3A_920 = arith.constant 0 : i32
    %dma_start3A_921 = tpu.memref_slice %arg9[%dma_start3A_919, %dma_start3A_920] : memref<87x128xf32, #tpu.memory_space<vmem_shared>> -> memref<87x128xf32, #tpu.memory_space<vmem_shared>>
    tpu.enqueue_indirect_dma source(%dma_start3A_921 : memref<87x128xf32, #tpu.memory_space<vmem_shared>>) target(%dma_start3A_916 : memref<128x128xf32, #tpu.memory_space<vmem>>) offsets(%dma_start3A_918 : memref<128xi32, #tpu.memory_space<vmem>>) semaphore(%arg12 : memref<!tpu.dma_semaphore, #tpu.memory_space<semaphore_mem>>)
    %dma_wait3A_922 = arith.constant 0 : i32
    %dma_wait3A_923 = arith.constant 0 : i32
    %dma_wait3A_924 = tpu.memref_slice %arg7[%dma_wait3A_922, %dma_wait3A_923] : memref<256x128xf32, #tpu.memory_space<vmem>> -> memref<128x128xf32, #tpu.memory_space<vmem>>
    %dma_wait3A_925 = arith.constant 2560 : i32
    %dma_wait3A_926 = tpu.memref_slice %arg6[%dma_wait3A_925] : memref<3200xi32, #tpu.memory_space<vmem>> -> memref<128xi32, #tpu.memory_space<vmem>>
    %dma_wait3A_927 = arith.constant 0 : i32
    %dma_wait3A_928 = arith.constant 0 : i32
    %dma_wait3A_929 = tpu.memref_slice %arg9[%dma_wait3A_927, %dma_wait3A_928] : memref<87x128xf32, #tpu.memory_space<vmem_shared>> -> memref<87x128xf32, #tpu.memory_space<vmem_shared>>
    tpu.wait_indirect_dma semaphore(%arg11 : memref<!tpu.dma_semaphore, #tpu.memory_space<semaphore_mem>>) src(%dma_wait3A_929 : memref<87x128xf32, #tpu.memory_space<vmem_shared>>) dst(%dma_wait3A_924 : memref<128x128xf32, #tpu.memory_space<vmem>>)
    %dma_wait3A_930 = arith.constant 128 : i32
    %dma_wait3A_931 = arith.constant 0 : i32
    %dma_wait3A_932 = tpu.memref_slice %arg7[%dma_wait3A_930, %dma_wait3A_931] : memref<256x128xf32, #tpu.memory_space<vmem>> -> memref<128x128xf32, #tpu.memory_space<vmem>>
    %dma_wait3A_933 = arith.constant 2688 : i32
    %dma_wait3A_934 = tpu.memref_slice %arg6[%dma_wait3A_933] : memref<3200xi32, #tpu.memory_space<vmem>> -> memref<128xi32, #tpu.memory_space<vmem>>
    %dma_wait3A_935 = arith.constant 0 : i32
    %dma_wait3A_936 = arith.constant 0 : i32
    %dma_wait3A_937 = tpu.memref_slice %arg9[%dma_wait3A_935, %dma_wait3A_936] : memref<87x128xf32, #tpu.memory_space<vmem_shared>> -> memref<87x128xf32, #tpu.memory_space<vmem_shared>>
    tpu.wait_indirect_dma semaphore(%arg11 : memref<!tpu.dma_semaphore, #tpu.memory_space<semaphore_mem>>) src(%dma_wait3A_937 : memref<87x128xf32, #tpu.memory_space<vmem_shared>>) dst(%dma_wait3A_932 : memref<128x128xf32, #tpu.memory_space<vmem>>)
    %dma_start3A_938 = arith.constant 0 : i32
    %dma_start3A_939 = tpu.memref_slice %arg4[%multiple_of3A_55, %dma_start3A_938] : memref<100000x128xf32, #tpu.memory_space<hbm>> -> memref<256x128xf32, #tpu.memory_space<hbm>>
    %dma_start3A_940 = arith.constant 0 : i32
    %dma_start3A_941 = tpu.memref_slice %arg4[%multiple_of3A_55, %dma_start3A_940] : memref<100000x128xf32, #tpu.memory_space<hbm>> -> memref<256x128xf32, #tpu.memory_space<hbm>>
    tpu.enqueue_dma source(%arg7 : memref<256x128xf32, #tpu.memory_space<vmem>>) target(%dma_start3A_941 : memref<256x128xf32, #tpu.memory_space<hbm>>) target_semaphore(%arg13 : memref<!tpu.dma_semaphore, #tpu.memory_space<semaphore_mem>>)
    %dma_start3A_942 = arith.constant 0 : i32
    %dma_start3A_943 = tpu.memref_slice %arg5[%multiple_of3A_55, %dma_start3A_942] : memref<100000x128xf32, #tpu.memory_space<hbm>> -> memref<256x128xf32, #tpu.memory_space<hbm>>
    %dma_start3A_944 = arith.constant 0 : i32
    %dma_start3A_945 = tpu.memref_slice %arg5[%multiple_of3A_55, %dma_start3A_944] : memref<100000x128xf32, #tpu.memory_space<hbm>> -> memref<256x128xf32, #tpu.memory_space<hbm>>
    tpu.enqueue_dma source(%arg7 : memref<256x128xf32, #tpu.memory_space<vmem>>) target(%dma_start3A_945 : memref<256x128xf32, #tpu.memory_space<hbm>>) target_semaphore(%arg13 : memref<!tpu.dma_semaphore, #tpu.memory_space<semaphore_mem>>)
    %dma_wait3A_946 = arith.constant 0 : i32
    %dma_wait3A_947 = tpu.memref_slice %arg4[%multiple_of3A_55, %dma_wait3A_946] : memref<100000x128xf32, #tpu.memory_space<hbm>> -> memref<256x128xf32, #tpu.memory_space<hbm>>
    %dma_wait3A_948 = arith.constant 0 : i32
    %dma_wait3A_949 = tpu.memref_slice %arg4[%multiple_of3A_55, %dma_wait3A_948] : memref<100000x128xf32, #tpu.memory_space<hbm>> -> memref<256x128xf32, #tpu.memory_space<hbm>>
    tpu.wait_dma2 semaphore(%arg13 : memref<!tpu.dma_semaphore, #tpu.memory_space<semaphore_mem>>) src(%arg7 : memref<256x128xf32, #tpu.memory_space<vmem>>) dst(%dma_wait3A_949 : memref<256x128xf32, #tpu.memory_space<hbm>>)
    %dma_wait3A_950 = arith.constant 0 : i32
    %dma_wait3A_951 = tpu.memref_slice %arg5[%multiple_of3A_55, %dma_wait3A_950] : memref<100000x128xf32, #tpu.memory_space<hbm>> -> memref<256x128xf32, #tpu.memory_space<hbm>>
    %dma_wait3A_952 = arith.constant 0 : i32
    %dma_wait3A_953 = tpu.memref_slice %arg5[%multiple_of3A_55, %dma_wait3A_952] : memref<100000x128xf32, #tpu.memory_space<hbm>> -> memref<256x128xf32, #tpu.memory_space<hbm>>
    tpu.wait_dma2 semaphore(%arg13 : memref<!tpu.dma_semaphore, #tpu.memory_space<semaphore_mem>>) src(%arg7 : memref<256x128xf32, #tpu.memory_space<vmem>>) dst(%dma_wait3A_953 : memref<256x128xf32, #tpu.memory_space<hbm>>)
    %dma_wait3A_954 = arith.constant 3072 : i32
    %dma_wait3A_955 = tpu.memref_slice %arg6[%dma_wait3A_954] : memref<3200xi32, #tpu.memory_space<vmem>> -> memref<128xi32, #tpu.memory_space<vmem>>
    %dma_wait3A_956 = tpu.memref_slice %arg2[%add3A_258] : memref<100000xi32, #tpu.memory_space<hbm>> -> memref<128xi32, #tpu.memory_space<hbm>>
    %dma_wait3A_957 = arith.constant 3072 : i32
    %dma_wait3A_958 = tpu.memref_slice %arg6[%dma_wait3A_957] : memref<3200xi32, #tpu.memory_space<vmem>> -> memref<128xi32, #tpu.memory_space<vmem>>
    %dma_wait3A_959 = tpu.memref_slice %arg2[%add3A_258] : memref<100000xi32, #tpu.memory_space<hbm>> -> memref<128xi32, #tpu.memory_space<hbm>>
    tpu.wait_dma2 semaphore(%arg10 : memref<!tpu.dma_semaphore, #tpu.memory_space<semaphore_mem>>) src(%dma_wait3A_959 : memref<128xi32, #tpu.memory_space<hbm>>) dst(%dma_wait3A_958 : memref<128xi32, #tpu.memory_space<vmem>>)
    %dma_start3A_960 = arith.constant 0 : i32
    %dma_start3A_961 = arith.constant 0 : i32
    %dma_start3A_962 = tpu.memref_slice %arg7[%dma_start3A_960, %dma_start3A_961] : memref<256x128xf32, #tpu.memory_space<vmem>> -> memref<128x128xf32, #tpu.memory_space<vmem>>
    %dma_start3A_963 = arith.constant 3072 : i32
    %dma_start3A_964 = tpu.memref_slice %arg6[%dma_start3A_963] : memref<3200xi32, #tpu.memory_space<vmem>> -> memref<128xi32, #tpu.memory_space<vmem>>
    %dma_start3A_965 = arith.constant 0 : i32
    %dma_start3A_966 = arith.constant 0 : i32
    %dma_start3A_967 = tpu.memref_slice %arg9[%dma_start3A_965, %dma_start3A_966] : memref<87x128xf32, #tpu.memory_space<vmem_shared>> -> memref<87x128xf32, #tpu.memory_space<vmem_shared>>
    tpu.enqueue_indirect_dma source(%dma_start3A_967 : memref<87x128xf32, #tpu.memory_space<vmem_shared>>) target(%dma_start3A_962 : memref<128x128xf32, #tpu.memory_space<vmem>>) offsets(%dma_start3A_964 : memref<128xi32, #tpu.memory_space<vmem>>) semaphore(%arg11 : memref<!tpu.dma_semaphore, #tpu.memory_space<semaphore_mem>>)
    %dma_wait3A_968 = arith.constant 0 : i32
    %dma_wait3A_969 = arith.constant 0 : i32
    %dma_wait3A_970 = tpu.memref_slice %arg8[%dma_wait3A_968, %dma_wait3A_969] : memref<256x128xf32, #tpu.memory_space<vmem>> -> memref<128x128xf32, #tpu.memory_space<vmem>>
    %dma_wait3A_971 = arith.constant 2816 : i32
    %dma_wait3A_972 = tpu.memref_slice %arg6[%dma_wait3A_971] : memref<3200xi32, #tpu.memory_space<vmem>> -> memref<128xi32, #tpu.memory_space<vmem>>
    %dma_wait3A_973 = arith.constant 0 : i32
    %dma_wait3A_974 = arith.constant 0 : i32
    %dma_wait3A_975 = tpu.memref_slice %arg9[%dma_wait3A_973, %dma_wait3A_974] : memref<87x128xf32, #tpu.memory_space<vmem_shared>> -> memref<87x128xf32, #tpu.memory_space<vmem_shared>>
    tpu.wait_indirect_dma semaphore(%arg12 : memref<!tpu.dma_semaphore, #tpu.memory_space<semaphore_mem>>) src(%dma_wait3A_975 : memref<87x128xf32, #tpu.memory_space<vmem_shared>>) dst(%dma_wait3A_970 : memref<128x128xf32, #tpu.memory_space<vmem>>)
    %dma_wait3A_976 = arith.constant 128 : i32
    %dma_wait3A_977 = arith.constant 0 : i32
    %dma_wait3A_978 = tpu.memref_slice %arg8[%dma_wait3A_976, %dma_wait3A_977] : memref<256x128xf32, #tpu.memory_space<vmem>> -> memref<128x128xf32, #tpu.memory_space<vmem>>
    %dma_wait3A_979 = arith.constant 2944 : i32
    %dma_wait3A_980 = tpu.memref_slice %arg6[%dma_wait3A_979] : memref<3200xi32, #tpu.memory_space<vmem>> -> memref<128xi32, #tpu.memory_space<vmem>>
    %dma_wait3A_981 = arith.constant 0 : i32
    %dma_wait3A_982 = arith.constant 0 : i32
    %dma_wait3A_983 = tpu.memref_slice %arg9[%dma_wait3A_981, %dma_wait3A_982] : memref<87x128xf32, #tpu.memory_space<vmem_shared>> -> memref<87x128xf32, #tpu.memory_space<vmem_shared>>
    tpu.wait_indirect_dma semaphore(%arg12 : memref<!tpu.dma_semaphore, #tpu.memory_space<semaphore_mem>>) src(%dma_wait3A_983 : memref<87x128xf32, #tpu.memory_space<vmem_shared>>) dst(%dma_wait3A_978 : memref<128x128xf32, #tpu.memory_space<vmem>>)
    %dma_start3A_984 = arith.constant 0 : i32
    %dma_start3A_985 = tpu.memref_slice %arg4[%multiple_of3A_60, %dma_start3A_984] : memref<100000x128xf32, #tpu.memory_space<hbm>> -> memref<256x128xf32, #tpu.memory_space<hbm>>
    %dma_start3A_986 = arith.constant 0 : i32
    %dma_start3A_987 = tpu.memref_slice %arg4[%multiple_of3A_60, %dma_start3A_986] : memref<100000x128xf32, #tpu.memory_space<hbm>> -> memref<256x128xf32, #tpu.memory_space<hbm>>
    tpu.enqueue_dma source(%arg8 : memref<256x128xf32, #tpu.memory_space<vmem>>) target(%dma_start3A_987 : memref<256x128xf32, #tpu.memory_space<hbm>>) target_semaphore(%arg14 : memref<!tpu.dma_semaphore, #tpu.memory_space<semaphore_mem>>)
    %dma_start3A_988 = arith.constant 0 : i32
    %dma_start3A_989 = tpu.memref_slice %arg5[%multiple_of3A_60, %dma_start3A_988] : memref<100000x128xf32, #tpu.memory_space<hbm>> -> memref<256x128xf32, #tpu.memory_space<hbm>>
    %dma_start3A_990 = arith.constant 0 : i32
    %dma_start3A_991 = tpu.memref_slice %arg5[%multiple_of3A_60, %dma_start3A_990] : memref<100000x128xf32, #tpu.memory_space<hbm>> -> memref<256x128xf32, #tpu.memory_space<hbm>>
    tpu.enqueue_dma source(%arg8 : memref<256x128xf32, #tpu.memory_space<vmem>>) target(%dma_start3A_991 : memref<256x128xf32, #tpu.memory_space<hbm>>) target_semaphore(%arg14 : memref<!tpu.dma_semaphore, #tpu.memory_space<semaphore_mem>>)
    %dma_wait3A_992 = arith.constant 0 : i32
    %dma_wait3A_993 = arith.constant 0 : i32
    %dma_wait3A_994 = tpu.memref_slice %arg7[%dma_wait3A_992, %dma_wait3A_993] : memref<256x128xf32, #tpu.memory_space<vmem>> -> memref<128x128xf32, #tpu.memory_space<vmem>>
    %dma_wait3A_995 = arith.constant 3072 : i32
    %dma_wait3A_996 = tpu.memref_slice %arg6[%dma_wait3A_995] : memref<3200xi32, #tpu.memory_space<vmem>> -> memref<128xi32, #tpu.memory_space<vmem>>
    %dma_wait3A_997 = arith.constant 0 : i32
    %dma_wait3A_998 = arith.constant 0 : i32
    %dma_wait3A_999 = tpu.memref_slice %arg9[%dma_wait3A_997, %dma_wait3A_998] : memref<87x128xf32, #tpu.memory_space<vmem_shared>> -> memref<87x128xf32, #tpu.memory_space<vmem_shared>>
    tpu.wait_indirect_dma semaphore(%arg11 : memref<!tpu.dma_semaphore, #tpu.memory_space<semaphore_mem>>) src(%dma_wait3A_999 : memref<87x128xf32, #tpu.memory_space<vmem_shared>>) dst(%dma_wait3A_994 : memref<128x128xf32, #tpu.memory_space<vmem>>)
    %dma_start3A_1000 = arith.constant 0 : i32
    %dma_start3A_1001 = arith.constant 0 : i32
    %dma_start3A_1002 = tpu.memref_slice %arg7[%dma_start3A_1000, %dma_start3A_1001] : memref<256x128xf32, #tpu.memory_space<vmem>> -> memref<128x128xf32, #tpu.memory_space<vmem>>
    %dma_start3A_1003 = arith.constant 0 : i32
    %dma_start3A_1004 = tpu.memref_slice %arg4[%multiple_of3A_65, %dma_start3A_1003] : memref<100000x128xf32, #tpu.memory_space<hbm>> -> memref<128x128xf32, #tpu.memory_space<hbm>>
    %dma_start3A_1005 = arith.constant 0 : i32
    %dma_start3A_1006 = tpu.memref_slice %arg4[%multiple_of3A_65, %dma_start3A_1005] : memref<100000x128xf32, #tpu.memory_space<hbm>> -> memref<128x128xf32, #tpu.memory_space<hbm>>
    %dma_start3A_1007 = arith.constant 0 : i32
    %dma_start3A_1008 = arith.constant 0 : i32
    %dma_start3A_1009 = tpu.memref_slice %arg7[%dma_start3A_1007, %dma_start3A_1008] : memref<256x128xf32, #tpu.memory_space<vmem>> -> memref<128x128xf32, #tpu.memory_space<vmem>>
    tpu.enqueue_dma source(%dma_start3A_1009 : memref<128x128xf32, #tpu.memory_space<vmem>>) target(%dma_start3A_1006 : memref<128x128xf32, #tpu.memory_space<hbm>>) target_semaphore(%arg13 : memref<!tpu.dma_semaphore, #tpu.memory_space<semaphore_mem>>)
    %dma_start3A_1010 = arith.constant 0 : i32
    %dma_start3A_1011 = arith.constant 0 : i32
    %dma_start3A_1012 = tpu.memref_slice %arg7[%dma_start3A_1010, %dma_start3A_1011] : memref<256x128xf32, #tpu.memory_space<vmem>> -> memref<128x128xf32, #tpu.memory_space<vmem>>
    %dma_start3A_1013 = arith.constant 0 : i32
    %dma_start3A_1014 = tpu.memref_slice %arg5[%multiple_of3A_65, %dma_start3A_1013] : memref<100000x128xf32, #tpu.memory_space<hbm>> -> memref<128x128xf32, #tpu.memory_space<hbm>>
    %dma_start3A_1015 = arith.constant 0 : i32
    %dma_start3A_1016 = tpu.memref_slice %arg5[%multiple_of3A_65, %dma_start3A_1015] : memref<100000x128xf32, #tpu.memory_space<hbm>> -> memref<128x128xf32, #tpu.memory_space<hbm>>
    %dma_start3A_1017 = arith.constant 0 : i32
    %dma_start3A_1018 = arith.constant 0 : i32
    %dma_start3A_1019 = tpu.memref_slice %arg7[%dma_start3A_1017, %dma_start3A_1018] : memref<256x128xf32, #tpu.memory_space<vmem>> -> memref<128x128xf32, #tpu.memory_space<vmem>>
    tpu.enqueue_dma source(%dma_start3A_1019 : memref<128x128xf32, #tpu.memory_space<vmem>>) target(%dma_start3A_1016 : memref<128x128xf32, #tpu.memory_space<hbm>>) target_semaphore(%arg13 : memref<!tpu.dma_semaphore, #tpu.memory_space<semaphore_mem>>)
    %dma_wait3A_1020 = arith.constant 0 : i32
    %dma_wait3A_1021 = tpu.memref_slice %arg4[%multiple_of3A_60, %dma_wait3A_1020] : memref<100000x128xf32, #tpu.memory_space<hbm>> -> memref<256x128xf32, #tpu.memory_space<hbm>>
    %dma_wait3A_1022 = arith.constant 0 : i32
    %dma_wait3A_1023 = tpu.memref_slice %arg4[%multiple_of3A_60, %dma_wait3A_1022] : memref<100000x128xf32, #tpu.memory_space<hbm>> -> memref<256x128xf32, #tpu.memory_space<hbm>>
    tpu.wait_dma2 semaphore(%arg14 : memref<!tpu.dma_semaphore, #tpu.memory_space<semaphore_mem>>) src(%arg8 : memref<256x128xf32, #tpu.memory_space<vmem>>) dst(%dma_wait3A_1023 : memref<256x128xf32, #tpu.memory_space<hbm>>)
    %dma_wait3A_1024 = arith.constant 0 : i32
    %dma_wait3A_1025 = tpu.memref_slice %arg5[%multiple_of3A_60, %dma_wait3A_1024] : memref<100000x128xf32, #tpu.memory_space<hbm>> -> memref<256x128xf32, #tpu.memory_space<hbm>>
    %dma_wait3A_1026 = arith.constant 0 : i32
    %dma_wait3A_1027 = tpu.memref_slice %arg5[%multiple_of3A_60, %dma_wait3A_1026] : memref<100000x128xf32, #tpu.memory_space<hbm>> -> memref<256x128xf32, #tpu.memory_space<hbm>>
    tpu.wait_dma2 semaphore(%arg14 : memref<!tpu.dma_semaphore, #tpu.memory_space<semaphore_mem>>) src(%arg8 : memref<256x128xf32, #tpu.memory_space<vmem>>) dst(%dma_wait3A_1027 : memref<256x128xf32, #tpu.memory_space<hbm>>)
    %dma_wait3A_1028 = arith.constant 0 : i32
    %dma_wait3A_1029 = arith.constant 0 : i32
    %dma_wait3A_1030 = tpu.memref_slice %arg7[%dma_wait3A_1028, %dma_wait3A_1029] : memref<256x128xf32, #tpu.memory_space<vmem>> -> memref<128x128xf32, #tpu.memory_space<vmem>>
    %dma_wait3A_1031 = arith.constant 0 : i32
    %dma_wait3A_1032 = tpu.memref_slice %arg4[%multiple_of3A_65, %dma_wait3A_1031] : memref<100000x128xf32, #tpu.memory_space<hbm>> -> memref<128x128xf32, #tpu.memory_space<hbm>>
    %dma_wait3A_1033 = arith.constant 0 : i32
    %dma_wait3A_1034 = tpu.memref_slice %arg4[%multiple_of3A_65, %dma_wait3A_1033] : memref<100000x128xf32, #tpu.memory_space<hbm>> -> memref<128x128xf32, #tpu.memory_space<hbm>>
    %dma_wait3A_1035 = arith.constant 0 : i32
    %dma_wait3A_1036 = arith.constant 0 : i32
    %dma_wait3A_1037 = tpu.memref_slice %arg7[%dma_wait3A_1035, %dma_wait3A_1036] : memref<256x128xf32, #tpu.memory_space<vmem>> -> memref<128x128xf32, #tpu.memory_space<vmem>>
    tpu.wait_dma2 semaphore(%arg13 : memref<!tpu.dma_semaphore, #tpu.memory_space<semaphore_mem>>) src(%dma_wait3A_1037 : memref<128x128xf32, #tpu.memory_space<vmem>>) dst(%dma_wait3A_1034 : memref<128x128xf32, #tpu.memory_space<hbm>>)
    %dma_wait3A_1038 = arith.constant 0 : i32
    %dma_wait3A_1039 = arith.constant 0 : i32
    %dma_wait3A_1040 = tpu.memref_slice %arg7[%dma_wait3A_1038, %dma_wait3A_1039] : memref<256x128xf32, #tpu.memory_space<vmem>> -> memref<128x128xf32, #tpu.memory_space<vmem>>
    %dma_wait3A_1041 = arith.constant 0 : i32
    %dma_wait3A_1042 = tpu.memref_slice %arg5[%multiple_of3A_65, %dma_wait3A_1041] : memref<100000x128xf32, #tpu.memory_space<hbm>> -> memref<128x128xf32, #tpu.memory_space<hbm>>
    %dma_wait3A_1043 = arith.constant 0 : i32
    %dma_wait3A_1044 = tpu.memref_slice %arg5[%multiple_of3A_65, %dma_wait3A_1043] : memref<100000x128xf32, #tpu.memory_space<hbm>> -> memref<128x128xf32, #tpu.memory_space<hbm>>
    %dma_wait3A_1045 = arith.constant 0 : i32
    %dma_wait3A_1046 = arith.constant 0 : i32
    %dma_wait3A_1047 = tpu.memref_slice %arg7[%dma_wait3A_1045, %dma_wait3A_1046] : memref<256x128xf32, #tpu.memory_space<vmem>> -> memref<128x128xf32, #tpu.memory_space<vmem>>
    tpu.wait_dma2 semaphore(%arg13 : memref<!tpu.dma_semaphore, #tpu.memory_space<semaphore_mem>>) src(%dma_wait3A_1047 : memref<128x128xf32, #tpu.memory_space<vmem>>) dst(%dma_wait3A_1044 : memref<128x128xf32, #tpu.memory_space<hbm>>)
    return
  }
}

module attributes {stable_mosaic.version = 14 : i64} {
  func.func @_fuse_body(%arg0: memref<87x128xf32, #tpu.memory_space<vmem>>, %arg1: memref<87x128xf32, #tpu.memory_space<vmem>>, %arg2: memref<87x20xf32, #tpu.memory_space<vmem>>, %arg3: memref<128x20xf32, #tpu.memory_space<vmem>>, %arg4: memref<128x384xf32, #tpu.memory_space<vmem>>, %arg5: memref<87x128xf32, #tpu.memory_space<vmem>>) attributes {dimension_semantics = [], scalar_prefetch = 0 : i64, scratch_operands = 0 : i64, tpu.core_type = #tpu.core_type<tc>} {
    %get3A = arith.constant 0 : index
    %get3A_0 = arith.constant 0 : index
    %get3A_1 = vector.load %arg2[%get3A, %get3A_0] : memref<87x20xf32, #tpu.memory_space<vmem>>, vector<87x20xf32>
    %get3A_2 = arith.constant 0 : index
    %get3A_3 = arith.constant 0 : index
    %get3A_4 = vector.load %arg3[%get3A_2, %get3A_3] : memref<128x20xf32, #tpu.memory_space<vmem>>, vector<128x20xf32>
    %dot_general3A = arith.constant dense<0.000000e+00> : vector<87x128xf32>
    %dot_general3A_5 = tpu.matmul %get3A_1, %get3A_4, %dot_general3A {dimension_numbers = #tpu.dot_dimension_numbers<[1], [1], [0], [0], [0, 0, 1, 0], [], []>, transpose_lhs_hint = false} : vector<87x20xf32>, vector<128x20xf32>, vector<87x128xf32> -> vector<87x128xf32>
    %get3A_6 = arith.constant 0 : index
    %get3A_7 = arith.constant 0 : index
    %get3A_8 = vector.load %arg0[%get3A_6, %get3A_7] : memref<87x128xf32, #tpu.memory_space<vmem>>, vector<87x128xf32>
    %get3A_9 = arith.constant 0 : index
    %get3A_10 = arith.constant 0 : index
    %get3A_11 = vector.load %arg1[%get3A_9, %get3A_10] : memref<87x128xf32, #tpu.memory_space<vmem>>, vector<87x128xf32>
    %concatenate3A = tpu.concatenate %get3A_8, %get3A_11, %dot_general3A_5 in 1 : vector<87x128xf32>, vector<87x128xf32>, vector<87x128xf32> -> vector<87x384xf32>
    %get3A_12 = arith.constant 0 : index
    %get3A_13 = arith.constant 0 : index
    %get3A_14 = vector.load %arg4[%get3A_12, %get3A_13] : memref<128x384xf32, #tpu.memory_space<vmem>>, vector<128x384xf32>
    %dot_general3A_15 = arith.constant dense<0.000000e+00> : vector<87x128xf32>
    %dot_general3A_16 = tpu.matmul %concatenate3A, %get3A_14, %dot_general3A_15 {dimension_numbers = #tpu.dot_dimension_numbers<[1], [1], [0], [0], [0, 0, 1, 0], [], []>, transpose_lhs_hint = false} : vector<87x384xf32>, vector<128x384xf32>, vector<87x128xf32> -> vector<87x128xf32>
    %swap3A = arith.constant 0 : index
    %swap3A_17 = arith.constant 0 : index
    %swap3A_18 = vector.load %arg5[%swap3A, %swap3A_17] : memref<87x128xf32, #tpu.memory_space<vmem>>, vector<87x128xf32>
    tpu.vector_store %arg5[%swap3A, %swap3A_17], %dot_general3A_16 {strides = array<i32>} : memref<87x128xf32, #tpu.memory_space<vmem>>, vector<87x128xf32>,
    return
  }
}

</mosaic_0001>

<sc_bundles>
// kernel: kernel.4.cloned.1.call-start
scs
__scs_entry_jumppad:
0x0: {  	(pc) =	sbr.rel $0x88, $3  }
0x1: {  	(tag) =	ssettag $0x0;
	lr =	simm.s32 $0x1  }
0x2: {  	[smem:$0x3F9B] =	sst lr;
	_ =	strace $0xD0000000  }
0x3: {  	_ = 	snop  }
0x4: {  	_ = 	snop  }
0x5: {  	_ = 	snop  }
0x6: {  	_ = 	snop  }
0x7: {  	_ = 	snop  }
__scs_overlays_trampoline_lowered:
0x8: {  	[smem:$0x3FAA] =	sst s0  }
0x9: {  	[smem:$0x3FAB] =	sst s1  }
0xa: {  	[smem:$0x3FAC] =	sst s2  }
0xb: {  	[smem:$0x3FAD] =	sst s3  }
0xc: {  	[smem:$0x3FAE] =	sst s4  }
0xd: {  	[smem:$0x3FAF] =	sst s5  }
0xe: {  	[smem:$0x3FB0] =	sst s6  }
0xf: {  	[smem:$0x3FB1] =	sst s7  }
0x10: {  	[smem:$0x3FB2] =	sst s8  }
0x11: {  	[smem:$0x3FB3] =	sst s9;
	s0 =	simm.s32 @!p0 $0x0  }
0x12: {  	s1 =	sld [smem:$0x3F99];
	s0 =	simm.s32 @p0 $0x1  }
0x13: {  	[smem:$0x3FB4] =	sst s0;
	s0 =	simm.s32 @!p1 $0x0  }
0x14: {  	s2 =	sld [smem:$0x3F98];
	s0 =	simm.s32 @p1 $0x1  }
0x15: {  	[smem:$0x3FB5] =	sst s0;
	s0 =	simm.s32 @!p2 $0x0  }
0x16: {  	s3 =	sld [smem:$0x3FDB];
	s0 =	simm.s32 @p2 $0x1  }
0x17: {  	s4 =	simm.s32 $0x1BF5;
	[smem:$0x3FB7] =	sst s0  }
0x18: {  	s0 =	sld [smem:$0x3F9A];
	_ =	swait.ge [sflag:s4], $0x0  }
0x19: {  	s7 =	sld [smem:$0x3F9B]  }
0x1a: {  	s8 =	sadd.s32 $0xFFFFE003, lr  }
0x1b: {  	s9 =	sadd.s32 $0xFFFFFEF7, lr;
	s5 =	simm.s32 $0xFFFFFFFF;
	p2 =	slt.u32 s8, $0xFFFFF086  }
0x1c: {  	p1 =	slt.u32 s9, $0xF7A;
	s5 =	simm.s32 @!p2 $0x0  }
0x1d: {  	s5 =	simm.s32 @p1 $0x1;
	p0 =	seq.s32 s7, s2  }
0x1e: {  	s7 =	smul.u32 @!p0 $0xF7A, s2;
	p2 =	seq.s32 @!p0 s5, $0x0  }
0x1f: {  	s9 =	smul.u32 $0xF7A, s1;
	s8 =	simm.s32 @!p0 $0x1BF5;
	p2 =	por !p2, p0  }
0x20: {  	[sflag:s8] =	ssyncset.s32 @!p0 $0xFFFFF086;
	s6 =	sadd.s32 @!p0 s3, s7;
	s7 =	simm.s32 @!p0 $0x108  }
0x21: {  	s3 =	sadd.s32 s3, s9;
	s6 =	sadd.s32 @!p0 $0x88, s6;
	s7 =	simm.s32 @p2 $0x1082  }
0x22: {  	[simem:s7], [sflag:s8] =	dma.local @!p0 [hbm:s6], $0xF7A  }
0x23: {  	s9 =	sor.u32 $0xD0000000, s2;
	s6 =	simm.s32 $0x108;
	_ =	swait.ge @!p0 [sflag:s8], $0x0  }
0x24: {  	s3 =	sadd.s32 $0x88, s3;
	s6 =	simm.s32 @!p1 $0x1082;
	[sflag:s4] =	ssyncset.s32 $0xFFFFF086  }
0x25: {  	[simem:s6], [sflag:s4] =	dma.local [hbm:s3], $0xF7A  }
0x26: {  	[smem:$0x3F9B] =	sst s1;
	(tag) =	ssettag s2;
	_ =	strace s9  }
0x27: {  	s1 =	sld [smem:$0x3FAB]  }
0x28: {  	s2 =	sld [smem:$0x3FAC]  }
0x29: {  	s4 =	sld [smem:$0x3FAE]  }
0x2a: {  	p0 =	seq.s32 s5, $0x0;
	s5 =	sld [smem:$0x3FAF]  }
0x2b: {  	s6 =	sld [smem:$0x3FB0]  }
0x2c: {  	s7 =	sld [smem:$0x3FB1]  }
0x2d: {  	s3 =	simm.s32 $0x108;
	s8 =	sld [smem:$0x3FB2]  }
0x2e: {  	s3 =	simm.s32 @!p0 $0x1082;
	s9 =	sld [smem:$0x3FB3]  }
0x2f: {  	lr =	sadd.s32 s0, s3;
	s0 =	sld [smem:$0x3FAA]  }
0x30: {  	s3 =	sld [smem:$0x3FAD]  }
0x31: {  	[smem:$0x3FB6] =	sst s10  }
0x32: {  	s10 =	sld [smem:$0x3FB4];
	_ =	sdelay $0x3  }
0x33: {  	p0 =	seq.s32 s10, $0x1;
	s10 =	sld [smem:$0x3FB6];
	_ =	sdelay $0x3  }
0x34: {  	[smem:$0x3FB6] =	sst s10  }
0x35: {  	s10 =	sld [smem:$0x3FB5];
	_ =	sdelay $0x3  }
0x36: {  	p1 =	seq.s32 s10, $0x1;
	s10 =	sld [smem:$0x3FB6];
	_ =	sdelay $0x3  }
0x37: {  	[smem:$0x3FB6] =	sst s10  }
0x38: {  	s10 =	sld [smem:$0x3FB7]  }
0x39: {  	_ = 	snop;
	(pc) =	sbr.ind lr, $3  }
0x3a: {  	_ = 	snop  }
0x3b: {  	_ = 	snop  }
0x3c: {  	p2 =	seq.s32 s10, $0x1;
	s10 =	sld [smem:$0x3FB6]  }
0x3d: {  	_ =	shalt  }
0x3e: {  	_ =	shalt  }
0x3f: {  	_ =	shalt  }
0x40: {  	_ =	shalt  }
0x41: {  	_ =	shalt  }
0x42: {  	_ =	shalt  }
0x43: {  	_ =	shalt  }
0x44: {  	_ =	shalt  }
0x45: {  	_ =	shalt  }
0x46: {  	_ =	shalt  }
0x47: {  	_ =	shalt  }
0x48: {  	_ =	shalt  }
0x49: {  	_ =	shalt  }
0x4a: {  	_ =	shalt  }
0x4b: {  	_ =	shalt  }
0x4c: {  	_ =	shalt  }
0x4d: {  	_ =	shalt  }
0x4e: {  	_ =	shalt  }
0x4f: {  	_ =	shalt  }
0x50: {  	_ =	shalt  }
0x51: {  	_ =	shalt  }
0x52: {  	_ =	shalt  }
0x53: {  	_ =	shalt  }
0x54: {  	_ =	shalt  }
0x55: {  	_ =	shalt  }
0x56: {  	_ =	shalt  }
0x57: {  	_ =	shalt  }
0x58: {  	_ =	shalt  }
0x59: {  	_ =	shalt  }
0x5a: {  	_ =	shalt  }
0x5b: {  	_ =	shalt  }
0x5c: {  	_ =	shalt  }
0x5d: {  	_ =	shalt  }
0x5e: {  	_ =	shalt  }
0x5f: {  	_ =	shalt  }
0x60: {  	_ =	shalt  }
0x61: {  	_ =	shalt  }
0x62: {  	_ =	shalt  }
0x63: {  	_ =	shalt  }
0x64: {  	_ =	shalt  }
0x65: {  	_ =	shalt  }
0x66: {  	_ =	shalt  }
0x67: {  	_ =	shalt  }
0x68: {  	_ =	shalt  }
0x69: {  	_ =	shalt  }
0x6a: {  	_ =	shalt  }
0x6b: {  	_ =	shalt  }
0x6c: {  	_ =	shalt  }
0x6d: {  	_ =	shalt  }
0x6e: {  	_ =	shalt  }
0x6f: {  	_ =	shalt  }
0x70: {  	_ =	shalt  }
0x71: {  	_ =	shalt  }
0x72: {  	_ =	shalt  }
0x73: {  	_ =	shalt  }
0x74: {  	_ =	shalt  }
0x75: {  	_ =	shalt  }
0x76: {  	_ =	shalt  }
0x77: {  	_ =	shalt  }
0x78: {  	_ =	shalt  }
0x79: {  	_ =	shalt  }
0x7a: {  	_ =	shalt  }
0x7b: {  	_ =	shalt  }
0x7c: {  	_ =	shalt  }
0x7d: {  	_ =	shalt  }
0x7e: {  	_ =	shalt  }
0x7f: {  	_ =	shalt  }
0x80: {  	_ =	shalt  }
0x81: {  	_ =	shalt  }
0x82: {  	_ =	shalt  }
0x83: {  	_ =	shalt  }
0x84: {  	_ =	shalt  }
0x85: {  	_ =	shalt  }
0x86: {  	_ =	shalt  }
0x87: {  	_ =	shalt  }
.Lfunc_end0:
.L_simem_size_0:
called_computation_lowered:
.L_overlay_start_0:
0x88: {  	s2 =	sld [smem:$0x3FD9]  }
0x89: {  	s3 =	sld [smem:$0x3FFE];
	_ =	sdelay $0x1  }
0x8a: {  	s1 =	srdreg.scid  }
0x8b: {  	s0 =	sand.u32 $0x1, s1  }
0x8c: {  	s14 =	sshll.u32 s0, $0xA;
	s2 =	sadd.s32 s3, s2  }
0x8d: {  	s2 =	sadd.s32 s2, s14  }
0x8e: {  	[smem:$0x3FC2] =	sst s2  }
0x8f: {  	_ = 	snop  }
0x90: {  	s2 =	sld [smem:$0x3FD0];
	_ =	sdelay $0x2  }
0x91: {  	s4 =	simm.s32 $0xA;
	s5 =	simm.s32 $0x10;
	s15 =	sld [smem:$0x3FC9]  }
0x92: {  	[smem:s5], [sflag:s4] =	dma.local [hbm:s2], $0x1  }
0x93: {  	_ =	swait.eq [sflag:s4], $0x1  }
0x94: {  	[sflag:s4] =	ssyncset.done $0x0  }
0x95: {  	s16 =	sld [smem:$0x10];
	[sflag:s4] =	ssyncadd.s32 $0xFFFFFFFF  }
0x96: {  	s17 =	sld [smem:$0x11];
	(tm) =	ssettm $0x1  }
0x97: {  	s18 =	sld [smem:$0x3FFB];
	_ =	sdelay $0x3  }
0x98: {  	_ =	strace s18  }
0x99: {  	s5 =	sld [smem:$0x3FFC];
	_ =	sdelay $0x3  }
0x9a: {  	_ =	strace s5  }
0x9b: {  	s5 =	sld [smem:$0x3FFD];
	_ =	sdelay $0x3  }
0x9c: {  	_ =	strace s5  }
0x9d: {  	_ =	strace $0x8FFFFFFF  }
0x9e: {  	s19 =	sld [smem:$0x3FDB];
	_ =	sdelay $0x1  }
0x9f: {  	s6 =	simm.s32 $_scs_section_size  }
0xa0: {  	s7 =	simm.s32 $_size__tile_overlayer_lowered;
	s8 =	simm.s32 $_tile_overlayer_lowered  }
0xa1: {  	s22 =	simm.s32 $0x1BFF;
	s21 =	sshll.u32 s8, $0x1;
	s5 =	sadd.s32 s6, s19  }
0xa2: {  	s9 =	simm.s32 $0x0;
	s20 =	sshll.u32 s7, $0x1;
	s7 =	sadd.s32 s21, s5  }
0xa3: {  	[timem:s9], [sflag:s22] =	dma.local [hbm:s7], s20  }
0xa4: {  	_ =	swait.ge [sflag:s22], s20  }
0xa5: {  	s6 =	ssub.s32 $0x0, s20;
	[sflag:s22] =	ssyncset.done $0x0  }
0xa6: {  	[sflag:s22] =	ssyncadd.s32 s6;
	_ =	sdelay $0x1  }
0xa7: {  	s23 =	simm.s32 $0x1B8B  }
0xa8: {  	_ =	swait.ge [sflag:s23], $0x1  }
0xa9: {  	[sflag:s23] =	ssyncset.done $0x0  }
0xaa: {  	s25 =	simm.s32 $0x1B8E;
	s24 =	sld [smem:$0x3FFE];
	[sflag:s23] =	ssyncadd.s32 $0xFFFFFFFF  }
0xab: {  	s26 =	simm.s32 $execute0_lowered;
	[smem:$0x3FD2] =	sst s25  }
0xac: {  	s7 =	sshll.u32 s26, $0x1;
	_ =	strace $0x80000046;
	[dreg:$0x1] =	wrdreg $0xFFFFFFFF  }
0xad: {  	s28 =	simm.s32 $_size_execute0_lowered;
	s5 =	sadd.s32 s5, s7;
	[dreg:$0x0] =	wrdreg $0x0  }
0xae: {  	s7 =	sshll.u32 s28, $0x1;
	[dreg:$0x2] =	wrdreg s5  }
0xaf: {  	[dreg:$0x3] =	wrdreg s7  }
0xb0: {  	[dreg:$0x4] =	wrdreg $0xC0  }
0xb1: {  	_ =	task [dreg:s9], $0x5FFFF  }
0xb2: {  	[dreg:$0x1] =	wrdreg $0xFFFFFFFF  }
0xb3: {  	[dreg:$0x0] =	wrdreg $0x60  }
0xb4: {  	[dreg:$0x2] =	wrdreg s15  }
0xb5: {  	[dreg:$0x3] =	wrdreg s24  }
0xb6: {  	[dreg:$0x4] =	wrdreg s16  }
0xb7: {  	[dreg:$0x5] =	wrdreg s17  }
0xb8: {  	[dreg:$0x6] =	wrdreg $0x10C800  }
0xb9: {  	[dreg:$0x7] =	wrdreg $0x9  }
0xba: {  	_ =	task.clear_ibuf [dreg:s9], $0x8FFFF;
	_ =	strace $0x90000046  }
0xbb: {  	s29 =	simm.s32 $0x9;
	_ =	strace $0x80000048  }
0xbc: {  	_ =	swait.ge [sflag:s29], $0x1  }
0xbd: {  	[sflag:s29] =	ssyncadd.s32 $0xFFFFFFFF  }
0xbe: {  	_ =	strace $0x90000048  }
0xbf: {  	_ =	sfence  }
0xc0: {  	s30 =	sld [smem:$0x0];
	_ =	sdelay $0x2  }
0xc1: {  	s31 =	sshll.u32 s1, $0xD;
	s1 =	sshrl.u32 s1, $0x2  }
0xc2: {  	s3 =	sand.u32 $0x4000, s31;
	s1 =	sadd.s32 s1, s30  }
0xc3: {  	s0 =	sor.u32 s3, s0;
	s1 =	sshll.u32 s1, $0x11  }
0xc4: {  	s0 =	sor.u32 s1, s0  }
0xc5: {  	s0 =	sadd.s32 $0x8F2B, s0  }
0xc6: {  	[sflag:s0] =	ssyncadd.remote.s32 $0x1  }
0xc7: {  	_ =	sfence.sel $0xFFFF  }
0xc8: {  	[dreg:$0x0] =	wrdreg $0xFFFFFFFF;
	(pc) =	sbr.abs _section_cstart, $3  }
0xc9: {  	[dreg:$0x1] =	wrdreg $0xFFFFFFFF  }
0xca: {  	_ =	task.clear_ibuf [dreg:s9], $0x2FFFF;
	_ =	strace $0x9FFFFFFF  }
0xcb: {  	(tm) =	ssettm $0x7FFFFFFF  }
tec
execute0_lowered:
.L_overlay_start_1:
0x0: {  	(tag) =	ssettag $0x1  }
0x1: {  	s6 =	rddreg [dreg:$0x0]  }
0x2: {  	s7 =	rddreg [dreg:$0x1]  }
0x3: {  	s4 =	rddreg [dreg:$0x2]  }
0x4: {  	s3 =	rddreg [dreg:$0x3];
	s1 =	srdreg.scid  }
0x5: {  	s0 =	stileid.u32;
	s2 =	rddreg [dreg:$0x4]  }
0x6: {  	s30 =	simm.s32 $0x780;
	p1 =	por $0x0, $0x0;
	s28 =	simm.s32 $0xCC80  }
0x7: {  	s5 =	sand.u32 $0x1, s1;
	s8 =	sshll.u32 s0, $0x1;
	s1 =	simm.s32 $0x0  }
0x8: {  	s7 =	sadd.s32 $0xE00, s7;
	p0 =	sne.s32 s0, $0x0;
	s14 =	sor.u32 s5, s8  }
0x9: {  	s0 =	simm.s32 $0x700;
	[smem:$0x7FF] =	sst s1;
	s17 =	smul.u32 $0xC80, s14  }
0xa: {  	s5 =	ssub.s32 $0x2, s5;
	s29 =	sshrl.u32 @!p0 s2, $0x3;
	_ =	strace $0x80000047  }
0xb: {  	[dreg:$0x6] =	wrdreg s7;
	s14 =	smul.u32 $0xC800, s14;
	s12 =	smin.u32 s17, $0x182A0  }
0xc: {  	s15 =	sadd.s32 $0x100, s17;
	s13 =	sadd.s32 $0x200, s17;
	s16 =	smin.u32 s17, $0x181A0  }
0xd: {  	s18 =	smin.u32 s17, $0x180A0;
	s26 =	sshrl.u32 s17, $0x3;
	s19 =	smin.u32 s17, $0x17FA0  }
0xe: {  	s21 =	smin.u32 s17, $0x17EA0;
	s11 =	sadd.s32 $0x300, s12;
	s9 =	sadd.s32 $0x400, s16  }
0xf: {  	s7 =	sadd.s32 $0x500, s18;
	s23 =	sadd.s32 s6, s26;
	s20 =	sshrl.u32 s15, $0x3  }
0x10: {  	s8 =	sadd.s32 $0x600, s19;
	s22 =	sshrl.u32 s13, $0x3;
	s12 =	sshrl.u32 s12, $0x3  }
0x11: {  	s16 =	sshrl.u32 s16, $0x3;
	s18 =	sshrl.u32 s18, $0x3;
	s19 =	sshrl.u32 s19, $0x3  }
0x12: {  	s13 =	sshll.u32 s13, $0x4;
	s10 =	sadd.s32 $0x10, s23;
	s31 =	sadd.s32 s6, s20  }
0x13: {  	s20 =	sadd.s32 $0x30, s23;
	[smem:$0x7E4] =	sst s23;
	s24 =	sadd.s32 $0x50, s23  }
0x14: {  	s25 =	sshrl.u32 s11, $0x3;
	s23 =	smin.u32 s17, $0x17CA0;
	[dreg:$0x7] =	wrdreg s10  }
0x15: {  	s16 =	sadd.s32 s6, s16;
	s18 =	sadd.s32 s6, s18;
	[dreg:$0x8] =	wrdreg s31  }
0x16: {  	s19 =	sadd.s32 s6, s19;
	s11 =	sshll.u32 s11, $0x4;
	[dreg:$0x9] =	wrdreg s20  }
0x17: {  	s20 =	sadd.s32 s6, s22;
	s10 =	sadd.s32 $0x700, s21;
	s22 =	smin.u32 s17, $0x17DA0  }
0x18: {  	[dreg:$0xb] =	wrdreg s24;
	s26 =	sadd.s32 s6, s25;
	s31 =	sadd.s32 s6, s12  }
0x19: {  	s25 =	sshrl.u32 s9, $0x3;
	s16 =	sadd.s32 $0x90, s16;
	s18 =	sadd.s32 $0xB0, s18  }
0x1a: {  	s9 =	sshll.u32 s9, $0x4;
	[dreg:$0xa] =	wrdreg s20;
	s12 =	sadd.s32 $0x800, s22  }
0x1b: {  	[dreg:$0xc] =	wrdreg s26;
	s24 =	sadd.s32 $0x70, s31;
	s20 =	sadd.s32 s6, s25  }
0x1c: {  	s26 =	sshrl.u32 s7, $0x3;
	[dreg:$0xf] =	wrdreg s16;
	s16 =	sadd.s32 $0x900, s23  }
0x1d: {  	s31 =	sshrl.u32 s8, $0x3;
	[dreg:$0x11] =	wrdreg s18;
	s25 =	sshrl.u32 s10, $0x3  }
0x1e: {  	s23 =	sshrl.u32 s23, $0x3;
	s7 =	sshll.u32 s7, $0x4;
	[dreg:$0xd] =	wrdreg s24  }
0x1f: {  	[dreg:$0xe] =	wrdreg s20;
	s20 =	sadd.s32 s6, s26;
	s24 =	sadd.s32 $0xD0, s19  }
0x20: {  	s26 =	sadd.s32 s6, s25;
	s25 =	sshrl.u32 s22, $0x3;
	[dreg:$0x10] =	wrdreg s20  }
0x21: {  	s23 =	sadd.s32 s6, s23;
	s20 =	sadd.s32 s6, s31;
	[dreg:$0x13] =	wrdreg s24  }
0x22: {  	s31 =	sshrl.u32 s21, $0x3;
	[dreg:$0x14] =	wrdreg s26;
	s24 =	sshrl.u32 s12, $0x3  }
0x23: {  	[dreg:$0x12] =	wrdreg s20;
	s20 =	smin.u32 s17, $0x17BA0;
	s21 =	sadd.s32 s6, s31  }
0x24: {  	s19 =	sadd.s32 s6, s24;
	s31 =	sshrl.u32 s16, $0x3;
	s18 =	sadd.s32 $0xF0, s21  }
0x25: {  	s21 =	sadd.s32 s6, s25;
	[dreg:$0x16] =	wrdreg s19;
	s22 =	sadd.s32 s6, s31  }
0x26: {  	[dreg:$0x15] =	wrdreg s18;
	s18 =	sadd.s32 $0xA00, s20;
	s26 =	sadd.s32 $0x110, s21  }
0x27: {  	s21 =	smin.u32 s17, $0x17AA0;
	s17 =	smin.u32 s17, $0x17A20;
	[dreg:$0x18] =	wrdreg s22  }
0x28: {  	s22 =	sadd.s32 $0x130, s23;
	s20 =	sshrl.u32 s20, $0x3;
	[dreg:$0x17] =	wrdreg s26  }
0x29: {  	s23 =	sadd.s32 s4, s14;
	s19 =	sadd.s32 $0xB00, s21;
	[dreg:$0x19] =	wrdreg s22  }
0x2a: {  	s24 =	sshrl.u32 s18, $0x3;
	[dreg:$0x1f] =	wrdreg s23;
	s23 =	sadd.s32 s3, s9  }
0x2b: {  	s20 =	sadd.s32 s6, s20;
	s25 =	sadd.s32 s6, s24;
	[smem:$0x7ED] =	sst s23  }
0x2c: {  	s21 =	sshrl.u32 s21, $0x3;
	s20 =	sadd.s32 $0x150, s20;
	[dreg:$0x1a] =	wrdreg s25  }
0x2d: {  	s17 =	sadd.s32 $0xC00, s17;
	s24 =	sadd.s32 s3, s14;
	[dreg:$0x1b] =	wrdreg s20  }
0x2e: {  	s26 =	sshrl.u32 s19, $0x3;
	s14 =	sadd.s32 s4, s13;
	[smem:$0x7E5] =	sst s24  }
0x2f: {  	s21 =	sadd.s32 s6, s21;
	s31 =	sadd.s32 s6, s26;
	[smem:$0x7E8] =	sst s14  }
0x30: {  	s22 =	sshrl.u32 s17, $0x3;
	s20 =	sadd.s32 $0x170, s21;
	[dreg:$0x1c] =	wrdreg s31  }
0x31: {  	s18 =	sshll.u32 s18, $0x4;
	s6 =	sadd.s32 s6, s22;
	[dreg:$0x1d] =	wrdreg s20  }
0x32: {  	s25 =	sshll.u32 s15, $0x4;
	s15 =	sadd.s32 s3, s13;
	[dreg:$0x1e] =	wrdreg s6  }
0x33: {  	s21 =	sadd.s32 s3, s11;
	s22 =	sadd.s32 s4, s9;
	[smem:$0x7E9] =	sst s15  }
0x34: {  	s24 =	sadd.s32 s4, s7;
	s14 =	sshll.u32 s16, $0x4;
	[smem:$0x7EB] =	sst s21  }
0x35: {  	s26 =	sadd.s32 s4, s25;
	s31 =	sadd.s32 s3, s25;
	[smem:$0x7EC] =	sst s22  }
0x36: {  	s20 =	sadd.s32 s4, s11;
	[smem:$0x7EE] =	sst s24;
	s25 =	sadd.s32 s3, s7  }
0x37: {  	s11 =	sshll.u32 s12, $0x4;
	s15 =	sadd.s32 s4, s14;
	[smem:$0x7E6] =	sst s26  }
0x38: {  	s16 =	sadd.s32 s3, s14;
	s21 =	sadd.s32 s3, s18;
	[smem:$0x7E7] =	sst s31  }
0x39: {  	s22 =	sshll.u32 s19, $0x4;
	s14 =	simm.s32 $0x4C80;
	[smem:$0x7EA] =	sst s20  }
0x3a: {  	s6 =	simm.s32 $0x5;
	s26 =	sshll.u32 s8, $0x4;
	[smem:$0x7EF] =	sst s25  }
0x3b: {  	s8 =	sshll.u32 s10, $0x4;
	s12 =	sadd.s32 s4, s11;
	[smem:$0x7F6] =	sst s15  }
0x3c: {  	s13 =	sadd.s32 s3, s11;
	[smem:$0x7F7] =	sst s16;
	s20 =	sadd.s32 s4, s18  }
0x3d: {  	[smem:$0x7F9] =	sst s21;
	s23 =	sadd.s32 s4, s22;
	s24 =	sadd.s32 s3, s22  }
0x3e: {  	s25 =	sshll.u32 s17, $0x4;
	s22 =	simm.s32 $0x200;
	s21 =	rddreg [dreg:$0x6]  }
0x3f: {  	s18 =	simm.s32 $0x400;
	s16 =	simm.s32 $0x580;
	[smem:$0x7F4] =	sst s12  }
0x40: {  	s17 =	simm.s32 $0x680;
	s11 =	simm.s32 $0x1;
	[smem:$0x7F5] =	sst s13  }
0x41: {  	s31 =	sadd.s32 s4, s26;
	s7 =	sadd.s32 s3, s26;
	[smem:$0x7F8] =	sst s20  }
0x42: {  	s9 =	sadd.s32 s4, s8;
	[smem:$0x7FA] =	sst s23;
	s26 =	sshrl.u32 s5, $0x1  }
0x43: {  	s10 =	sadd.s32 s3, s8;
	[smem:$0x7FB] =	sst s24;
	s5 =	ssub.s32 s5, s26  }
0x44: {  	s4 =	sadd.s32 s4, s25;
	[smem:$0x7F0] =	sst s31;
	s31 =	smax.u32 s5, $0x1  }
0x45: {  	s3 =	sadd.s32 s3, s25;
	[smem:$0x7F1] =	sst s7;
	s25 =	sadd.s32 $0xFFFFFFFF, s31  }
0x46: {  	s24 =	simm.s32 $0x300;
	[smem:$0x7F2] =	sst s9;
	p2 =	sne.s32 s25, $0x0  }
.Ltmp0:
0x47: {  	s12 =	simm.s32 $0x600;
	[smem:$0x7F3] =	sst s10;
	(pc) =	sbr.rel @!p2 .LBB2_1-.Ltmp0, $4  }
0x48: {  	s13 =	simm.s32 $0x880;
	s23 =	simm.s32 $0xC00;
	[smem:$0x7FC] =	sst s4  }
0x49: {  	s8 =	simm.s32 $0x8C80;
	[smem:$0x7FD] =	sst s3;
	s3 =	simm.s32 $0x80  }
0x4a: {  	s26 =	simm.s32 $0x100;
	s9 =	simm.s32 $0x800;
	s7 =	simm.s32 $0x2  }
0x4b: {  	s4 =	simm.s32 $0x4;
	s10 =	simm.s32 $0x3;
	s5 =	simm.s32 $0xC80  }
0x4c: {  	s18 =	sld [smem:$0x7E4];
	_ =	sdelay $0x1  }
0x4d: {  	s19 =	rddreg [dreg:$0x7]  }
0x4e: {  	[tilespmem:s1], [sflag:$0x1] =	stream.linear.gather [hbm4b:s18+s1], $0x80, $0x38;
	[tilespmem:$0x10F38] =	vst v63  }
0x4f: {  	s20 =	rddreg [dreg:$0x8]  }
0x50: {  	[tilespmem:s3], [sflag:$0x1] =	stream.linear.gather [hbm4b:s19+s1], $0x80, $0x38;
	[tilespmem:$0x10F38] =	vst v63  }
0x51: {  	[smem:$0x7E3] =	sst s25  }
0x52: {  	[tilespmem:s26], [sflag:$0x1] =	stream.linear.gather [hbm4b:s20+s1], $0x80, $0x38;
	[tilespmem:$0x10F38] =	vst v63  }
0x53: {  	s13 =	simm.s32 $0x180;
	s19 =	rddreg [dreg:$0x9]  }
0x54: {  	[tilespmem:s13], [sflag:$0x1] =	stream.linear.gather [hbm4b:s19+s1], $0x80, $0x38;
	[tilespmem:$0x10F38] =	vst v63  }
0x55: {  	s18 =	rddreg [dreg:$0xa]  }
0x56: {  	[tilespmem:s22], [sflag:$0x1] =	stream.linear.gather [hbm4b:s18+s1], $0x80, $0x38;
	[tilespmem:$0x10F38] =	vst v63  }
0x57: {  	s13 =	rddreg [dreg:$0xb];
	s18 =	simm.s32 $0x280  }
0x58: {  	[tilespmem:s18], [sflag:$0x1] =	stream.linear.gather [hbm4b:s13+s1], $0x80, $0x38;
	[tilespmem:$0x10F38] =	vst v63  }
0x59: {  	s20 =	rddreg [dreg:$0xc]  }
0x5a: {  	[tilespmem:s24], [sflag:$0x1] =	stream.linear.gather [hbm4b:s20+s1], $0x80, $0x38;
	[tilespmem:$0x10F38] =	vst v63  }
0x5b: {  	s25 =	simm.s32 $0x380;
	s19 =	rddreg [dreg:$0xd]  }
0x5c: {  	[tilespmem:s25], [sflag:$0x1] =	stream.linear.gather [hbm4b:s19+s1], $0x80, $0x38;
	[tilespmem:$0x10F38] =	vst v63  }
0x5d: {  	s0 =	simm.s32 $0x400;
	s20 =	rddreg [dreg:$0xe]  }
0x5e: {  	[tilespmem:s0], [sflag:$0x1] =	stream.linear.gather [hbm4b:s20+s1], $0x80, $0x38;
	[tilespmem:$0x10F38] =	vst v63  }
0x5f: {  	s19 =	rddreg [dreg:$0xf];
	s0 =	simm.s32 $0x480  }
0x60: {  	[tilespmem:s0], [sflag:$0x1] =	stream.linear.gather [hbm4b:s19+s1], $0x80, $0x38;
	[tilespmem:$0x10F38] =	vst v63  }
0x61: {  	s16 =	simm.s32 $0x500;
	s20 =	rddreg [dreg:$0x10]  }
0x62: {  	[tilespmem:s16], [sflag:$0x1] =	stream.linear.gather [hbm4b:s20+s1], $0x80, $0x38;
	[tilespmem:$0x10F38] =	vst v63  }
0x63: {  	s9 =	simm.s32 $0x580;
	s19 =	rddreg [dreg:$0x11]  }
0x64: {  	[tilespmem:s9], [sflag:$0x1] =	stream.linear.gather [hbm4b:s19+s1], $0x80, $0x38;
	[tilespmem:$0x10F38] =	vst v63  }
0x65: {  	s12 =	simm.s32 $0x600;
	s20 =	rddreg [dreg:$0x12]  }
0x66: {  	[tilespmem:s12], [sflag:$0x1] =	stream.linear.gather [hbm4b:s20+s1], $0x80, $0x38;
	[tilespmem:$0x10F38] =	vst v63  }
0x67: {  	s15 =	simm.s32 $0x680;
	s9 =	rddreg [dreg:$0x13]  }
0x68: {  	[tilespmem:s15], [sflag:$0x1] =	stream.linear.gather [hbm4b:s9+s1], $0x80, $0x38;
	[tilespmem:$0x10F38] =	vst v63  }
0x69: {  	s28 =	simm.s32 $0x700;
	s20 =	rddreg [dreg:$0x14]  }
0x6a: {  	[tilespmem:s28], [sflag:$0x1] =	stream.linear.gather [hbm4b:s20+s1], $0x80, $0x38;
	[tilespmem:$0x10F38] =	vst v63  }
0x6b: {  	s17 =	simm.s32 $0x780;
	s9 =	rddreg [dreg:$0x15]  }
0x6c: {  	[tilespmem:s17], [sflag:$0x1] =	stream.linear.gather [hbm4b:s9+s1], $0x80, $0x38;
	[tilespmem:$0x10F38] =	vst v63  }
0x6d: {  	s30 =	simm.s32 $0x800;
	s15 =	rddreg [dreg:$0x16]  }
0x6e: {  	[tilespmem:s30], [sflag:$0x1] =	stream.linear.gather [hbm4b:s15+s1], $0x80, $0x38;
	[tilespmem:$0x10F38] =	vst v63  }
0x6f: {  	s13 =	simm.s32 $0x880;
	s17 =	rddreg [dreg:$0x17]  }
0x70: {  	[tilespmem:s13], [sflag:$0x1] =	stream.linear.gather [hbm4b:s17+s1], $0x80, $0x38;
	[tilespmem:$0x10F38] =	vst v63  }
0x71: {  	s31 =	simm.s32 $0x900;
	s9 =	rddreg [dreg:$0x18]  }
0x72: {  	[tilespmem:s31], [sflag:$0x1] =	stream.linear.gather [hbm4b:s9+s1], $0x80, $0x38;
	[tilespmem:$0x10F38] =	vst v63  }
0x73: {  	s30 =	simm.s32 $0x980;
	s13 =	rddreg [dreg:$0x19]  }
0x74: {  	[tilespmem:s30], [sflag:$0x1] =	stream.linear.gather [hbm4b:s13+s1], $0x80, $0x38;
	[tilespmem:$0x10F38] =	vst v63  }
0x75: {  	s15 =	rddreg [dreg:$0x1a];
	s13 =	simm.s32 $0xA00  }
0x76: {  	[tilespmem:s13], [sflag:$0x1] =	stream.linear.gather [hbm4b:s15+s1], $0x80, $0x38;
	[tilespmem:$0x10F38] =	vst v63  }
0x77: {  	s31 =	rddreg [dreg:$0x1b];
	s30 =	simm.s32 $0xA80  }
0x78: {  	[tilespmem:s30], [sflag:$0x1] =	stream.linear.gather [hbm4b:s31+s1], $0x80, $0x38;
	[tilespmem:$0x10F38] =	vst v63  }
0x79: {  	s9 =	simm.s32 $0xB00;
	s15 =	rddreg [dreg:$0x1c]  }
0x7a: {  	[tilespmem:s9], [sflag:$0x1] =	stream.linear.gather [hbm4b:s15+s1], $0x80, $0x38;
	[tilespmem:$0x10F38] =	vst v63  }
0x7b: {  	s18 =	simm.s32 $0xB80;
	s31 =	rddreg [dreg:$0x1d]  }
0x7c: {  	[tilespmem:s18], [sflag:$0x1] =	stream.linear.gather [hbm4b:s31+s1], $0x80, $0x38;
	[tilespmem:$0x10F38] =	vst v63  }
0x7d: {  	s19 =	simm.s32 @!p0 $0x6;
	s28 =	simm.s32 @!p0 $0x1C06;
	s15 =	rddreg [dreg:$0x1e]  }
0x7e: {  	[tilespmem:s23], [sflag:$0x1] =	stream.linear.gather [hbm4b:s15+s1], $0x80, $0x38;
	[tilespmem:$0x10F38] =	vst v63  }
0x7f: {  	[spmem:s29], [sflag:s28] =	dma.local @!p0 [hbm:s21], $0x570  }
0x80: {  	_ =	swait.ge @!p0 [sflag:s19], $0x570  }
0x81: {  	[sflag:s19] =	ssyncset.done @!p0 $0x0  }
0x82: {  	[sflag:s19] =	ssyncadd.s32 @!p0 $0xFFFFFA90  }
0x83: {  	[bflag:$0x0] =	sbarrier.arrive $0xFFFF  }
0x84: {  	_ =	swait.ge [sflag:s11], $0x80  }
0x85: {  	[sflag:s11] =	ssyncset.done $0x0  }
0x86: {  	[sflag:s11] =	ssyncadd.s32 $0xFFFFFF80  }
0x87: {  	_ =	swait.ge [sflag:s11], $0x80  }
0x88: {  	[sflag:s11] =	ssyncset.done $0x0  }
0x89: {  	[sflag:s11] =	ssyncadd.s32 $0xFFFFFF80  }
0x8a: {  	[tilespmem:s5], [sflag:$0x2] =	stream.indirect.gather [spmem:s2], $0x80, s1, s3, $0xb8;
	[tilespmem:$0x10F38] =	vst v63  }
0x8b: {  	_ = 	snop  }
0x8c: {  	[tilespmem:s14], [sflag:$0x2] =	stream.indirect.gather [spmem:s2], $0x80, s3, s3, $0xb8;
	[tilespmem:$0x10F38] =	vst v63  }
0x8d: {  	_ =	swait.ge [sflag:s11], $0x80  }
0x8e: {  	[sflag:s11] =	ssyncset.done $0x0  }
0x8f: {  	[sflag:s11] =	ssyncadd.s32 $0xFFFFFF80  }
0x90: {  	_ =	swait.ge [sflag:s11], $0x80  }
0x91: {  	[sflag:s11] =	ssyncset.done $0x0  }
0x92: {  	[sflag:s11] =	ssyncadd.s32 $0xFFFFFF80  }
0x93: {  	[tilespmem:s8], [sflag:$0x3] =	stream.indirect.gather [spmem:s2], $0x80, s26, s3, $0xb8;
	[tilespmem:$0x10F38] =	vst v63  }
0x94: {  	s31 =	simm.s32 $0x180;
	s28 =	simm.s32 $0xCC80  }
0x95: {  	[tilespmem:s28], [sflag:$0x3] =	stream.indirect.gather [spmem:s2], $0x80, s31, s3, $0xb8;
	[tilespmem:$0x10F38] =	vst v63  }
0x96: {  	_ =	swait.ge [sflag:s7], $0x4000  }
0x97: {  	[sflag:s7] =	ssyncset.done $0x0  }
0x98: {  	[sflag:s7] =	ssyncadd.s32 $0xFFFFC000  }
0x99: {  	_ =	swait.ge [sflag:s7], $0x4000  }
0x9a: {  	s18 =	rddreg [dreg:$0x1f];
	[sflag:s7] =	ssyncset.done $0x0  }
0x9b: {  	s19 =	sld [smem:$0x7E5];
	[sflag:s7] =	ssyncadd.s32 $0xFFFFC000  }
0x9c: {  	[hbm4b:s18+s1] =	stream.linear.scatter [tilespmem:s5], [sflag:$0x4], $0x8000, $0x38;
	[tilespmem:$0x10F38] =	vst v63  }
0x9d: {  	_ = 	snop  }
0x9e: {  	[hbm4b:s19+s1] =	stream.linear.scatter [tilespmem:s5], [sflag:$0x4], $0x8000, $0x38;
	[tilespmem:$0x10F38] =	vst v63  }
0x9f: {  	_ =	swait.ge [sflag:s4], $0x8000  }
0xa0: {  	[sflag:s4] =	ssyncset.done $0x0  }
0xa1: {  	[sflag:s4] =	ssyncadd.s32 $0xFFFF8000  }
0xa2: {  	_ =	swait.ge [sflag:s4], $0x8000  }
0xa3: {  	[sflag:s4] =	ssyncset.done $0x0  }
0xa4: {  	[sflag:s4] =	ssyncadd.s32 $0xFFFF8000  }
0xa5: {  	_ =	swait.ge [sflag:s11], $0x80  }
0xa6: {  	[sflag:s11] =	ssyncset.done $0x0  }
0xa7: {  	[sflag:s11] =	ssyncadd.s32 $0xFFFFFF80  }
0xa8: {  	_ =	swait.ge [sflag:s11], $0x80  }
0xa9: {  	[sflag:s11] =	ssyncset.done $0x0  }
0xaa: {  	[sflag:s11] =	ssyncadd.s32 $0xFFFFFF80  }
0xab: {  	[tilespmem:s5], [sflag:$0x2] =	stream.indirect.gather [spmem:s2], $0x80, s22, s3, $0xb8;
	[tilespmem:$0x10F38] =	vst v63  }
0xac: {  	s20 =	simm.s32 $0x280  }
0xad: {  	[tilespmem:s14], [sflag:$0x2] =	stream.indirect.gather [spmem:s2], $0x80, s20, s3, $0xb8;
	[tilespmem:$0x10F38] =	vst v63  }
0xae: {  	_ =	swait.ge [sflag:s10], $0x4000  }
0xaf: {  	[sflag:s10] =	ssyncset.done $0x0  }
0xb0: {  	[sflag:s10] =	ssyncadd.s32 $0xFFFFC000  }
0xb1: {  	_ =	swait.ge [sflag:s10], $0x4000  }
0xb2: {  	s21 =	sld [smem:$0x7E6]  }
0xb3: {  	[sflag:s10] =	ssyncset.done $0x0  }
0xb4: {  	s22 =	sld [smem:$0x7E7];
	[sflag:s10] =	ssyncadd.s32 $0xFFFFC000  }
0xb5: {  	[hbm4b:s21+s1] =	stream.linear.scatter [tilespmem:s8], [sflag:$0x5], $0x8000, $0x38;
	[tilespmem:$0x10F38] =	vst v63  }
0xb6: {  	_ = 	snop  }
0xb7: {  	[hbm4b:s22+s1] =	stream.linear.scatter [tilespmem:s8], [sflag:$0x5], $0x8000, $0x38;
	[tilespmem:$0x10F38] =	vst v63  }
0xb8: {  	_ =	swait.ge [sflag:s6], $0x8000  }
0xb9: {  	[sflag:s6] =	ssyncset.done $0x0  }
0xba: {  	[sflag:s6] =	ssyncadd.s32 $0xFFFF8000  }
0xbb: {  	_ =	swait.ge [sflag:s6], $0x8000  }
0xbc: {  	[sflag:s6] =	ssyncset.done $0x0  }
0xbd: {  	[sflag:s6] =	ssyncadd.s32 $0xFFFF8000  }
0xbe: {  	_ =	swait.ge [sflag:s11], $0x80  }
0xbf: {  	[sflag:s11] =	ssyncset.done $0x0  }
0xc0: {  	[sflag:s11] =	ssyncadd.s32 $0xFFFFFF80  }
0xc1: {  	_ =	swait.ge [sflag:s11], $0x80  }
0xc2: {  	[sflag:s11] =	ssyncset.done $0x0  }
0xc3: {  	[sflag:s11] =	ssyncadd.s32 $0xFFFFFF80  }
0xc4: {  	[tilespmem:s8], [sflag:$0x3] =	stream.indirect.gather [spmem:s2], $0x80, s24, s3, $0xb8;
	[tilespmem:$0x10F38] =	vst v63  }
0xc5: {  	_ = 	snop  }
0xc6: {  	[tilespmem:s28], [sflag:$0x3] =	stream.indirect.gather [spmem:s2], $0x80, s25, s3, $0xb8;
	[tilespmem:$0x10F38] =	vst v63  }
0xc7: {  	_ =	swait.ge [sflag:s7], $0x4000  }
0xc8: {  	[sflag:s7] =	ssyncset.done $0x0  }
0xc9: {  	[sflag:s7] =	ssyncadd.s32 $0xFFFFC000  }
0xca: {  	_ =	swait.ge [sflag:s7], $0x4000  }
0xcb: {  	s25 =	sld [smem:$0x7E8]  }
0xcc: {  	[sflag:s7] =	ssyncset.done $0x0  }
0xcd: {  	s26 =	sld [smem:$0x7E9];
	[sflag:s7] =	ssyncadd.s32 $0xFFFFC000  }
0xce: {  	[hbm4b:s25+s1] =	stream.linear.scatter [tilespmem:s5], [sflag:$0x4], $0x8000, $0x38;
	[tilespmem:$0x10F38] =	vst v63  }
0xcf: {  	_ = 	snop  }
0xd0: {  	[hbm4b:s26+s1] =	stream.linear.scatter [tilespmem:s5], [sflag:$0x4], $0x8000, $0x38;
	[tilespmem:$0x10F38] =	vst v63  }
0xd1: {  	_ =	swait.ge [sflag:s4], $0x8000  }
0xd2: {  	[sflag:s4] =	ssyncset.done $0x0  }
0xd3: {  	[sflag:s4] =	ssyncadd.s32 $0xFFFF8000  }
0xd4: {  	_ =	swait.ge [sflag:s4], $0x8000  }
0xd5: {  	[sflag:s4] =	ssyncset.done $0x0  }
0xd6: {  	[sflag:s4] =	ssyncadd.s32 $0xFFFF8000  }
0xd7: {  	_ =	swait.ge [sflag:s11], $0x80  }
0xd8: {  	[sflag:s11] =	ssyncset.done $0x0  }
0xd9: {  	[sflag:s11] =	ssyncadd.s32 $0xFFFFFF80  }
0xda: {  	_ =	swait.ge [sflag:s11], $0x80  }
0xdb: {  	[sflag:s11] =	ssyncset.done $0x0  }
0xdc: {  	s31 =	simm.s32 $0x400;
	[sflag:s11] =	ssyncadd.s32 $0xFFFFFF80  }
0xdd: {  	[tilespmem:s5], [sflag:$0x2] =	stream.indirect.gather [spmem:s2], $0x80, s31, s3, $0xb8;
	[tilespmem:$0x10F38] =	vst v63  }
0xde: {  	s0 =	simm.s32 $0x480  }
0xdf: {  	[tilespmem:s14], [sflag:$0x2] =	stream.indirect.gather [spmem:s2], $0x80, s0, s3, $0xb8;
	[tilespmem:$0x10F38] =	vst v63  }
0xe0: {  	_ =	swait.ge [sflag:s10], $0x4000  }
0xe1: {  	[sflag:s10] =	ssyncset.done $0x0  }
0xe2: {  	[sflag:s10] =	ssyncadd.s32 $0xFFFFC000  }
0xe3: {  	_ =	swait.ge [sflag:s10], $0x4000  }
0xe4: {  	s18 =	sld [smem:$0x7EA]  }
0xe5: {  	[sflag:s10] =	ssyncset.done $0x0  }
0xe6: {  	s19 =	sld [smem:$0x7EB];
	[sflag:s10] =	ssyncadd.s32 $0xFFFFC000  }
0xe7: {  	[hbm4b:s18+s1] =	stream.linear.scatter [tilespmem:s8], [sflag:$0x5], $0x8000, $0x38;
	[tilespmem:$0x10F38] =	vst v63  }
0xe8: {  	_ = 	snop  }
0xe9: {  	[hbm4b:s19+s1] =	stream.linear.scatter [tilespmem:s8], [sflag:$0x5], $0x8000, $0x38;
	[tilespmem:$0x10F38] =	vst v63  }
0xea: {  	_ =	swait.ge [sflag:s6], $0x8000  }
0xeb: {  	[sflag:s6] =	ssyncset.done $0x0  }
0xec: {  	[sflag:s6] =	ssyncadd.s32 $0xFFFF8000  }
0xed: {  	_ =	swait.ge [sflag:s6], $0x8000  }
0xee: {  	[sflag:s6] =	ssyncset.done $0x0  }
0xef: {  	[sflag:s6] =	ssyncadd.s32 $0xFFFF8000  }
0xf0: {  	_ =	swait.ge [sflag:s11], $0x80  }
0xf1: {  	[sflag:s11] =	ssyncset.done $0x0  }
0xf2: {  	[sflag:s11] =	ssyncadd.s32 $0xFFFFFF80  }
0xf3: {  	_ =	swait.ge [sflag:s11], $0x80  }
0xf4: {  	[sflag:s11] =	ssyncset.done $0x0  }
0xf5: {  	s22 =	simm.s32 $0x500;
	[sflag:s11] =	ssyncadd.s32 $0xFFFFFF80  }
0xf6: {  	[tilespmem:s8], [sflag:$0x3] =	stream.indirect.gather [spmem:s2], $0x80, s22, s3, $0xb8;
	[tilespmem:$0x10F38] =	vst v63  }
0xf7: {  	s16 =	simm.s32 $0x580  }
0xf8: {  	[tilespmem:s28], [sflag:$0x3] =	stream.indirect.gather [spmem:s2], $0x80, s16, s3, $0xb8;
	[tilespmem:$0x10F38] =	vst v63  }
0xf9: {  	_ =	swait.ge [sflag:s7], $0x4000  }
0xfa: {  	[sflag:s7] =	ssyncset.done $0x0  }
0xfb: {  	[sflag:s7] =	ssyncadd.s32 $0xFFFFC000  }
0xfc: {  	_ =	swait.ge [sflag:s7], $0x4000  }
0xfd: {  	s25 =	sld [smem:$0x7EC]  }
0xfe: {  	[sflag:s7] =	ssyncset.done $0x0  }
0xff: {  	s26 =	sld [smem:$0x7ED];
	[sflag:s7] =	ssyncadd.s32 $0xFFFFC000  }
0x100: {  	[hbm4b:s25+s1] =	stream.linear.scatter [tilespmem:s5], [sflag:$0x4], $0x8000, $0x38;
	[tilespmem:$0x10F38] =	vst v63  }
0x101: {  	_ = 	snop  }
0x102: {  	[hbm4b:s26+s1] =	stream.linear.scatter [tilespmem:s5], [sflag:$0x4], $0x8000, $0x38;
	[tilespmem:$0x10F38] =	vst v63  }
0x103: {  	_ =	swait.ge [sflag:s4], $0x8000  }
0x104: {  	[sflag:s4] =	ssyncset.done $0x0  }
0x105: {  	[sflag:s4] =	ssyncadd.s32 $0xFFFF8000  }
0x106: {  	_ =	swait.ge [sflag:s4], $0x8000  }
0x107: {  	[sflag:s4] =	ssyncset.done $0x0  }
0x108: {  	[sflag:s4] =	ssyncadd.s32 $0xFFFF8000  }
0x109: {  	_ =	swait.ge [sflag:s11], $0x80  }
0x10a: {  	[sflag:s11] =	ssyncset.done $0x0  }
0x10b: {  	[sflag:s11] =	ssyncadd.s32 $0xFFFFFF80  }
0x10c: {  	_ =	swait.ge [sflag:s11], $0x80  }
0x10d: {  	[sflag:s11] =	ssyncset.done $0x0  }
0x10e: {  	s31 =	simm.s32 $0x600;
	[sflag:s11] =	ssyncadd.s32 $0xFFFFFF80  }
0x10f: {  	[tilespmem:s5], [sflag:$0x2] =	stream.indirect.gather [spmem:s2], $0x80, s31, s3, $0xb8;
	[tilespmem:$0x10F38] =	vst v63  }
0x110: {  	s12 =	simm.s32 $0x680  }
0x111: {  	[tilespmem:s14], [sflag:$0x2] =	stream.indirect.gather [spmem:s2], $0x80, s12, s3, $0xb8;
	[tilespmem:$0x10F38] =	vst v63  }
0x112: {  	_ =	swait.ge [sflag:s10], $0x4000  }
0x113: {  	[sflag:s10] =	ssyncset.done $0x0  }
0x114: {  	[sflag:s10] =	ssyncadd.s32 $0xFFFFC000  }
0x115: {  	_ =	swait.ge [sflag:s10], $0x4000  }
0x116: {  	s0 =	sld [smem:$0x7EE]  }
0x117: {  	[sflag:s10] =	ssyncset.done $0x0  }
0x118: {  	s12 =	sld [smem:$0x7EF];
	[sflag:s10] =	ssyncadd.s32 $0xFFFFC000  }
0x119: {  	[hbm4b:s0+s1] =	stream.linear.scatter [tilespmem:s8], [sflag:$0x5], $0x8000, $0x38;
	[tilespmem:$0x10F38] =	vst v63  }
0x11a: {  	_ = 	snop  }
0x11b: {  	[hbm4b:s12+s1] =	stream.linear.scatter [tilespmem:s8], [sflag:$0x5], $0x8000, $0x38;
	[tilespmem:$0x10F38] =	vst v63  }
0x11c: {  	_ =	swait.ge [sflag:s6], $0x8000  }
0x11d: {  	[sflag:s6] =	ssyncset.done $0x0  }
0x11e: {  	[sflag:s6] =	ssyncadd.s32 $0xFFFF8000  }
0x11f: {  	_ =	swait.ge [sflag:s6], $0x8000  }
0x120: {  	[sflag:s6] =	ssyncset.done $0x0  }
0x121: {  	[sflag:s6] =	ssyncadd.s32 $0xFFFF8000  }
0x122: {  	_ =	swait.ge [sflag:s11], $0x80  }
0x123: {  	[sflag:s11] =	ssyncset.done $0x0  }
0x124: {  	[sflag:s11] =	ssyncadd.s32 $0xFFFFFF80  }
0x125: {  	_ =	swait.ge [sflag:s11], $0x80  }
0x126: {  	[sflag:s11] =	ssyncset.done $0x0  }
0x127: {  	s15 =	simm.s32 $0x700;
	[sflag:s11] =	ssyncadd.s32 $0xFFFFFF80  }
0x128: {  	[tilespmem:s8], [sflag:$0x3] =	stream.indirect.gather [spmem:s2], $0x80, s15, s3, $0xb8;
	[tilespmem:$0x10F38] =	vst v63  }
0x129: {  	s16 =	simm.s32 $0x780  }
0x12a: {  	[tilespmem:s28], [sflag:$0x3] =	stream.indirect.gather [spmem:s2], $0x80, s16, s3, $0xb8;
	[tilespmem:$0x10F38] =	vst v63  }
0x12b: {  	_ =	swait.ge [sflag:s7], $0x4000  }
0x12c: {  	[sflag:s7] =	ssyncset.done $0x0  }
0x12d: {  	[sflag:s7] =	ssyncadd.s32 $0xFFFFC000  }
0x12e: {  	_ =	swait.ge [sflag:s7], $0x4000  }
0x12f: {  	s18 =	sld [smem:$0x7F0]  }
0x130: {  	[sflag:s7] =	ssyncset.done $0x0  }
0x131: {  	s19 =	sld [smem:$0x7F1];
	[sflag:s7] =	ssyncadd.s32 $0xFFFFC000  }
0x132: {  	[hbm4b:s18+s1] =	stream.linear.scatter [tilespmem:s5], [sflag:$0x4], $0x8000, $0x38;
	[tilespmem:$0x10F38] =	vst v63  }
0x133: {  	_ = 	snop  }
0x134: {  	[hbm4b:s19+s1] =	stream.linear.scatter [tilespmem:s5], [sflag:$0x4], $0x8000, $0x38;
	[tilespmem:$0x10F38] =	vst v63  }
0x135: {  	_ =	swait.ge [sflag:s4], $0x8000  }
0x136: {  	[sflag:s4] =	ssyncset.done $0x0  }
0x137: {  	[sflag:s4] =	ssyncadd.s32 $0xFFFF8000  }
0x138: {  	_ =	swait.ge [sflag:s4], $0x8000  }
0x139: {  	[sflag:s4] =	ssyncset.done $0x0  }
0x13a: {  	[sflag:s4] =	ssyncadd.s32 $0xFFFF8000  }
0x13b: {  	_ =	swait.ge [sflag:s11], $0x80  }
0x13c: {  	[sflag:s11] =	ssyncset.done $0x0  }
0x13d: {  	[sflag:s11] =	ssyncadd.s32 $0xFFFFFF80  }
0x13e: {  	_ =	swait.ge [sflag:s11], $0x80  }
0x13f: {  	[sflag:s11] =	ssyncset.done $0x0  }
0x140: {  	s21 =	simm.s32 $0x800;
	[sflag:s11] =	ssyncadd.s32 $0xFFFFFF80  }
0x141: {  	[tilespmem:s5], [sflag:$0x2] =	stream.indirect.gather [spmem:s2], $0x80, s21, s3, $0xb8;
	[tilespmem:$0x10F38] =	vst v63  }
0x142: {  	s17 =	simm.s32 $0x880  }
0x143: {  	[tilespmem:s14], [sflag:$0x2] =	stream.indirect.gather [spmem:s2], $0x80, s17, s3, $0xb8;
	[tilespmem:$0x10F38] =	vst v63  }
0x144: {  	_ =	swait.ge [sflag:s10], $0x4000  }
0x145: {  	[sflag:s10] =	ssyncset.done $0x0  }
0x146: {  	[sflag:s10] =	ssyncadd.s32 $0xFFFFC000  }
0x147: {  	_ =	swait.ge [sflag:s10], $0x4000  }
0x148: {  	s22 =	sld [smem:$0x7F2]  }
0x149: {  	[sflag:s10] =	ssyncset.done $0x0  }
0x14a: {  	s25 =	sld [smem:$0x7F3];
	[sflag:s10] =	ssyncadd.s32 $0xFFFFC000  }
0x14b: {  	[hbm4b:s22+s1] =	stream.linear.scatter [tilespmem:s8], [sflag:$0x5], $0x8000, $0x38;
	[tilespmem:$0x10F38] =	vst v63  }
0x14c: {  	_ = 	snop  }
0x14d: {  	[hbm4b:s25+s1] =	stream.linear.scatter [tilespmem:s8], [sflag:$0x5], $0x8000, $0x38;
	[tilespmem:$0x10F38] =	vst v63  }
0x14e: {  	_ =	swait.ge [sflag:s6], $0x8000  }
0x14f: {  	[sflag:s6] =	ssyncset.done $0x0  }
0x150: {  	[sflag:s6] =	ssyncadd.s32 $0xFFFF8000  }
0x151: {  	_ =	swait.ge [sflag:s6], $0x8000  }
0x152: {  	[sflag:s6] =	ssyncset.done $0x0  }
0x153: {  	[sflag:s6] =	ssyncadd.s32 $0xFFFF8000  }
0x154: {  	_ =	swait.ge [sflag:s11], $0x80  }
0x155: {  	[sflag:s11] =	ssyncset.done $0x0  }
0x156: {  	[sflag:s11] =	ssyncadd.s32 $0xFFFFFF80  }
0x157: {  	_ =	swait.ge [sflag:s11], $0x80  }
0x158: {  	[sflag:s11] =	ssyncset.done $0x0  }
0x159: {  	s26 =	simm.s32 $0x900;
	[sflag:s11] =	ssyncadd.s32 $0xFFFFFF80  }
0x15a: {  	[tilespmem:s8], [sflag:$0x3] =	stream.indirect.gather [spmem:s2], $0x80, s26, s3, $0xb8;
	[tilespmem:$0x10F38] =	vst v63  }
0x15b: {  	s31 =	simm.s32 $0x980  }
0x15c: {  	[tilespmem:s28], [sflag:$0x3] =	stream.indirect.gather [spmem:s2], $0x80, s31, s3, $0xb8;
	[tilespmem:$0x10F38] =	vst v63  }
0x15d: {  	_ =	swait.ge [sflag:s7], $0x4000  }
0x15e: {  	[sflag:s7] =	ssyncset.done $0x0  }
0x15f: {  	[sflag:s7] =	ssyncadd.s32 $0xFFFFC000  }
0x160: {  	_ =	swait.ge [sflag:s7], $0x4000  }
0x161: {  	s0 =	sld [smem:$0x7F4]  }
0x162: {  	[sflag:s7] =	ssyncset.done $0x0  }
0x163: {  	s12 =	sld [smem:$0x7F5];
	[sflag:s7] =	ssyncadd.s32 $0xFFFFC000  }
0x164: {  	[hbm4b:s0+s1] =	stream.linear.scatter [tilespmem:s5], [sflag:$0x4], $0x8000, $0x38;
	[tilespmem:$0x10F38] =	vst v63  }
0x165: {  	_ = 	snop  }
0x166: {  	[hbm4b:s12+s1] =	stream.linear.scatter [tilespmem:s5], [sflag:$0x4], $0x8000, $0x38;
	[tilespmem:$0x10F38] =	vst v63  }
0x167: {  	_ =	swait.ge [sflag:s4], $0x8000  }
0x168: {  	[sflag:s4] =	ssyncset.done $0x0  }
0x169: {  	[sflag:s4] =	ssyncadd.s32 $0xFFFF8000  }
0x16a: {  	_ =	swait.ge [sflag:s4], $0x8000  }
0x16b: {  	[sflag:s4] =	ssyncset.done $0x0  }
0x16c: {  	[sflag:s4] =	ssyncadd.s32 $0xFFFF8000  }
0x16d: {  	_ =	swait.ge [sflag:s11], $0x80  }
0x16e: {  	[sflag:s11] =	ssyncset.done $0x0  }
0x16f: {  	[sflag:s11] =	ssyncadd.s32 $0xFFFFFF80  }
0x170: {  	_ =	swait.ge [sflag:s11], $0x80  }
0x171: {  	[sflag:s11] =	ssyncset.done $0x0  }
0x172: {  	s15 =	simm.s32 $0xA00;
	[sflag:s11] =	ssyncadd.s32 $0xFFFFFF80  }
0x173: {  	[tilespmem:s5], [sflag:$0x2] =	stream.indirect.gather [spmem:s2], $0x80, s15, s3, $0xb8;
	[tilespmem:$0x10F38] =	vst v63  }
0x174: {  	s30 =	simm.s32 $0xA80  }
0x175: {  	[tilespmem:s14], [sflag:$0x2] =	stream.indirect.gather [spmem:s2], $0x80, s30, s3, $0xb8;
	[tilespmem:$0x10F38] =	vst v63  }
0x176: {  	_ =	swait.ge [sflag:s10], $0x4000  }
0x177: {  	[sflag:s10] =	ssyncset.done $0x0  }
0x178: {  	[sflag:s10] =	ssyncadd.s32 $0xFFFFC000  }
0x179: {  	_ =	swait.ge [sflag:s10], $0x4000  }
0x17a: {  	s16 =	sld [smem:$0x7F6]  }
0x17b: {  	[sflag:s10] =	ssyncset.done $0x0  }
0x17c: {  	s17 =	sld [smem:$0x7F7];
	[sflag:s10] =	ssyncadd.s32 $0xFFFFC000  }
0x17d: {  	[hbm4b:s16+s1] =	stream.linear.scatter [tilespmem:s8], [sflag:$0x5], $0x8000, $0x38;
	[tilespmem:$0x10F38] =	vst v63  }
0x17e: {  	_ = 	snop  }
0x17f: {  	[hbm4b:s17+s1] =	stream.linear.scatter [tilespmem:s8], [sflag:$0x5], $0x8000, $0x38;
	[tilespmem:$0x10F38] =	vst v63  }
0x180: {  	_ =	swait.ge [sflag:s6], $0x8000  }
0x181: {  	[sflag:s6] =	ssyncset.done $0x0  }
0x182: {  	[sflag:s6] =	ssyncadd.s32 $0xFFFF8000  }
0x183: {  	_ =	swait.ge [sflag:s6], $0x8000  }
0x184: {  	[sflag:s6] =	ssyncset.done $0x0  }
0x185: {  	[sflag:s6] =	ssyncadd.s32 $0xFFFF8000  }
0x186: {  	_ =	swait.ge [sflag:s11], $0x80  }
0x187: {  	[sflag:s11] =	ssyncset.done $0x0  }
0x188: {  	[sflag:s11] =	ssyncadd.s32 $0xFFFFFF80  }
0x189: {  	_ =	swait.ge [sflag:s11], $0x80  }
0x18a: {  	[sflag:s11] =	ssyncset.done $0x0  }
0x18b: {  	s13 =	simm.s32 $0xB00;
	[sflag:s11] =	ssyncadd.s32 $0xFFFFFF80  }
0x18c: {  	[tilespmem:s8], [sflag:$0x3] =	stream.indirect.gather [spmem:s2], $0x80, s13, s3, $0xb8;
	[tilespmem:$0x10F38] =	vst v63  }
0x18d: {  	s9 =	simm.s32 $0xB80  }
0x18e: {  	[tilespmem:s28], [sflag:$0x3] =	stream.indirect.gather [spmem:s2], $0x80, s9, s3, $0xb8;
	[tilespmem:$0x10F38] =	vst v63  }
0x18f: {  	_ =	swait.ge [sflag:s7], $0x4000  }
0x190: {  	[sflag:s7] =	ssyncset.done $0x0  }
0x191: {  	[sflag:s7] =	ssyncadd.s32 $0xFFFFC000  }
0x192: {  	_ =	swait.ge [sflag:s7], $0x4000  }
0x193: {  	s18 =	sld [smem:$0x7F8]  }
0x194: {  	[sflag:s7] =	ssyncset.done $0x0  }
0x195: {  	s19 =	sld [smem:$0x7F9];
	[sflag:s7] =	ssyncadd.s32 $0xFFFFC000  }
0x196: {  	[hbm4b:s18+s1] =	stream.linear.scatter [tilespmem:s5], [sflag:$0x4], $0x8000, $0x38;
	[tilespmem:$0x10F38] =	vst v63  }
0x197: {  	_ = 	snop  }
0x198: {  	[hbm4b:s19+s1] =	stream.linear.scatter [tilespmem:s5], [sflag:$0x4], $0x8000, $0x38;
	[tilespmem:$0x10F38] =	vst v63  }
0x199: {  	_ =	swait.ge [sflag:s4], $0x8000  }
0x19a: {  	[sflag:s4] =	ssyncset.done $0x0  }
0x19b: {  	[sflag:s4] =	ssyncadd.s32 $0xFFFF8000  }
0x19c: {  	_ =	swait.ge [sflag:s4], $0x8000  }
0x19d: {  	[sflag:s4] =	ssyncset.done $0x0  }
0x19e: {  	[sflag:s4] =	ssyncadd.s32 $0xFFFF8000  }
0x19f: {  	_ =	swait.ge [sflag:s11], $0x80  }
0x1a0: {  	[sflag:s11] =	ssyncset.done $0x0  }
0x1a1: {  	[sflag:s11] =	ssyncadd.s32 $0xFFFFFF80  }
0x1a2: {  	[tilespmem:s5], [sflag:$0x2] =	stream.indirect.gather [spmem:s2], $0x80, s23, s3, $0xb8;
	[tilespmem:$0x10F38] =	vst v63  }
0x1a3: {  	_ =	swait.ge [sflag:s10], $0x4000  }
0x1a4: {  	[sflag:s10] =	ssyncset.done $0x0  }
0x1a5: {  	[sflag:s10] =	ssyncadd.s32 $0xFFFFC000  }
0x1a6: {  	_ =	swait.ge [sflag:s10], $0x4000  }
0x1a7: {  	s22 =	sld [smem:$0x7FA]  }
0x1a8: {  	[sflag:s10] =	ssyncset.done $0x0  }
0x1a9: {  	s25 =	sld [smem:$0x7FB];
	[sflag:s10] =	ssyncadd.s32 $0xFFFFC000  }
0x1aa: {  	[hbm4b:s22+s1] =	stream.linear.scatter [tilespmem:s8], [sflag:$0x5], $0x8000, $0x38;
	[tilespmem:$0x10F38] =	vst v63  }
0x1ab: {  	_ = 	snop  }
0x1ac: {  	[hbm4b:s25+s1] =	stream.linear.scatter [tilespmem:s8], [sflag:$0x5], $0x8000, $0x38;
	[tilespmem:$0x10F38] =	vst v63  }
0x1ad: {  	_ =	swait.ge [sflag:s7], $0x4000  }
0x1ae: {  	s26 =	sld [smem:$0x7FC]  }
0x1af: {  	[sflag:s7] =	ssyncset.done $0x0  }
0x1b0: {  	s30 =	sld [smem:$0x7FD];
	[sflag:s7] =	ssyncadd.s32 $0xFFFFC000  }
0x1b1: {  	[hbm4b:s26+s1] =	stream.linear.scatter [tilespmem:s5], [sflag:$0x4], $0x4000, $0x38;
	[tilespmem:$0x10F38] =	vst v63  }
0x1b2: {  	_ = 	snop  }
0x1b3: {  	[hbm4b:s30+s1] =	stream.linear.scatter [tilespmem:s5], [sflag:$0x4], $0x4000, $0x38;
	[tilespmem:$0x10F38] =	vst v63  }
0x1b4: {  	_ =	swait.ge [sflag:s6], $0x8000  }
0x1b5: {  	[sflag:s6] =	ssyncset.done $0x0  }
0x1b6: {  	[sflag:s6] =	ssyncadd.s32 $0xFFFF8000  }
0x1b7: {  	_ =	swait.ge [sflag:s6], $0x8000  }
0x1b8: {  	[sflag:s6] =	ssyncset.done $0x0  }
0x1b9: {  	[sflag:s6] =	ssyncadd.s32 $0xFFFF8000  }
0x1ba: {  	_ =	swait.ge [sflag:s4], $0x4000  }
0x1bb: {  	s31 =	sld [smem:$0x7E3];
	_ =	sdelay $0x2  }
0x1bc: {  	s20 =	sadd.s32 $0xFFFFFFFF, s31  }
0x1bd: {  	p2 =	sne.s32 s20, $0x0  }
.Ltmp1:
0x1be: {  	_ = 	snop;
	(pc) =	sbr.rel @!p2 .LBB2_7-.Ltmp1, $4  }
0x1bf: {  	[sflag:s4] =	ssyncset.done $0x0  }
0x1c0: {  	[sflag:s4] =	ssyncadd.s32 $0xFFFFC000  }
0x1c1: {  	_ =	swait.ge [sflag:s4], $0x4000  }
0x1c2: {  	p1 =	por $0x1, $0x1;
	s21 =	rddreg [dreg:$0x6];
	[sflag:s4] =	ssyncset.done $0x0  }
0x1c3: {  	s30 =	simm.s32 $0x180;
	s17 =	simm.s32 $0x200  }
0x1c4: {  	s9 =	simm.s32 $0x280;
	s16 =	simm.s32 $0x400;
	s13 =	simm.s32 $0x480  }
0x1c5: {  	s12 =	simm.s32 $0x500;
	s15 =	simm.s32 $0x580;
	s26 =	simm.s32 $0x680  }
.LBB2_4:
0x1c6: {  	s23 =	sld [smem:$0x7E4];
	_ =	sdelay $0x1  }
0x1c7: {  	[sflag:s4] =	ssyncadd.s32 $0xFFFFC000  }
0x1c8: {  	[tilespmem:s1], [sflag:$0x1] =	stream.linear.gather [hbm4b:s23+s1], $0x80, $0x38;
	[tilespmem:$0x10F38] =	vst v63  }
0x1c9: {  	s22 =	rddreg [dreg:$0x7]  }
0x1ca: {  	[tilespmem:s3], [sflag:$0x1] =	stream.linear.gather [hbm4b:s22+s1], $0x80, $0x38;
	[tilespmem:$0x10F38] =	vst v63  }
0x1cb: {  	s19 =	rddreg [dreg:$0x8];
	s28 =	simm.s32 $0x100  }
0x1cc: {  	[tilespmem:s28], [sflag:$0x1] =	stream.linear.gather [hbm4b:s19+s1], $0x80, $0x38;
	[tilespmem:$0x10F38] =	vst v63  }
0x1cd: {  	s31 =	rddreg [dreg:$0x9]  }
0x1ce: {  	[tilespmem:s30], [sflag:$0x1] =	stream.linear.gather [hbm4b:s31+s1], $0x80, $0x38;
	[tilespmem:$0x10F38] =	vst v63  }
0x1cf: {  	s0 =	rddreg [dreg:$0xa]  }
0x1d0: {  	[tilespmem:s17], [sflag:$0x1] =	stream.linear.gather [hbm4b:s0+s1], $0x80, $0x38;
	[tilespmem:$0x10F38] =	vst v63  }
0x1d1: {  	s14 =	rddreg [dreg:$0xb]  }
0x1d2: {  	[tilespmem:s9], [sflag:$0x1] =	stream.linear.gather [hbm4b:s14+s1], $0x80, $0x38;
	[tilespmem:$0x10F38] =	vst v63  }
0x1d3: {  	s25 =	simm.s32 $0x300;
	s18 =	rddreg [dreg:$0xc]  }
0x1d4: {  	[tilespmem:s25], [sflag:$0x1] =	stream.linear.gather [hbm4b:s18+s1], $0x80, $0x38;
	[tilespmem:$0x10F38] =	vst v63  }
0x1d5: {  	s19 =	rddreg [dreg:$0xd];
	s0 =	simm.s32 $0x380  }
0x1d6: {  	[tilespmem:s0], [sflag:$0x1] =	stream.linear.gather [hbm4b:s19+s1], $0x80, $0x38;
	[tilespmem:$0x10F38] =	vst v63  }
0x1d7: {  	s25 =	rddreg [dreg:$0xe]  }
0x1d8: {  	[tilespmem:s16], [sflag:$0x1] =	stream.linear.gather [hbm4b:s25+s1], $0x80, $0x38;
	[tilespmem:$0x10F38] =	vst v63  }
0x1d9: {  	s31 =	rddreg [dreg:$0xf]  }
0x1da: {  	[tilespmem:s13], [sflag:$0x1] =	stream.linear.gather [hbm4b:s31+s1], $0x80, $0x38;
	[tilespmem:$0x10F38] =	vst v63  }
0x1db: {  	s14 =	rddreg [dreg:$0x10]  }
0x1dc: {  	[tilespmem:s12], [sflag:$0x1] =	stream.linear.gather [hbm4b:s14+s1], $0x80, $0x38;
	[tilespmem:$0x10F38] =	vst v63  }
0x1dd: {  	s18 =	rddreg [dreg:$0x11]  }
0x1de: {  	[tilespmem:s15], [sflag:$0x1] =	stream.linear.gather [hbm4b:s18+s1], $0x80, $0x38;
	[tilespmem:$0x10F38] =	vst v63  }
0x1df: {  	s19 =	rddreg [dreg:$0x12];
	s14 =	simm.s32 $0x600  }
0x1e0: {  	[tilespmem:s14], [sflag:$0x1] =	stream.linear.gather [hbm4b:s19+s1], $0x80, $0x38;
	[tilespmem:$0x10F38] =	vst v63  }
0x1e1: {  	s25 =	rddreg [dreg:$0x13]  }
0x1e2: {  	[tilespmem:s26], [sflag:$0x1] =	stream.linear.gather [hbm4b:s25+s1], $0x80, $0x38;
	[tilespmem:$0x10F38] =	vst v63  }
0x1e3: {  	s31 =	rddreg [dreg:$0x14];
	s18 =	simm.s32 $0x700  }
0x1e4: {  	[tilespmem:s18], [sflag:$0x1] =	stream.linear.gather [hbm4b:s31+s1], $0x80, $0x38;
	[tilespmem:$0x10F38] =	vst v63  }
0x1e5: {  	s19 =	rddreg [dreg:$0x15];
	s18 =	simm.s32 $0x780  }
0x1e6: {  	[tilespmem:s18], [sflag:$0x1] =	stream.linear.gather [hbm4b:s19+s1], $0x80, $0x38;
	[tilespmem:$0x10F38] =	vst v63  }
0x1e7: {  	s25 =	rddreg [dreg:$0x16];
	s19 =	simm.s32 $0x800  }
0x1e8: {  	[tilespmem:s19], [sflag:$0x1] =	stream.linear.gather [hbm4b:s25+s1], $0x80, $0x38;
	[tilespmem:$0x10F38] =	vst v63  }
0x1e9: {  	s22 =	rddreg [dreg:$0x17];
	s31 =	simm.s32 $0x880  }
0x1ea: {  	[tilespmem:s31], [sflag:$0x1] =	stream.linear.gather [hbm4b:s22+s1], $0x80, $0x38;
	[tilespmem:$0x10F38] =	vst v63  }
0x1eb: {  	s23 =	rddreg [dreg:$0x18];
	s31 =	simm.s32 $0x900  }
0x1ec: {  	[tilespmem:s31], [sflag:$0x1] =	stream.linear.gather [hbm4b:s23+s1], $0x80, $0x38;
	[tilespmem:$0x10F38] =	vst v63  }
0x1ed: {  	s22 =	rddreg [dreg:$0x19];
	s31 =	simm.s32 $0x980  }
0x1ee: {  	[tilespmem:s31], [sflag:$0x1] =	stream.linear.gather [hbm4b:s22+s1], $0x80, $0x38;
	[tilespmem:$0x10F38] =	vst v63  }
0x1ef: {  	s23 =	rddreg [dreg:$0x1a];
	s31 =	simm.s32 $0xA00  }
0x1f0: {  	[tilespmem:s31], [sflag:$0x1] =	stream.linear.gather [hbm4b:s23+s1], $0x80, $0x38;
	[tilespmem:$0x10F38] =	vst v63  }
0x1f1: {  	s22 =	rddreg [dreg:$0x1b];
	s31 =	simm.s32 $0xA80  }
0x1f2: {  	[tilespmem:s31], [sflag:$0x1] =	stream.linear.gather [hbm4b:s22+s1], $0x80, $0x38;
	[tilespmem:$0x10F38] =	vst v63  }
0x1f3: {  	s23 =	rddreg [dreg:$0x1c];
	s31 =	simm.s32 $0xB00  }
0x1f4: {  	[tilespmem:s31], [sflag:$0x1] =	stream.linear.gather [hbm4b:s23+s1], $0x80, $0x38;
	[tilespmem:$0x10F38] =	vst v63  }
0x1f5: {  	s19 =	simm.s32 $0xB80;
	s22 =	rddreg [dreg:$0x1d]  }
0x1f6: {  	[tilespmem:s19], [sflag:$0x1] =	stream.linear.gather [hbm4b:s22+s1], $0x80, $0x38;
	[tilespmem:$0x10F38] =	vst v63  }
0x1f7: {  	s24 =	simm.s32 $0xC00;
	s31 =	rddreg [dreg:$0x1e];
	s22 =	simm.s32 @!p0 $0x1C06  }
0x1f8: {  	[tilespmem:s24], [sflag:$0x1] =	stream.linear.gather [hbm4b:s31+s1], $0x80, $0x38;
	[tilespmem:$0x10F38] =	vst v63  }
0x1f9: {  	[spmem:s29], [sflag:s22] =	dma.local @!p0 [hbm:s21], $0x570  }
0x1fa: {  	s21 =	simm.s32 @!p0 $0x6  }
0x1fb: {  	_ =	swait.ge @!p0 [sflag:s21], $0x570  }
0x1fc: {  	[sflag:s21] =	ssyncset.done @!p0 $0x0  }
0x1fd: {  	[sflag:s21] =	ssyncadd.s32 @!p0 $0xFFFFFA90  }
0x1fe: {  	[bflag:$0x0] =	sbarrier.arrive $0xFFFF  }
0x1ff: {  	_ =	swait.ge [sflag:s11], $0x80  }
0x200: {  	[sflag:s11] =	ssyncset.done $0x0  }
0x201: {  	[sflag:s11] =	ssyncadd.s32 $0xFFFFFF80  }
0x202: {  	_ =	swait.ge [sflag:s11], $0x80  }
0x203: {  	[sflag:s11] =	ssyncset.done $0x0  }
0x204: {  	[sflag:s11] =	ssyncadd.s32 $0xFFFFFF80  }
0x205: {  	[tilespmem:s5], [sflag:$0x2] =	stream.indirect.gather [spmem:s2], $0x80, s1, s3, $0xb8;
	[tilespmem:$0x10F38] =	vst v63  }
0x206: {  	s25 =	simm.s32 $0x4C80  }
0x207: {  	[tilespmem:s25], [sflag:$0x2] =	stream.indirect.gather [spmem:s2], $0x80, s3, s3, $0xb8;
	[tilespmem:$0x10F38] =	vst v63  }
0x208: {  	_ =	swait.ge [sflag:s11], $0x80  }
0x209: {  	[sflag:s11] =	ssyncset.done $0x0  }
0x20a: {  	[sflag:s11] =	ssyncadd.s32 $0xFFFFFF80  }
0x20b: {  	_ =	swait.ge [sflag:s11], $0x80  }
0x20c: {  	[sflag:s11] =	ssyncset.done $0x0  }
0x20d: {  	[sflag:s11] =	ssyncadd.s32 $0xFFFFFF80  }
0x20e: {  	[tilespmem:s8], [sflag:$0x3] =	stream.indirect.gather [spmem:s2], $0x80, s28, s3, $0xb8;
	[tilespmem:$0x10F38] =	vst v63  }
0x20f: {  	s28 =	simm.s32 $0xCC80  }
0x210: {  	[tilespmem:s28], [sflag:$0x3] =	stream.indirect.gather [spmem:s2], $0x80, s30, s3, $0xb8;
	[tilespmem:$0x10F38] =	vst v63  }
0x211: {  	_ =	swait.ge [sflag:s7], $0x4000  }
0x212: {  	[sflag:s7] =	ssyncset.done $0x0  }
0x213: {  	[sflag:s7] =	ssyncadd.s32 $0xFFFFC000  }
0x214: {  	_ =	swait.ge [sflag:s7], $0x4000  }
0x215: {  	s22 =	rddreg [dreg:$0x1f];
	[sflag:s7] =	ssyncset.done $0x0  }
0x216: {  	s31 =	sld [smem:$0x7E5];
	[sflag:s7] =	ssyncadd.s32 $0xFFFFC000  }
0x217: {  	[hbm4b:s22+s1] =	stream.linear.scatter [tilespmem:s5], [sflag:$0x4], $0x8000, $0x38;
	[tilespmem:$0x10F38] =	vst v63  }
0x218: {  	_ = 	snop  }
0x219: {  	[hbm4b:s31+s1] =	stream.linear.scatter [tilespmem:s5], [sflag:$0x4], $0x8000, $0x38;
	[tilespmem:$0x10F38] =	vst v63  }
0x21a: {  	_ =	swait.ge [sflag:s4], $0x8000  }
0x21b: {  	[sflag:s4] =	ssyncset.done $0x0  }
0x21c: {  	[sflag:s4] =	ssyncadd.s32 $0xFFFF8000  }
0x21d: {  	_ =	swait.ge [sflag:s4], $0x8000  }
0x21e: {  	[sflag:s4] =	ssyncset.done $0x0  }
0x21f: {  	[sflag:s4] =	ssyncadd.s32 $0xFFFF8000  }
0x220: {  	_ =	swait.ge [sflag:s11], $0x80  }
0x221: {  	[sflag:s11] =	ssyncset.done $0x0  }
0x222: {  	[sflag:s11] =	ssyncadd.s32 $0xFFFFFF80  }
0x223: {  	_ =	swait.ge [sflag:s11], $0x80  }
0x224: {  	[sflag:s11] =	ssyncset.done $0x0  }
0x225: {  	[sflag:s11] =	ssyncadd.s32 $0xFFFFFF80  }
0x226: {  	[tilespmem:s5], [sflag:$0x2] =	stream.indirect.gather [spmem:s2], $0x80, s17, s3, $0xb8;
	[tilespmem:$0x10F38] =	vst v63  }
0x227: {  	_ = 	snop  }
0x228: {  	[tilespmem:s25], [sflag:$0x2] =	stream.indirect.gather [spmem:s2], $0x80, s9, s3, $0xb8;
	[tilespmem:$0x10F38] =	vst v63  }
0x229: {  	_ =	swait.ge [sflag:s10], $0x4000  }
0x22a: {  	[sflag:s10] =	ssyncset.done $0x0  }
0x22b: {  	[sflag:s10] =	ssyncadd.s32 $0xFFFFC000  }
0x22c: {  	_ =	swait.ge [sflag:s10], $0x4000  }
0x22d: {  	s22 =	sld [smem:$0x7E6]  }
0x22e: {  	[sflag:s10] =	ssyncset.done $0x0  }
0x22f: {  	s31 =	sld [smem:$0x7E7];
	[sflag:s10] =	ssyncadd.s32 $0xFFFFC000  }
0x230: {  	[hbm4b:s22+s1] =	stream.linear.scatter [tilespmem:s8], [sflag:$0x5], $0x8000, $0x38;
	[tilespmem:$0x10F38] =	vst v63  }
0x231: {  	_ = 	snop  }
0x232: {  	[hbm4b:s31+s1] =	stream.linear.scatter [tilespmem:s8], [sflag:$0x5], $0x8000, $0x38;
	[tilespmem:$0x10F38] =	vst v63  }
0x233: {  	_ =	swait.ge [sflag:s6], $0x8000  }
0x234: {  	[sflag:s6] =	ssyncset.done $0x0  }
0x235: {  	[sflag:s6] =	ssyncadd.s32 $0xFFFF8000  }
0x236: {  	_ =	swait.ge [sflag:s6], $0x8000  }
0x237: {  	[sflag:s6] =	ssyncset.done $0x0  }
0x238: {  	[sflag:s6] =	ssyncadd.s32 $0xFFFF8000  }
0x239: {  	_ =	swait.ge [sflag:s11], $0x80  }
0x23a: {  	[sflag:s11] =	ssyncset.done $0x0  }
0x23b: {  	[sflag:s11] =	ssyncadd.s32 $0xFFFFFF80  }
0x23c: {  	_ =	swait.ge [sflag:s11], $0x80  }
0x23d: {  	[sflag:s11] =	ssyncset.done $0x0  }
0x23e: {  	s24 =	simm.s32 $0x300;
	[sflag:s11] =	ssyncadd.s32 $0xFFFFFF80  }
0x23f: {  	[tilespmem:s8], [sflag:$0x3] =	stream.indirect.gather [spmem:s2], $0x80, s24, s3, $0xb8;
	[tilespmem:$0x10F38] =	vst v63  }
0x240: {  	_ = 	snop  }
0x241: {  	[tilespmem:s28], [sflag:$0x3] =	stream.indirect.gather [spmem:s2], $0x80, s0, s3, $0xb8;
	[tilespmem:$0x10F38] =	vst v63  }
0x242: {  	_ =	swait.ge [sflag:s7], $0x4000  }
0x243: {  	[sflag:s7] =	ssyncset.done $0x0  }
0x244: {  	[sflag:s7] =	ssyncadd.s32 $0xFFFFC000  }
0x245: {  	_ =	swait.ge [sflag:s7], $0x4000  }
0x246: {  	s31 =	sld [smem:$0x7E8]  }
0x247: {  	[sflag:s7] =	ssyncset.done $0x0  }
0x248: {  	s0 =	sld [smem:$0x7E9];
	[sflag:s7] =	ssyncadd.s32 $0xFFFFC000  }
0x249: {  	[hbm4b:s31+s1] =	stream.linear.scatter [tilespmem:s5], [sflag:$0x4], $0x8000, $0x38;
	[tilespmem:$0x10F38] =	vst v63  }
0x24a: {  	_ = 	snop  }
0x24b: {  	[hbm4b:s0+s1] =	stream.linear.scatter [tilespmem:s5], [sflag:$0x4], $0x8000, $0x38;
	[tilespmem:$0x10F38] =	vst v63  }
0x24c: {  	_ =	swait.ge [sflag:s4], $0x8000  }
0x24d: {  	[sflag:s4] =	ssyncset.done $0x0  }
0x24e: {  	[sflag:s4] =	ssyncadd.s32 $0xFFFF8000  }
0x24f: {  	_ =	swait.ge [sflag:s4], $0x8000  }
0x250: {  	[sflag:s4] =	ssyncset.done $0x0  }
0x251: {  	[sflag:s4] =	ssyncadd.s32 $0xFFFF8000  }
0x252: {  	_ =	swait.ge [sflag:s11], $0x80  }
0x253: {  	[sflag:s11] =	ssyncset.done $0x0  }
0x254: {  	[sflag:s11] =	ssyncadd.s32 $0xFFFFFF80  }
0x255: {  	_ =	swait.ge [sflag:s11], $0x80  }
0x256: {  	[sflag:s11] =	ssyncset.done $0x0  }
0x257: {  	[sflag:s11] =	ssyncadd.s32 $0xFFFFFF80  }
0x258: {  	[tilespmem:s5], [sflag:$0x2] =	stream.indirect.gather [spmem:s2], $0x80, s16, s3, $0xb8;
	[tilespmem:$0x10F38] =	vst v63  }
0x259: {  	_ = 	snop  }
0x25a: {  	[tilespmem:s25], [sflag:$0x2] =	stream.indirect.gather [spmem:s2], $0x80, s13, s3, $0xb8;
	[tilespmem:$0x10F38] =	vst v63  }
0x25b: {  	_ =	swait.ge [sflag:s10], $0x4000  }
0x25c: {  	[sflag:s10] =	ssyncset.done $0x0  }
0x25d: {  	[sflag:s10] =	ssyncadd.s32 $0xFFFFC000  }
0x25e: {  	_ =	swait.ge [sflag:s10], $0x4000  }
0x25f: {  	s31 =	sld [smem:$0x7EA]  }
0x260: {  	[sflag:s10] =	ssyncset.done $0x0  }
0x261: {  	s0 =	sld [smem:$0x7EB];
	[sflag:s10] =	ssyncadd.s32 $0xFFFFC000  }
0x262: {  	[hbm4b:s31+s1] =	stream.linear.scatter [tilespmem:s8], [sflag:$0x5], $0x8000, $0x38;
	[tilespmem:$0x10F38] =	vst v63  }
0x263: {  	_ = 	snop  }
0x264: {  	[hbm4b:s0+s1] =	stream.linear.scatter [tilespmem:s8], [sflag:$0x5], $0x8000, $0x38;
	[tilespmem:$0x10F38] =	vst v63  }
0x265: {  	_ =	swait.ge [sflag:s6], $0x8000  }
0x266: {  	[sflag:s6] =	ssyncset.done $0x0  }
0x267: {  	[sflag:s6] =	ssyncadd.s32 $0xFFFF8000  }
0x268: {  	_ =	swait.ge [sflag:s6], $0x8000  }
0x269: {  	[sflag:s6] =	ssyncset.done $0x0  }
0x26a: {  	[sflag:s6] =	ssyncadd.s32 $0xFFFF8000  }
0x26b: {  	_ =	swait.ge [sflag:s11], $0x80  }
0x26c: {  	[sflag:s11] =	ssyncset.done $0x0  }
0x26d: {  	[sflag:s11] =	ssyncadd.s32 $0xFFFFFF80  }
0x26e: {  	_ =	swait.ge [sflag:s11], $0x80  }
0x26f: {  	[sflag:s11] =	ssyncset.done $0x0  }
0x270: {  	[sflag:s11] =	ssyncadd.s32 $0xFFFFFF80  }
0x271: {  	[tilespmem:s8], [sflag:$0x3] =	stream.indirect.gather [spmem:s2], $0x80, s12, s3, $0xb8;
	[tilespmem:$0x10F38] =	vst v63  }
0x272: {  	_ = 	snop  }
0x273: {  	[tilespmem:s28], [sflag:$0x3] =	stream.indirect.gather [spmem:s2], $0x80, s15, s3, $0xb8;
	[tilespmem:$0x10F38] =	vst v63  }
0x274: {  	_ =	swait.ge [sflag:s7], $0x4000  }
0x275: {  	[sflag:s7] =	ssyncset.done $0x0  }
0x276: {  	[sflag:s7] =	ssyncadd.s32 $0xFFFFC000  }
0x277: {  	_ =	swait.ge [sflag:s7], $0x4000  }
0x278: {  	s22 =	sld [smem:$0x7EC]  }
0x279: {  	[sflag:s7] =	ssyncset.done $0x0  }
0x27a: {  	s31 =	sld [smem:$0x7ED];
	[sflag:s7] =	ssyncadd.s32 $0xFFFFC000  }
0x27b: {  	[hbm4b:s22+s1] =	stream.linear.scatter [tilespmem:s5], [sflag:$0x4], $0x8000, $0x38;
	[tilespmem:$0x10F38] =	vst v63  }
0x27c: {  	_ = 	snop  }
0x27d: {  	[hbm4b:s31+s1] =	stream.linear.scatter [tilespmem:s5], [sflag:$0x4], $0x8000, $0x38;
	[tilespmem:$0x10F38] =	vst v63  }
0x27e: {  	_ =	swait.ge [sflag:s4], $0x8000  }
0x27f: {  	[sflag:s4] =	ssyncset.done $0x0  }
0x280: {  	[sflag:s4] =	ssyncadd.s32 $0xFFFF8000  }
0x281: {  	_ =	swait.ge [sflag:s4], $0x8000  }
0x282: {  	[sflag:s4] =	ssyncset.done $0x0  }
0x283: {  	[sflag:s4] =	ssyncadd.s32 $0xFFFF8000  }
0x284: {  	_ =	swait.ge [sflag:s11], $0x80  }
0x285: {  	[sflag:s11] =	ssyncset.done $0x0  }
0x286: {  	[sflag:s11] =	ssyncadd.s32 $0xFFFFFF80  }
0x287: {  	_ =	swait.ge [sflag:s11], $0x80  }
0x288: {  	[sflag:s11] =	ssyncset.done $0x0  }
0x289: {  	[sflag:s11] =	ssyncadd.s32 $0xFFFFFF80  }
0x28a: {  	[tilespmem:s5], [sflag:$0x2] =	stream.indirect.gather [spmem:s2], $0x80, s14, s3, $0xb8;
	[tilespmem:$0x10F38] =	vst v63  }
0x28b: {  	_ = 	snop  }
0x28c: {  	[tilespmem:s25], [sflag:$0x2] =	stream.indirect.gather [spmem:s2], $0x80, s26, s3, $0xb8;
	[tilespmem:$0x10F38] =	vst v63  }
0x28d: {  	_ =	swait.ge [sflag:s10], $0x4000  }
0x28e: {  	[sflag:s10] =	ssyncset.done $0x0  }
0x28f: {  	[sflag:s10] =	ssyncadd.s32 $0xFFFFC000  }
0x290: {  	_ =	swait.ge [sflag:s10], $0x4000  }
0x291: {  	s0 =	sld [smem:$0x7EE]  }
0x292: {  	[sflag:s10] =	ssyncset.done $0x0  }
0x293: {  	s14 =	sld [smem:$0x7EF];
	[sflag:s10] =	ssyncadd.s32 $0xFFFFC000  }
0x294: {  	[hbm4b:s0+s1] =	stream.linear.scatter [tilespmem:s8], [sflag:$0x5], $0x8000, $0x38;
	[tilespmem:$0x10F38] =	vst v63  }
0x295: {  	_ = 	snop  }
0x296: {  	[hbm4b:s14+s1] =	stream.linear.scatter [tilespmem:s8], [sflag:$0x5], $0x8000, $0x38;
	[tilespmem:$0x10F38] =	vst v63  }
0x297: {  	_ =	swait.ge [sflag:s6], $0x8000  }
0x298: {  	[sflag:s6] =	ssyncset.done $0x0  }
0x299: {  	[sflag:s6] =	ssyncadd.s32 $0xFFFF8000  }
0x29a: {  	_ =	swait.ge [sflag:s6], $0x8000  }
0x29b: {  	[sflag:s6] =	ssyncset.done $0x0  }
0x29c: {  	[sflag:s6] =	ssyncadd.s32 $0xFFFF8000  }
0x29d: {  	_ =	swait.ge [sflag:s11], $0x80  }
0x29e: {  	[sflag:s11] =	ssyncset.done $0x0  }
0x29f: {  	[sflag:s11] =	ssyncadd.s32 $0xFFFFFF80  }
0x2a0: {  	_ =	swait.ge [sflag:s11], $0x80  }
0x2a1: {  	[sflag:s11] =	ssyncset.done $0x0  }
0x2a2: {  	s31 =	simm.s32 $0x700;
	[sflag:s11] =	ssyncadd.s32 $0xFFFFFF80  }
0x2a3: {  	[tilespmem:s8], [sflag:$0x3] =	stream.indirect.gather [spmem:s2], $0x80, s31, s3, $0xb8;
	[tilespmem:$0x10F38] =	vst v63  }
0x2a4: {  	_ = 	snop  }
0x2a5: {  	[tilespmem:s28], [sflag:$0x3] =	stream.indirect.gather [spmem:s2], $0x80, s18, s3, $0xb8;
	[tilespmem:$0x10F38] =	vst v63  }
0x2a6: {  	_ =	swait.ge [sflag:s7], $0x4000  }
0x2a7: {  	[sflag:s7] =	ssyncset.done $0x0  }
0x2a8: {  	[sflag:s7] =	ssyncadd.s32 $0xFFFFC000  }
0x2a9: {  	_ =	swait.ge [sflag:s7], $0x4000  }
0x2aa: {  	s14 =	sld [smem:$0x7F0]  }
0x2ab: {  	[sflag:s7] =	ssyncset.done $0x0  }
0x2ac: {  	s18 =	sld [smem:$0x7F1];
	[sflag:s7] =	ssyncadd.s32 $0xFFFFC000  }
0x2ad: {  	[hbm4b:s14+s1] =	stream.linear.scatter [tilespmem:s5], [sflag:$0x4], $0x8000, $0x38;
	[tilespmem:$0x10F38] =	vst v63  }
0x2ae: {  	_ = 	snop  }
0x2af: {  	[hbm4b:s18+s1] =	stream.linear.scatter [tilespmem:s5], [sflag:$0x4], $0x8000, $0x38;
	[tilespmem:$0x10F38] =	vst v63  }
0x2b0: {  	_ =	swait.ge [sflag:s4], $0x8000  }
0x2b1: {  	[sflag:s4] =	ssyncset.done $0x0  }
0x2b2: {  	[sflag:s4] =	ssyncadd.s32 $0xFFFF8000  }
0x2b3: {  	_ =	swait.ge [sflag:s4], $0x8000  }
0x2b4: {  	[sflag:s4] =	ssyncset.done $0x0  }
0x2b5: {  	[sflag:s4] =	ssyncadd.s32 $0xFFFF8000  }
0x2b6: {  	_ =	swait.ge [sflag:s11], $0x80  }
0x2b7: {  	[sflag:s11] =	ssyncset.done $0x0  }
0x2b8: {  	[sflag:s11] =	ssyncadd.s32 $0xFFFFFF80  }
0x2b9: {  	_ =	swait.ge [sflag:s11], $0x80  }
0x2ba: {  	[sflag:s11] =	ssyncset.done $0x0  }
0x2bb: {  	s22 =	simm.s32 $0x800;
	[sflag:s11] =	ssyncadd.s32 $0xFFFFFF80  }
0x2bc: {  	[tilespmem:s5], [sflag:$0x2] =	stream.indirect.gather [spmem:s2], $0x80, s22, s3, $0xb8;
	[tilespmem:$0x10F38] =	vst v63  }
0x2bd: {  	s31 =	simm.s32 $0x880  }
0x2be: {  	[tilespmem:s25], [sflag:$0x2] =	stream.indirect.gather [spmem:s2], $0x80, s31, s3, $0xb8;
	[tilespmem:$0x10F38] =	vst v63  }
0x2bf: {  	_ =	swait.ge [sflag:s10], $0x4000  }
0x2c0: {  	[sflag:s10] =	ssyncset.done $0x0  }
0x2c1: {  	[sflag:s10] =	ssyncadd.s32 $0xFFFFC000  }
0x2c2: {  	_ =	swait.ge [sflag:s10], $0x4000  }
0x2c3: {  	s0 =	sld [smem:$0x7F2]  }
0x2c4: {  	[sflag:s10] =	ssyncset.done $0x0  }
0x2c5: {  	s18 =	sld [smem:$0x7F3];
	[sflag:s10] =	ssyncadd.s32 $0xFFFFC000  }
0x2c6: {  	[hbm4b:s0+s1] =	stream.linear.scatter [tilespmem:s8], [sflag:$0x5], $0x8000, $0x38;
	[tilespmem:$0x10F38] =	vst v63  }
0x2c7: {  	_ = 	snop  }
0x2c8: {  	[hbm4b:s18+s1] =	stream.linear.scatter [tilespmem:s8], [sflag:$0x5], $0x8000, $0x38;
	[tilespmem:$0x10F38] =	vst v63  }
0x2c9: {  	_ =	swait.ge [sflag:s6], $0x8000  }
0x2ca: {  	[sflag:s6] =	ssyncset.done $0x0  }
0x2cb: {  	[sflag:s6] =	ssyncadd.s32 $0xFFFF8000  }
0x2cc: {  	_ =	swait.ge [sflag:s6], $0x8000  }
0x2cd: {  	[sflag:s6] =	ssyncset.done $0x0  }
0x2ce: {  	[sflag:s6] =	ssyncadd.s32 $0xFFFF8000  }
0x2cf: {  	_ =	swait.ge [sflag:s11], $0x80  }
0x2d0: {  	[sflag:s11] =	ssyncset.done $0x0  }
0x2d1: {  	[sflag:s11] =	ssyncadd.s32 $0xFFFFFF80  }
0x2d2: {  	_ =	swait.ge [sflag:s11], $0x80  }
0x2d3: {  	[sflag:s11] =	ssyncset.done $0x0  }
0x2d4: {  	s25 =	simm.s32 $0x900;
	[sflag:s11] =	ssyncadd.s32 $0xFFFFFF80  }
0x2d5: {  	[tilespmem:s8], [sflag:$0x3] =	stream.indirect.gather [spmem:s2], $0x80, s25, s3, $0xb8;
	[tilespmem:$0x10F38] =	vst v63  }
0x2d6: {  	s31 =	simm.s32 $0x980  }
0x2d7: {  	[tilespmem:s28], [sflag:$0x3] =	stream.indirect.gather [spmem:s2], $0x80, s31, s3, $0xb8;
	[tilespmem:$0x10F38] =	vst v63  }
0x2d8: {  	_ =	swait.ge [sflag:s7], $0x4000  }
0x2d9: {  	[sflag:s7] =	ssyncset.done $0x0  }
0x2da: {  	[sflag:s7] =	ssyncadd.s32 $0xFFFFC000  }
0x2db: {  	_ =	swait.ge [sflag:s7], $0x4000  }
0x2dc: {  	s0 =	sld [smem:$0x7F4]  }
0x2dd: {  	[sflag:s7] =	ssyncset.done $0x0  }
0x2de: {  	s18 =	sld [smem:$0x7F5];
	[sflag:s7] =	ssyncadd.s32 $0xFFFFC000  }
0x2df: {  	[hbm4b:s0+s1] =	stream.linear.scatter [tilespmem:s5], [sflag:$0x4], $0x8000, $0x38;
	[tilespmem:$0x10F38] =	vst v63  }
0x2e0: {  	_ = 	snop  }
0x2e1: {  	[hbm4b:s18+s1] =	stream.linear.scatter [tilespmem:s5], [sflag:$0x4], $0x8000, $0x38;
	[tilespmem:$0x10F38] =	vst v63  }
0x2e2: {  	_ =	swait.ge [sflag:s4], $0x8000  }
0x2e3: {  	[sflag:s4] =	ssyncset.done $0x0  }
0x2e4: {  	[sflag:s4] =	ssyncadd.s32 $0xFFFF8000  }
0x2e5: {  	_ =	swait.ge [sflag:s4], $0x8000  }
0x2e6: {  	[sflag:s4] =	ssyncset.done $0x0  }
0x2e7: {  	[sflag:s4] =	ssyncadd.s32 $0xFFFF8000  }
0x2e8: {  	_ =	swait.ge [sflag:s11], $0x80  }
0x2e9: {  	[sflag:s11] =	ssyncset.done $0x0  }
0x2ea: {  	[sflag:s11] =	ssyncadd.s32 $0xFFFFFF80  }
0x2eb: {  	_ =	swait.ge [sflag:s11], $0x80  }
0x2ec: {  	[sflag:s11] =	ssyncset.done $0x0  }
0x2ed: {  	s25 =	simm.s32 $0xA00;
	[sflag:s11] =	ssyncadd.s32 $0xFFFFFF80  }
0x2ee: {  	[tilespmem:s5], [sflag:$0x2] =	stream.indirect.gather [spmem:s2], $0x80, s25, s3, $0xb8;
	[tilespmem:$0x10F38] =	vst v63  }
0x2ef: {  	s14 =	simm.s32 $0x4C80;
	s31 =	simm.s32 $0xA80  }
0x2f0: {  	[tilespmem:s14], [sflag:$0x2] =	stream.indirect.gather [spmem:s2], $0x80, s31, s3, $0xb8;
	[tilespmem:$0x10F38] =	vst v63  }
0x2f1: {  	_ =	swait.ge [sflag:s10], $0x4000  }
0x2f2: {  	[sflag:s10] =	ssyncset.done $0x0  }
0x2f3: {  	[sflag:s10] =	ssyncadd.s32 $0xFFFFC000  }
0x2f4: {  	_ =	swait.ge [sflag:s10], $0x4000  }
0x2f5: {  	s0 =	sld [smem:$0x7F6]  }
0x2f6: {  	[sflag:s10] =	ssyncset.done $0x0  }
0x2f7: {  	s18 =	sld [smem:$0x7F7];
	[sflag:s10] =	ssyncadd.s32 $0xFFFFC000  }
0x2f8: {  	[hbm4b:s0+s1] =	stream.linear.scatter [tilespmem:s8], [sflag:$0x5], $0x8000, $0x38;
	[tilespmem:$0x10F38] =	vst v63  }
0x2f9: {  	_ = 	snop  }
0x2fa: {  	[hbm4b:s18+s1] =	stream.linear.scatter [tilespmem:s8], [sflag:$0x5], $0x8000, $0x38;
	[tilespmem:$0x10F38] =	vst v63  }
0x2fb: {  	_ =	swait.ge [sflag:s6], $0x8000  }
0x2fc: {  	[sflag:s6] =	ssyncset.done $0x0  }
0x2fd: {  	[sflag:s6] =	ssyncadd.s32 $0xFFFF8000  }
0x2fe: {  	_ =	swait.ge [sflag:s6], $0x8000  }
0x2ff: {  	[sflag:s6] =	ssyncset.done $0x0  }
0x300: {  	[sflag:s6] =	ssyncadd.s32 $0xFFFF8000  }
0x301: {  	_ =	swait.ge [sflag:s11], $0x80  }
0x302: {  	[sflag:s11] =	ssyncset.done $0x0  }
0x303: {  	[sflag:s11] =	ssyncadd.s32 $0xFFFFFF80  }
0x304: {  	_ =	swait.ge [sflag:s11], $0x80  }
0x305: {  	[sflag:s11] =	ssyncset.done $0x0  }
0x306: {  	s25 =	simm.s32 $0xB00;
	[sflag:s11] =	ssyncadd.s32 $0xFFFFFF80  }
0x307: {  	[tilespmem:s8], [sflag:$0x3] =	stream.indirect.gather [spmem:s2], $0x80, s25, s3, $0xb8;
	[tilespmem:$0x10F38] =	vst v63  }
0x308: {  	_ = 	snop  }
0x309: {  	[tilespmem:s28], [sflag:$0x3] =	stream.indirect.gather [spmem:s2], $0x80, s19, s3, $0xb8;
	[tilespmem:$0x10F38] =	vst v63  }
0x30a: {  	_ =	swait.ge [sflag:s7], $0x4000  }
0x30b: {  	[sflag:s7] =	ssyncset.done $0x0  }
0x30c: {  	[sflag:s7] =	ssyncadd.s32 $0xFFFFC000  }
0x30d: {  	_ =	swait.ge [sflag:s7], $0x4000  }
0x30e: {  	s31 =	sld [smem:$0x7F8]  }
0x30f: {  	[sflag:s7] =	ssyncset.done $0x0  }
0x310: {  	s0 =	sld [smem:$0x7F9];
	[sflag:s7] =	ssyncadd.s32 $0xFFFFC000  }
0x311: {  	[hbm4b:s31+s1] =	stream.linear.scatter [tilespmem:s5], [sflag:$0x4], $0x8000, $0x38;
	[tilespmem:$0x10F38] =	vst v63  }
0x312: {  	_ = 	snop  }
0x313: {  	[hbm4b:s0+s1] =	stream.linear.scatter [tilespmem:s5], [sflag:$0x4], $0x8000, $0x38;
	[tilespmem:$0x10F38] =	vst v63  }
0x314: {  	_ =	swait.ge [sflag:s4], $0x8000  }
0x315: {  	[sflag:s4] =	ssyncset.done $0x0  }
0x316: {  	[sflag:s4] =	ssyncadd.s32 $0xFFFF8000  }
0x317: {  	_ =	swait.ge [sflag:s4], $0x8000  }
0x318: {  	[sflag:s4] =	ssyncset.done $0x0  }
0x319: {  	[sflag:s4] =	ssyncadd.s32 $0xFFFF8000  }
0x31a: {  	_ =	swait.ge [sflag:s11], $0x80  }
0x31b: {  	[sflag:s11] =	ssyncset.done $0x0  }
0x31c: {  	s23 =	simm.s32 $0xC00;
	[sflag:s11] =	ssyncadd.s32 $0xFFFFFF80  }
0x31d: {  	[tilespmem:s5], [sflag:$0x2] =	stream.indirect.gather [spmem:s2], $0x80, s23, s3, $0xb8;
	[tilespmem:$0x10F38] =	vst v63  }
0x31e: {  	_ =	swait.ge [sflag:s10], $0x4000  }
0x31f: {  	[sflag:s10] =	ssyncset.done $0x0  }
0x320: {  	[sflag:s10] =	ssyncadd.s32 $0xFFFFC000  }
0x321: {  	_ =	swait.ge [sflag:s10], $0x4000  }
0x322: {  	s18 =	sld [smem:$0x7FA]  }
0x323: {  	[sflag:s10] =	ssyncset.done $0x0  }
0x324: {  	s19 =	sld [smem:$0x7FB];
	[sflag:s10] =	ssyncadd.s32 $0xFFFFC000  }
0x325: {  	[hbm4b:s18+s1] =	stream.linear.scatter [tilespmem:s8], [sflag:$0x5], $0x8000, $0x38;
	[tilespmem:$0x10F38] =	vst v63  }
0x326: {  	_ = 	snop  }
0x327: {  	[hbm4b:s19+s1] =	stream.linear.scatter [tilespmem:s8], [sflag:$0x5], $0x8000, $0x38;
	[tilespmem:$0x10F38] =	vst v63  }
0x328: {  	_ =	swait.ge [sflag:s7], $0x4000  }
0x329: {  	s25 =	sld [smem:$0x7FC]  }
0x32a: {  	[sflag:s7] =	ssyncset.done $0x0  }
0x32b: {  	s31 =	sld [smem:$0x7FD];
	[sflag:s7] =	ssyncadd.s32 $0xFFFFC000  }
0x32c: {  	[hbm4b:s25+s1] =	stream.linear.scatter [tilespmem:s5], [sflag:$0x4], $0x4000, $0x38;
	[tilespmem:$0x10F38] =	vst v63  }
0x32d: {  	_ = 	snop  }
0x32e: {  	[hbm4b:s31+s1] =	stream.linear.scatter [tilespmem:s5], [sflag:$0x4], $0x4000, $0x38;
	[tilespmem:$0x10F38] =	vst v63  }
0x32f: {  	_ =	swait.ge [sflag:s6], $0x8000  }
0x330: {  	[sflag:s6] =	ssyncset.done $0x0  }
0x331: {  	[sflag:s6] =	ssyncadd.s32 $0xFFFF8000  }
0x332: {  	_ =	swait.ge [sflag:s6], $0x8000  }
0x333: {  	s20 =	sadd.s32 $0xFFFFFFFF, s20;
	[sflag:s6] =	ssyncset.done $0x0  }
0x334: {  	p2 =	sne.s32 s20, $0x0;
	[sflag:s6] =	ssyncadd.s32 $0xFFFF8000  }
.Ltmp2:
0x335: {  	_ =	swait.ge [sflag:s4], $0x4000;
	(pc) =	sbr.rel @p2 .LBB2_4-.Ltmp2, $4  }
0x336: {  	[sflag:s4] =	ssyncset.done $0x0  }
0x337: {  	[sflag:s4] =	ssyncadd.s32 $0xFFFFC000  }
0x338: {  	_ =	swait.ge [sflag:s4], $0x4000  }
0x339: {  	s21 =	rddreg [dreg:$0x6];
	[sflag:s4] =	ssyncset.done $0x0  }
0x33a: {  	s31 =	smov.u32 s29  }
0x33b: {  	s15 =	sld [smem:$0x7E4];
	s29 =	simm.s32 $0x900;
	s9 =	simm.s32 $0x800  }
0x33c: {  	s13 =	simm.s32 $0x880;
	s0 =	simm.s32 $0x700;
	s30 =	simm.s32 $0x780  }
0x33d: {  	s12 =	simm.s32 $0x600;
	s17 =	simm.s32 $0x680;
	s16 =	simm.s32 $0x580  }
0x33e: {  	s18 =	simm.s32 $0x400;
	s22 =	simm.s32 $0x200;
	s26 =	simm.s32 $0x100  }
.LBB2_6:
0x33f: {  	[sflag:s4] =	ssyncadd.s32 @p1 $0xFFFFC000  }
0x340: {  	[tilespmem:s1], [sflag:$0x1] =	stream.linear.gather [hbm4b:s15+s1], $0x80, $0x38;
	[tilespmem:$0x10F38] =	vst v63  }
0x341: {  	s19 =	rddreg [dreg:$0x7]  }
0x342: {  	[tilespmem:s3], [sflag:$0x1] =	stream.linear.gather [hbm4b:s19+s1], $0x80, $0x38;
	[tilespmem:$0x10F38] =	vst v63  }
0x343: {  	s20 =	rddreg [dreg:$0x8]  }
0x344: {  	[tilespmem:s26], [sflag:$0x1] =	stream.linear.gather [hbm4b:s20+s1], $0x80, $0x38;
	[tilespmem:$0x10F38] =	vst v63  }
0x345: {  	s25 =	simm.s32 $0x180;
	s19 =	rddreg [dreg:$0x9]  }
0x346: {  	[tilespmem:s25], [sflag:$0x1] =	stream.linear.gather [hbm4b:s19+s1], $0x80, $0x38;
	[tilespmem:$0x10F38] =	vst v63  }
0x347: {  	s15 =	rddreg [dreg:$0xa]  }
0x348: {  	[tilespmem:s22], [sflag:$0x1] =	stream.linear.gather [hbm4b:s15+s1], $0x80, $0x38;
	[tilespmem:$0x10F38] =	vst v63  }
0x349: {  	s26 =	simm.s32 $0x280;
	s19 =	rddreg [dreg:$0xb]  }
0x34a: {  	[tilespmem:s26], [sflag:$0x1] =	stream.linear.gather [hbm4b:s19+s1], $0x80, $0x38;
	[tilespmem:$0x10F38] =	vst v63  }
0x34b: {  	s22 =	rddreg [dreg:$0xc]  }
0x34c: {  	[tilespmem:s24], [sflag:$0x1] =	stream.linear.gather [hbm4b:s22+s1], $0x80, $0x38;
	[tilespmem:$0x10F38] =	vst v63  }
0x34d: {  	s19 =	rddreg [dreg:$0xd];
	s22 =	simm.s32 $0x380  }
0x34e: {  	[tilespmem:s22], [sflag:$0x1] =	stream.linear.gather [hbm4b:s19+s1], $0x80, $0x38;
	[tilespmem:$0x10F38] =	vst v63  }
0x34f: {  	s24 =	rddreg [dreg:$0xe]  }
0x350: {  	[tilespmem:s18], [sflag:$0x1] =	stream.linear.gather [hbm4b:s24+s1], $0x80, $0x38;
	[tilespmem:$0x10F38] =	vst v63  }
0x351: {  	s19 =	rddreg [dreg:$0xf];
	s24 =	simm.s32 $0x480  }
0x352: {  	[tilespmem:s24], [sflag:$0x1] =	stream.linear.gather [hbm4b:s19+s1], $0x80, $0x38;
	[tilespmem:$0x10F38] =	vst v63  }
0x353: {  	s20 =	rddreg [dreg:$0x10];
	s18 =	simm.s32 $0x500  }
0x354: {  	[tilespmem:s18], [sflag:$0x1] =	stream.linear.gather [hbm4b:s20+s1], $0x80, $0x38;
	[tilespmem:$0x10F38] =	vst v63  }
0x355: {  	s19 =	rddreg [dreg:$0x11]  }
0x356: {  	[tilespmem:s16], [sflag:$0x1] =	stream.linear.gather [hbm4b:s19+s1], $0x80, $0x38;
	[tilespmem:$0x10F38] =	vst v63  }
0x357: {  	s20 =	rddreg [dreg:$0x12]  }
0x358: {  	[tilespmem:s12], [sflag:$0x1] =	stream.linear.gather [hbm4b:s20+s1], $0x80, $0x38;
	[tilespmem:$0x10F38] =	vst v63  }
0x359: {  	s18 =	rddreg [dreg:$0x13]  }
0x35a: {  	[tilespmem:s17], [sflag:$0x1] =	stream.linear.gather [hbm4b:s18+s1], $0x80, $0x38;
	[tilespmem:$0x10F38] =	vst v63  }
0x35b: {  	s16 =	rddreg [dreg:$0x14]  }
0x35c: {  	[tilespmem:s0], [sflag:$0x1] =	stream.linear.gather [hbm4b:s16+s1], $0x80, $0x38;
	[tilespmem:$0x10F38] =	vst v63  }
0x35d: {  	s18 =	rddreg [dreg:$0x15]  }
0x35e: {  	[tilespmem:s30], [sflag:$0x1] =	stream.linear.gather [hbm4b:s18+s1], $0x80, $0x38;
	[tilespmem:$0x10F38] =	vst v63  }
0x35f: {  	s0 =	rddreg [dreg:$0x16]  }
0x360: {  	[tilespmem:s9], [sflag:$0x1] =	stream.linear.gather [hbm4b:s0+s1], $0x80, $0x38;
	[tilespmem:$0x10F38] =	vst v63  }
0x361: {  	s12 =	rddreg [dreg:$0x17]  }
0x362: {  	[tilespmem:s13], [sflag:$0x1] =	stream.linear.gather [hbm4b:s12+s1], $0x80, $0x38;
	[tilespmem:$0x10F38] =	vst v63  }
0x363: {  	s16 =	rddreg [dreg:$0x18]  }
0x364: {  	[tilespmem:s29], [sflag:$0x1] =	stream.linear.gather [hbm4b:s16+s1], $0x80, $0x38;
	[tilespmem:$0x10F38] =	vst v63  }
0x365: {  	s17 =	rddreg [dreg:$0x19];
	s30 =	simm.s32 $0x980  }
0x366: {  	[tilespmem:s30], [sflag:$0x1] =	stream.linear.gather [hbm4b:s17+s1], $0x80, $0x38;
	[tilespmem:$0x10F38] =	vst v63  }
0x367: {  	s18 =	rddreg [dreg:$0x1a];
	s30 =	simm.s32 $0xA00  }
0x368: {  	[tilespmem:s30], [sflag:$0x1] =	stream.linear.gather [hbm4b:s18+s1], $0x80, $0x38;
	[tilespmem:$0x10F38] =	vst v63  }
0x369: {  	s9 =	rddreg [dreg:$0x1b];
	s13 =	simm.s32 $0xA80  }
0x36a: {  	[tilespmem:s13], [sflag:$0x1] =	stream.linear.gather [hbm4b:s9+s1], $0x80, $0x38;
	[tilespmem:$0x10F38] =	vst v63  }
0x36b: {  	s12 =	rddreg [dreg:$0x1c];
	s17 =	simm.s32 $0xB00  }
0x36c: {  	[tilespmem:s17], [sflag:$0x1] =	stream.linear.gather [hbm4b:s12+s1], $0x80, $0x38;
	[tilespmem:$0x10F38] =	vst v63  }
0x36d: {  	s16 =	rddreg [dreg:$0x1d];
	s9 =	simm.s32 $0xB80  }
0x36e: {  	[tilespmem:s9], [sflag:$0x1] =	stream.linear.gather [hbm4b:s16+s1], $0x80, $0x38;
	[tilespmem:$0x10F38] =	vst v63  }
0x36f: {  	s18 =	rddreg [dreg:$0x1e]  }
0x370: {  	[tilespmem:s23], [sflag:$0x1] =	stream.linear.gather [hbm4b:s18+s1], $0x80, $0x38;
	[tilespmem:$0x10F38] =	vst v63  }
0x371: {  	s19 =	simm.s32 @!p0 $0x1C06;
	s18 =	simm.s32 @!p0 $0x6  }
0x372: {  	[spmem:s31], [sflag:s19] =	dma.local @!p0 [hbm:s21], $0x570  }
0x373: {  	_ =	swait.ge @!p0 [sflag:s18], $0x570  }
0x374: {  	[sflag:s18] =	ssyncset.done @!p0 $0x0  }
0x375: {  	[sflag:s18] =	ssyncadd.s32 @!p0 $0xFFFFFA90  }
0x376: {  	[bflag:$0x0] =	sbarrier.arrive $0xFFFF  }
0x377: {  	_ =	swait.ge [sflag:s11], $0x80  }
0x378: {  	[sflag:s11] =	ssyncset.done $0x0  }
0x379: {  	[sflag:s11] =	ssyncadd.s32 $0xFFFFFF80  }
0x37a: {  	_ =	swait.ge [sflag:s11], $0x80  }
0x37b: {  	[sflag:s11] =	ssyncset.done $0x0  }
0x37c: {  	[sflag:s11] =	ssyncadd.s32 $0xFFFFFF80  }
0x37d: {  	[tilespmem:s5], [sflag:$0x2] =	stream.indirect.gather [spmem:s2], $0x80, s1, s3, $0xb8;
	[tilespmem:$0x10F38] =	vst v63  }
0x37e: {  	_ = 	snop  }
0x37f: {  	[tilespmem:s14], [sflag:$0x2] =	stream.indirect.gather [spmem:s2], $0x80, s3, s3, $0xb8;
	[tilespmem:$0x10F38] =	vst v63  }
0x380: {  	_ =	swait.ge [sflag:s11], $0x80  }
0x381: {  	[sflag:s11] =	ssyncset.done $0x0  }
0x382: {  	[sflag:s11] =	ssyncadd.s32 $0xFFFFFF80  }
0x383: {  	_ =	swait.ge [sflag:s11], $0x80  }
0x384: {  	[sflag:s11] =	ssyncset.done $0x0  }
0x385: {  	s15 =	simm.s32 $0x100;
	[sflag:s11] =	ssyncadd.s32 $0xFFFFFF80  }
0x386: {  	[tilespmem:s8], [sflag:$0x3] =	stream.indirect.gather [spmem:s2], $0x80, s15, s3, $0xb8;
	[tilespmem:$0x10F38] =	vst v63  }
0x387: {  	_ = 	snop  }
0x388: {  	[tilespmem:s28], [sflag:$0x3] =	stream.indirect.gather [spmem:s2], $0x80, s25, s3, $0xb8;
	[tilespmem:$0x10F38] =	vst v63  }
0x389: {  	_ =	swait.ge [sflag:s7], $0x4000  }
0x38a: {  	[sflag:s7] =	ssyncset.done $0x0  }
0x38b: {  	[sflag:s7] =	ssyncadd.s32 $0xFFFFC000  }
0x38c: {  	_ =	swait.ge [sflag:s7], $0x4000  }
0x38d: {  	s12 =	rddreg [dreg:$0x1f];
	[sflag:s7] =	ssyncset.done $0x0  }
0x38e: {  	s13 =	sld [smem:$0x7E5];
	[sflag:s7] =	ssyncadd.s32 $0xFFFFC000  }
0x38f: {  	[hbm4b:s12+s1] =	stream.linear.scatter [tilespmem:s5], [sflag:$0x4], $0x8000, $0x38;
	[tilespmem:$0x10F38] =	vst v63  }
0x390: {  	_ = 	snop  }
0x391: {  	[hbm4b:s13+s1] =	stream.linear.scatter [tilespmem:s5], [sflag:$0x4], $0x8000, $0x38;
	[tilespmem:$0x10F38] =	vst v63  }
0x392: {  	_ =	swait.ge [sflag:s4], $0x8000  }
0x393: {  	[sflag:s4] =	ssyncset.done $0x0  }
0x394: {  	[sflag:s4] =	ssyncadd.s32 $0xFFFF8000  }
0x395: {  	_ =	swait.ge [sflag:s4], $0x8000  }
0x396: {  	[sflag:s4] =	ssyncset.done $0x0  }
0x397: {  	[sflag:s4] =	ssyncadd.s32 $0xFFFF8000  }
0x398: {  	_ =	swait.ge [sflag:s11], $0x80  }
0x399: {  	[sflag:s11] =	ssyncset.done $0x0  }
0x39a: {  	[sflag:s11] =	ssyncadd.s32 $0xFFFFFF80  }
0x39b: {  	_ =	swait.ge [sflag:s11], $0x80  }
0x39c: {  	[sflag:s11] =	ssyncset.done $0x0  }
0x39d: {  	s17 =	simm.s32 $0x200;
	[sflag:s11] =	ssyncadd.s32 $0xFFFFFF80  }
0x39e: {  	[tilespmem:s5], [sflag:$0x2] =	stream.indirect.gather [spmem:s2], $0x80, s17, s3, $0xb8;
	[tilespmem:$0x10F38] =	vst v63  }
0x39f: {  	_ = 	snop  }
0x3a0: {  	[tilespmem:s14], [sflag:$0x2] =	stream.indirect.gather [spmem:s2], $0x80, s26, s3, $0xb8;
	[tilespmem:$0x10F38] =	vst v63  }
0x3a1: {  	_ =	swait.ge [sflag:s10], $0x4000  }
0x3a2: {  	[sflag:s10] =	ssyncset.done $0x0  }
0x3a3: {  	[sflag:s10] =	ssyncadd.s32 $0xFFFFC000  }
0x3a4: {  	_ =	swait.ge [sflag:s10], $0x4000  }
0x3a5: {  	s20 =	sld [smem:$0x7E6]  }
0x3a6: {  	[sflag:s10] =	ssyncset.done $0x0  }
0x3a7: {  	s21 =	sld [smem:$0x7E7];
	[sflag:s10] =	ssyncadd.s32 $0xFFFFC000  }
0x3a8: {  	[hbm4b:s20+s1] =	stream.linear.scatter [tilespmem:s8], [sflag:$0x5], $0x8000, $0x38;
	[tilespmem:$0x10F38] =	vst v63  }
0x3a9: {  	_ = 	snop  }
0x3aa: {  	[hbm4b:s21+s1] =	stream.linear.scatter [tilespmem:s8], [sflag:$0x5], $0x8000, $0x38;
	[tilespmem:$0x10F38] =	vst v63  }
0x3ab: {  	_ =	swait.ge [sflag:s6], $0x8000  }
0x3ac: {  	[sflag:s6] =	ssyncset.done $0x0  }
0x3ad: {  	[sflag:s6] =	ssyncadd.s32 $0xFFFF8000  }
0x3ae: {  	_ =	swait.ge [sflag:s6], $0x8000  }
0x3af: {  	[sflag:s6] =	ssyncset.done $0x0  }
0x3b0: {  	[sflag:s6] =	ssyncadd.s32 $0xFFFF8000  }
0x3b1: {  	_ =	swait.ge [sflag:s11], $0x80  }
0x3b2: {  	[sflag:s11] =	ssyncset.done $0x0  }
0x3b3: {  	[sflag:s11] =	ssyncadd.s32 $0xFFFFFF80  }
0x3b4: {  	_ =	swait.ge [sflag:s11], $0x80  }
0x3b5: {  	[sflag:s11] =	ssyncset.done $0x0  }
0x3b6: {  	s25 =	simm.s32 $0x300;
	[sflag:s11] =	ssyncadd.s32 $0xFFFFFF80  }
0x3b7: {  	[tilespmem:s8], [sflag:$0x3] =	stream.indirect.gather [spmem:s2], $0x80, s25, s3, $0xb8;
	[tilespmem:$0x10F38] =	vst v63  }
0x3b8: {  	_ = 	snop  }
0x3b9: {  	[tilespmem:s28], [sflag:$0x3] =	stream.indirect.gather [spmem:s2], $0x80, s22, s3, $0xb8;
	[tilespmem:$0x10F38] =	vst v63  }
0x3ba: {  	_ =	swait.ge [sflag:s7], $0x4000  }
0x3bb: {  	[sflag:s7] =	ssyncset.done $0x0  }
0x3bc: {  	[sflag:s7] =	ssyncadd.s32 $0xFFFFC000  }
0x3bd: {  	_ =	swait.ge [sflag:s7], $0x4000  }
0x3be: {  	s26 =	sld [smem:$0x7E8]  }
0x3bf: {  	[sflag:s7] =	ssyncset.done $0x0  }
0x3c0: {  	s31 =	sld [smem:$0x7E9];
	[sflag:s7] =	ssyncadd.s32 $0xFFFFC000  }
0x3c1: {  	[hbm4b:s26+s1] =	stream.linear.scatter [tilespmem:s5], [sflag:$0x4], $0x8000, $0x38;
	[tilespmem:$0x10F38] =	vst v63  }
0x3c2: {  	_ = 	snop  }
0x3c3: {  	[hbm4b:s31+s1] =	stream.linear.scatter [tilespmem:s5], [sflag:$0x4], $0x8000, $0x38;
	[tilespmem:$0x10F38] =	vst v63  }
0x3c4: {  	_ =	swait.ge [sflag:s4], $0x8000  }
0x3c5: {  	[sflag:s4] =	ssyncset.done $0x0  }
0x3c6: {  	[sflag:s4] =	ssyncadd.s32 $0xFFFF8000  }
0x3c7: {  	_ =	swait.ge [sflag:s4], $0x8000  }
0x3c8: {  	[sflag:s4] =	ssyncset.done $0x0  }
0x3c9: {  	[sflag:s4] =	ssyncadd.s32 $0xFFFF8000  }
0x3ca: {  	_ =	swait.ge [sflag:s11], $0x80  }
0x3cb: {  	[sflag:s11] =	ssyncset.done $0x0  }
0x3cc: {  	[sflag:s11] =	ssyncadd.s32 $0xFFFFFF80  }
0x3cd: {  	_ =	swait.ge [sflag:s11], $0x80  }
0x3ce: {  	[sflag:s11] =	ssyncset.done $0x0  }
0x3cf: {  	s19 =	simm.s32 $0x400;
	[sflag:s11] =	ssyncadd.s32 $0xFFFFFF80  }
0x3d0: {  	[tilespmem:s5], [sflag:$0x2] =	stream.indirect.gather [spmem:s2], $0x80, s19, s3, $0xb8;
	[tilespmem:$0x10F38] =	vst v63  }
0x3d1: {  	_ = 	snop  }
0x3d2: {  	[tilespmem:s14], [sflag:$0x2] =	stream.indirect.gather [spmem:s2], $0x80, s24, s3, $0xb8;
	[tilespmem:$0x10F38] =	vst v63  }
0x3d3: {  	_ =	swait.ge [sflag:s10], $0x4000  }
0x3d4: {  	[sflag:s10] =	ssyncset.done $0x0  }
0x3d5: {  	[sflag:s10] =	ssyncadd.s32 $0xFFFFC000  }
0x3d6: {  	_ =	swait.ge [sflag:s10], $0x4000  }
0x3d7: {  	s19 =	sld [smem:$0x7EA]  }
0x3d8: {  	[sflag:s10] =	ssyncset.done $0x0  }
0x3d9: {  	s21 =	sld [smem:$0x7EB];
	[sflag:s10] =	ssyncadd.s32 $0xFFFFC000  }
0x3da: {  	[hbm4b:s19+s1] =	stream.linear.scatter [tilespmem:s8], [sflag:$0x5], $0x8000, $0x38;
	[tilespmem:$0x10F38] =	vst v63  }
0x3db: {  	_ = 	snop  }
0x3dc: {  	[hbm4b:s21+s1] =	stream.linear.scatter [tilespmem:s8], [sflag:$0x5], $0x8000, $0x38;
	[tilespmem:$0x10F38] =	vst v63  }
0x3dd: {  	_ =	swait.ge [sflag:s6], $0x8000  }
0x3de: {  	[sflag:s6] =	ssyncset.done $0x0  }
0x3df: {  	[sflag:s6] =	ssyncadd.s32 $0xFFFF8000  }
0x3e0: {  	_ =	swait.ge [sflag:s6], $0x8000  }
0x3e1: {  	[sflag:s6] =	ssyncset.done $0x0  }
0x3e2: {  	[sflag:s6] =	ssyncadd.s32 $0xFFFF8000  }
0x3e3: {  	_ =	swait.ge [sflag:s11], $0x80  }
0x3e4: {  	[sflag:s11] =	ssyncset.done $0x0  }
0x3e5: {  	[sflag:s11] =	ssyncadd.s32 $0xFFFFFF80  }
0x3e6: {  	_ =	swait.ge [sflag:s11], $0x80  }
0x3e7: {  	[sflag:s11] =	ssyncset.done $0x0  }
0x3e8: {  	s22 =	simm.s32 $0x500;
	[sflag:s11] =	ssyncadd.s32 $0xFFFFFF80  }
0x3e9: {  	[tilespmem:s8], [sflag:$0x3] =	stream.indirect.gather [spmem:s2], $0x80, s22, s3, $0xb8;
	[tilespmem:$0x10F38] =	vst v63  }
0x3ea: {  	s18 =	simm.s32 $0x580  }
0x3eb: {  	[tilespmem:s28], [sflag:$0x3] =	stream.indirect.gather [spmem:s2], $0x80, s18, s3, $0xb8;
	[tilespmem:$0x10F38] =	vst v63  }
0x3ec: {  	_ =	swait.ge [sflag:s7], $0x4000  }
0x3ed: {  	[sflag:s7] =	ssyncset.done $0x0  }
0x3ee: {  	[sflag:s7] =	ssyncadd.s32 $0xFFFFC000  }
0x3ef: {  	_ =	swait.ge [sflag:s7], $0x4000  }
0x3f0: {  	s24 =	sld [smem:$0x7EC]  }
0x3f1: {  	[sflag:s7] =	ssyncset.done $0x0  }
0x3f2: {  	s25 =	sld [smem:$0x7ED];
	[sflag:s7] =	ssyncadd.s32 $0xFFFFC000  }
0x3f3: {  	[hbm4b:s24+s1] =	stream.linear.scatter [tilespmem:s5], [sflag:$0x4], $0x8000, $0x38;
	[tilespmem:$0x10F38] =	vst v63  }
0x3f4: {  	_ = 	snop  }
0x3f5: {  	[hbm4b:s25+s1] =	stream.linear.scatter [tilespmem:s5], [sflag:$0x4], $0x8000, $0x38;
	[tilespmem:$0x10F38] =	vst v63  }
0x3f6: {  	_ =	swait.ge [sflag:s4], $0x8000  }
0x3f7: {  	[sflag:s4] =	ssyncset.done $0x0  }
0x3f8: {  	[sflag:s4] =	ssyncadd.s32 $0xFFFF8000  }
0x3f9: {  	_ =	swait.ge [sflag:s4], $0x8000  }
0x3fa: {  	[sflag:s4] =	ssyncset.done $0x0  }
0x3fb: {  	[sflag:s4] =	ssyncadd.s32 $0xFFFF8000  }
0x3fc: {  	_ =	swait.ge [sflag:s11], $0x80  }
0x3fd: {  	[sflag:s11] =	ssyncset.done $0x0  }
0x3fe: {  	[sflag:s11] =	ssyncadd.s32 $0xFFFFFF80  }
0x3ff: {  	_ =	swait.ge [sflag:s11], $0x80  }
0x400: {  	[sflag:s11] =	ssyncset.done $0x0  }
0x401: {  	s15 =	simm.s32 $0x600;
	[sflag:s11] =	ssyncadd.s32 $0xFFFFFF80  }
0x402: {  	[tilespmem:s5], [sflag:$0x2] =	stream.indirect.gather [spmem:s2], $0x80, s15, s3, $0xb8;
	[tilespmem:$0x10F38] =	vst v63  }
0x403: {  	s16 =	simm.s32 $0x680  }
0x404: {  	[tilespmem:s14], [sflag:$0x2] =	stream.indirect.gather [spmem:s2], $0x80, s16, s3, $0xb8;
	[tilespmem:$0x10F38] =	vst v63  }
0x405: {  	_ =	swait.ge [sflag:s10], $0x4000  }
0x406: {  	[sflag:s10] =	ssyncset.done $0x0  }
0x407: {  	[sflag:s10] =	ssyncadd.s32 $0xFFFFC000  }
0x408: {  	_ =	swait.ge [sflag:s10], $0x4000  }
0x409: {  	s26 =	sld [smem:$0x7EE]  }
0x40a: {  	[sflag:s10] =	ssyncset.done $0x0  }
0x40b: {  	s31 =	sld [smem:$0x7EF];
	[sflag:s10] =	ssyncadd.s32 $0xFFFFC000  }
0x40c: {  	[hbm4b:s26+s1] =	stream.linear.scatter [tilespmem:s8], [sflag:$0x5], $0x8000, $0x38;
	[tilespmem:$0x10F38] =	vst v63  }
0x40d: {  	_ = 	snop  }
0x40e: {  	[hbm4b:s31+s1] =	stream.linear.scatter [tilespmem:s8], [sflag:$0x5], $0x8000, $0x38;
	[tilespmem:$0x10F38] =	vst v63  }
0x40f: {  	_ =	swait.ge [sflag:s6], $0x8000  }
0x410: {  	[sflag:s6] =	ssyncset.done $0x0  }
0x411: {  	[sflag:s6] =	ssyncadd.s32 $0xFFFF8000  }
0x412: {  	_ =	swait.ge [sflag:s6], $0x8000  }
0x413: {  	[sflag:s6] =	ssyncset.done $0x0  }
0x414: {  	[sflag:s6] =	ssyncadd.s32 $0xFFFF8000  }
0x415: {  	_ =	swait.ge [sflag:s11], $0x80  }
0x416: {  	[sflag:s11] =	ssyncset.done $0x0  }
0x417: {  	[sflag:s11] =	ssyncadd.s32 $0xFFFFFF80  }
0x418: {  	_ =	swait.ge [sflag:s11], $0x80  }
0x419: {  	[sflag:s11] =	ssyncset.done $0x0  }
0x41a: {  	s12 =	simm.s32 $0x700;
	[sflag:s11] =	ssyncadd.s32 $0xFFFFFF80  }
0x41b: {  	[tilespmem:s8], [sflag:$0x3] =	stream.indirect.gather [spmem:s2], $0x80, s12, s3, $0xb8;
	[tilespmem:$0x10F38] =	vst v63  }
0x41c: {  	s13 =	simm.s32 $0x780  }
0x41d: {  	[tilespmem:s28], [sflag:$0x3] =	stream.indirect.gather [spmem:s2], $0x80, s13, s3, $0xb8;
	[tilespmem:$0x10F38] =	vst v63  }
0x41e: {  	_ =	swait.ge [sflag:s7], $0x4000  }
0x41f: {  	[sflag:s7] =	ssyncset.done $0x0  }
0x420: {  	[sflag:s7] =	ssyncadd.s32 $0xFFFFC000  }
0x421: {  	_ =	swait.ge [sflag:s7], $0x4000  }
0x422: {  	s9 =	sld [smem:$0x7F0]  }
0x423: {  	[sflag:s7] =	ssyncset.done $0x0  }
0x424: {  	s12 =	sld [smem:$0x7F1];
	[sflag:s7] =	ssyncadd.s32 $0xFFFFC000  }
0x425: {  	[hbm4b:s9+s1] =	stream.linear.scatter [tilespmem:s5], [sflag:$0x4], $0x8000, $0x38;
	[tilespmem:$0x10F38] =	vst v63  }
0x426: {  	_ = 	snop  }
0x427: {  	[hbm4b:s12+s1] =	stream.linear.scatter [tilespmem:s5], [sflag:$0x4], $0x8000, $0x38;
	[tilespmem:$0x10F38] =	vst v63  }
0x428: {  	_ =	swait.ge [sflag:s4], $0x8000  }
0x429: {  	[sflag:s4] =	ssyncset.done $0x0  }
0x42a: {  	[sflag:s4] =	ssyncadd.s32 $0xFFFF8000  }
0x42b: {  	_ =	swait.ge [sflag:s4], $0x8000  }
0x42c: {  	[sflag:s4] =	ssyncset.done $0x0  }
0x42d: {  	[sflag:s4] =	ssyncadd.s32 $0xFFFF8000  }
0x42e: {  	_ =	swait.ge [sflag:s11], $0x80  }
0x42f: {  	[sflag:s11] =	ssyncset.done $0x0  }
0x430: {  	[sflag:s11] =	ssyncadd.s32 $0xFFFFFF80  }
0x431: {  	_ =	swait.ge [sflag:s11], $0x80  }
0x432: {  	[sflag:s11] =	ssyncset.done $0x0  }
0x433: {  	s20 =	simm.s32 $0x800;
	[sflag:s11] =	ssyncadd.s32 $0xFFFFFF80  }
0x434: {  	[tilespmem:s5], [sflag:$0x2] =	stream.indirect.gather [spmem:s2], $0x80, s20, s3, $0xb8;
	[tilespmem:$0x10F38] =	vst v63  }
0x435: {  	s17 =	simm.s32 $0x880  }
0x436: {  	[tilespmem:s14], [sflag:$0x2] =	stream.indirect.gather [spmem:s2], $0x80, s17, s3, $0xb8;
	[tilespmem:$0x10F38] =	vst v63  }
0x437: {  	_ =	swait.ge [sflag:s10], $0x4000  }
0x438: {  	[sflag:s10] =	ssyncset.done $0x0  }
0x439: {  	[sflag:s10] =	ssyncadd.s32 $0xFFFFC000  }
0x43a: {  	_ =	swait.ge [sflag:s10], $0x4000  }
0x43b: {  	s13 =	sld [smem:$0x7F2]  }
0x43c: {  	[sflag:s10] =	ssyncset.done $0x0  }
0x43d: {  	s15 =	sld [smem:$0x7F3];
	[sflag:s10] =	ssyncadd.s32 $0xFFFFC000  }
0x43e: {  	[hbm4b:s13+s1] =	stream.linear.scatter [tilespmem:s8], [sflag:$0x5], $0x8000, $0x38;
	[tilespmem:$0x10F38] =	vst v63  }
0x43f: {  	_ = 	snop  }
0x440: {  	[hbm4b:s15+s1] =	stream.linear.scatter [tilespmem:s8], [sflag:$0x5], $0x8000, $0x38;
	[tilespmem:$0x10F38] =	vst v63  }
0x441: {  	_ =	swait.ge [sflag:s6], $0x8000  }
0x442: {  	[sflag:s6] =	ssyncset.done $0x0  }
0x443: {  	[sflag:s6] =	ssyncadd.s32 $0xFFFF8000  }
0x444: {  	_ =	swait.ge [sflag:s6], $0x8000  }
0x445: {  	[sflag:s6] =	ssyncset.done $0x0  }
0x446: {  	[sflag:s6] =	ssyncadd.s32 $0xFFFF8000  }
0x447: {  	_ =	swait.ge [sflag:s11], $0x80  }
0x448: {  	[sflag:s11] =	ssyncset.done $0x0  }
0x449: {  	[sflag:s11] =	ssyncadd.s32 $0xFFFFFF80  }
0x44a: {  	_ =	swait.ge [sflag:s11], $0x80  }
0x44b: {  	[sflag:s11] =	ssyncset.done $0x0  }
0x44c: {  	[sflag:s11] =	ssyncadd.s32 $0xFFFFFF80  }
0x44d: {  	[tilespmem:s8], [sflag:$0x3] =	stream.indirect.gather [spmem:s2], $0x80, s29, s3, $0xb8;
	[tilespmem:$0x10F38] =	vst v63  }
0x44e: {  	s16 =	simm.s32 $0x980  }
0x44f: {  	[tilespmem:s28], [sflag:$0x3] =	stream.indirect.gather [spmem:s2], $0x80, s16, s3, $0xb8;
	[tilespmem:$0x10F38] =	vst v63  }
0x450: {  	_ =	swait.ge [sflag:s7], $0x4000  }
0x451: {  	[sflag:s7] =	ssyncset.done $0x0  }
0x452: {  	[sflag:s7] =	ssyncadd.s32 $0xFFFFC000  }
0x453: {  	_ =	swait.ge [sflag:s7], $0x4000  }
0x454: {  	s17 =	sld [smem:$0x7F4]  }
0x455: {  	[sflag:s7] =	ssyncset.done $0x0  }
0x456: {  	s18 =	sld [smem:$0x7F5];
	[sflag:s7] =	ssyncadd.s32 $0xFFFFC000  }
0x457: {  	[hbm4b:s17+s1] =	stream.linear.scatter [tilespmem:s5], [sflag:$0x4], $0x8000, $0x38;
	[tilespmem:$0x10F38] =	vst v63  }
0x458: {  	_ = 	snop  }
0x459: {  	[hbm4b:s18+s1] =	stream.linear.scatter [tilespmem:s5], [sflag:$0x4], $0x8000, $0x38;
	[tilespmem:$0x10F38] =	vst v63  }
0x45a: {  	_ =	swait.ge [sflag:s4], $0x8000  }
0x45b: {  	[sflag:s4] =	ssyncset.done $0x0  }
0x45c: {  	[sflag:s4] =	ssyncadd.s32 $0xFFFF8000  }
0x45d: {  	_ =	swait.ge [sflag:s4], $0x8000  }
0x45e: {  	[sflag:s4] =	ssyncset.done $0x0  }
0x45f: {  	[sflag:s4] =	ssyncadd.s32 $0xFFFF8000  }
0x460: {  	_ =	swait.ge [sflag:s11], $0x80  }
0x461: {  	[sflag:s11] =	ssyncset.done $0x0  }
0x462: {  	[sflag:s11] =	ssyncadd.s32 $0xFFFFFF80  }
0x463: {  	_ =	swait.ge [sflag:s11], $0x80  }
0x464: {  	[sflag:s11] =	ssyncset.done $0x0  }
0x465: {  	[sflag:s11] =	ssyncadd.s32 $0xFFFFFF80  }
0x466: {  	[tilespmem:s5], [sflag:$0x2] =	stream.indirect.gather [spmem:s2], $0x80, s30, s3, $0xb8;
	[tilespmem:$0x10F38] =	vst v63  }
0x467: {  	s19 =	simm.s32 $0xA80  }
0x468: {  	[tilespmem:s14], [sflag:$0x2] =	stream.indirect.gather [spmem:s2], $0x80, s19, s3, $0xb8;
	[tilespmem:$0x10F38] =	vst v63  }
0x469: {  	_ =	swait.ge [sflag:s10], $0x4000  }
0x46a: {  	[sflag:s10] =	ssyncset.done $0x0  }
0x46b: {  	[sflag:s10] =	ssyncadd.s32 $0xFFFFC000  }
0x46c: {  	_ =	swait.ge [sflag:s10], $0x4000  }
0x46d: {  	s20 =	sld [smem:$0x7F6]  }
0x46e: {  	[sflag:s10] =	ssyncset.done $0x0  }
0x46f: {  	s21 =	sld [smem:$0x7F7];
	[sflag:s10] =	ssyncadd.s32 $0xFFFFC000  }
0x470: {  	[hbm4b:s20+s1] =	stream.linear.scatter [tilespmem:s8], [sflag:$0x5], $0x8000, $0x38;
	[tilespmem:$0x10F38] =	vst v63  }
0x471: {  	_ = 	snop  }
0x472: {  	[hbm4b:s21+s1] =	stream.linear.scatter [tilespmem:s8], [sflag:$0x5], $0x8000, $0x38;
	[tilespmem:$0x10F38] =	vst v63  }
0x473: {  	_ =	swait.ge [sflag:s6], $0x8000  }
0x474: {  	[sflag:s6] =	ssyncset.done $0x0  }
0x475: {  	[sflag:s6] =	ssyncadd.s32 $0xFFFF8000  }
0x476: {  	_ =	swait.ge [sflag:s6], $0x8000  }
0x477: {  	[sflag:s6] =	ssyncset.done $0x0  }
0x478: {  	[sflag:s6] =	ssyncadd.s32 $0xFFFF8000  }
0x479: {  	_ =	swait.ge [sflag:s11], $0x80  }
0x47a: {  	[sflag:s11] =	ssyncset.done $0x0  }
0x47b: {  	[sflag:s11] =	ssyncadd.s32 $0xFFFFFF80  }
0x47c: {  	_ =	swait.ge [sflag:s11], $0x80  }
0x47d: {  	[sflag:s11] =	ssyncset.done $0x0  }
0x47e: {  	s22 =	simm.s32 $0xB00;
	[sflag:s11] =	ssyncadd.s32 $0xFFFFFF80  }
0x47f: {  	[tilespmem:s8], [sflag:$0x3] =	stream.indirect.gather [spmem:s2], $0x80, s22, s3, $0xb8;
	[tilespmem:$0x10F38] =	vst v63  }
0x480: {  	s24 =	simm.s32 $0xB80  }
0x481: {  	[tilespmem:s28], [sflag:$0x3] =	stream.indirect.gather [spmem:s2], $0x80, s24, s3, $0xb8;
	[tilespmem:$0x10F38] =	vst v63  }
0x482: {  	_ =	swait.ge [sflag:s7], $0x4000  }
0x483: {  	[sflag:s7] =	ssyncset.done $0x0  }
0x484: {  	[sflag:s7] =	ssyncadd.s32 $0xFFFFC000  }
0x485: {  	_ =	swait.ge [sflag:s7], $0x4000  }
0x486: {  	s25 =	sld [smem:$0x7F8]  }
0x487: {  	[sflag:s7] =	ssyncset.done $0x0  }
0x488: {  	s26 =	sld [smem:$0x7F9];
	[sflag:s7] =	ssyncadd.s32 $0xFFFFC000  }
0x489: {  	[hbm4b:s25+s1] =	stream.linear.scatter [tilespmem:s5], [sflag:$0x4], $0x8000, $0x38;
	[tilespmem:$0x10F38] =	vst v63  }
0x48a: {  	_ = 	snop  }
0x48b: {  	[hbm4b:s26+s1] =	stream.linear.scatter [tilespmem:s5], [sflag:$0x4], $0x8000, $0x38;
	[tilespmem:$0x10F38] =	vst v63  }
0x48c: {  	_ =	swait.ge [sflag:s4], $0x8000  }
0x48d: {  	[sflag:s4] =	ssyncset.done $0x0  }
0x48e: {  	[sflag:s4] =	ssyncadd.s32 $0xFFFF8000  }
0x48f: {  	_ =	swait.ge [sflag:s4], $0x8000  }
0x490: {  	[sflag:s4] =	ssyncset.done $0x0  }
0x491: {  	[sflag:s4] =	ssyncadd.s32 $0xFFFF8000  }
0x492: {  	_ =	swait.ge [sflag:s11], $0x80  }
0x493: {  	[sflag:s11] =	ssyncset.done $0x0  }
0x494: {  	[sflag:s11] =	ssyncadd.s32 $0xFFFFFF80  }
0x495: {  	[tilespmem:s5], [sflag:$0x2] =	stream.indirect.gather [spmem:s2], $0x80, s23, s3, $0xb8;
	[tilespmem:$0x10F38] =	vst v63  }
0x496: {  	_ =	swait.ge [sflag:s10], $0x4000  }
0x497: {  	[sflag:s10] =	ssyncset.done $0x0  }
0x498: {  	[sflag:s10] =	ssyncadd.s32 $0xFFFFC000  }
0x499: {  	_ =	swait.ge [sflag:s10], $0x4000  }
0x49a: {  	s28 =	sld [smem:$0x7FA]  }
0x49b: {  	[sflag:s10] =	ssyncset.done $0x0  }
0x49c: {  	s29 =	sld [smem:$0x7FB];
	[sflag:s10] =	ssyncadd.s32 $0xFFFFC000  }
0x49d: {  	[hbm4b:s28+s1] =	stream.linear.scatter [tilespmem:s8], [sflag:$0x5], $0x8000, $0x38;
	[tilespmem:$0x10F38] =	vst v63  }
0x49e: {  	_ = 	snop  }
0x49f: {  	[hbm4b:s29+s1] =	stream.linear.scatter [tilespmem:s8], [sflag:$0x5], $0x8000, $0x38;
	[tilespmem:$0x10F38] =	vst v63  }
0x4a0: {  	_ =	swait.ge [sflag:s7], $0x4000  }
0x4a1: {  	s30 =	sld [smem:$0x7FC]  }
0x4a2: {  	[sflag:s7] =	ssyncset.done $0x0  }
0x4a3: {  	s31 =	sld [smem:$0x7FD];
	[sflag:s7] =	ssyncadd.s32 $0xFFFFC000  }
0x4a4: {  	[hbm4b:s30+s1] =	stream.linear.scatter [tilespmem:s5], [sflag:$0x4], $0x4000, $0x38;
	[tilespmem:$0x10F38] =	vst v63  }
0x4a5: {  	_ = 	snop  }
0x4a6: {  	[hbm4b:s31+s1] =	stream.linear.scatter [tilespmem:s5], [sflag:$0x4], $0x4000, $0x38;
	[tilespmem:$0x10F38] =	vst v63  }
0x4a7: {  	_ =	swait.ge [sflag:s6], $0x8000  }
0x4a8: {  	[sflag:s6] =	ssyncset.done $0x0  }
0x4a9: {  	[sflag:s6] =	ssyncadd.s32 $0xFFFF8000  }
0x4aa: {  	_ =	swait.ge [sflag:s6], $0x8000  }
0x4ab: {  	[sflag:s6] =	ssyncset.done $0x0  }
0x4ac: {  	[sflag:s6] =	ssyncadd.s32 $0xFFFF8000  }
0x4ad: {  	_ =	swait.ge [sflag:s4], $0x4000  }
0x4ae: {  	[sflag:s4] =	ssyncset.done $0x0  }
0x4af: {  	[sflag:s4] =	ssyncadd.s32 $0xFFFFC000  }
0x4b0: {  	_ =	swait.ge [sflag:s4], $0x4000  }
0x4b1: {  	[sflag:s4] =	ssyncset.done $0x0  }
0x4b2: {  	[sflag:s4] =	ssyncadd.s32 $0xFFFFC000  }
0x4b3: {  	_ =	sfence.sel $0x180000  }
0x4b4: {  	[bflag:$0x0] =	sbarrier.arrive $0xFFFF  }
0x4b5: {  	_ =	strace $0x90000047  }
0x4b6: {  	[bflag:$0x2] =	sbarrier.arrive $0xFFFF  }
0x4b7: {  	s0 =	rddreg [dreg:$0x5]  }
0x4b8: {  	s0 =	sadd.s32 @!p0 $0x100000, s0  }
0x4b9: {  	[sflag:s0] =	ssyncadd.tile.s32 @!p0 $0x1;
	_ =	shalt  }
.LBB2_1:
.Ltmp3:
0x4ba: {  	(pc) =	sbr.rel .LBB2_6-.Ltmp3, $3  }
0x4bb: {  	_ =	sdelay $0x1  }
0x4bc: {  	s15 =	sld [smem:$0x7E4]  }
0x4bd: {  	s31 =	smov.u32 s29;
	s29 =	simm.s32 $0x900  }
.LBB2_7:
.Ltmp4:
0x4be: {  	s31 =	smov.u32 s29;
	(pc) =	sbr.rel .LBB2_6-.Ltmp4, $4  }
0x4bf: {  	s15 =	sld [smem:$0x7E4];
	s29 =	simm.s32 $0x900;
	s9 =	simm.s32 $0x800  }
0x4c0: {  	s13 =	simm.s32 $0x880;
	s0 =	simm.s32 $0x700;
	s30 =	simm.s32 $0x780  }
0x4c1: {  	s12 =	simm.s32 $0x600;
	s17 =	simm.s32 $0x680;
	s16 =	simm.s32 $0x580  }
0x4c2: {  	s18 =	simm.s32 $0x400;
	s22 =	simm.s32 $0x200;
	s26 =	simm.s32 $0x100  }
.Lfunc_end2:
_tile_overlayer_lowered:
.L_overlay_start_2:
0x4c3: {  	(tag) =	ssettag $0x2  }
0x4c4: {  	s0 =	rddreg [dreg:$0x0];
	s2 =	stileid.u32  }
0x4c5: {  	s1 =	rddreg [dreg:$0x1];
	p0 =	sne.s32 s2, $0x0  }
0x4c6: {  	s3 =	rddreg [dreg:$0x2];
	[bflag:$0x3] =	sbarrier.arrive $0xFFFF;
	s2 =	simm.s32 @!p0 $0x1C06  }
0x4c7: {  	[timem:s3], [sflag:s2] =	dma.local @!p0 [hbm:s0], s1  }
0x4c8: {  	s0 =	simm.s32 @!p0 $0x6  }
0x4c9: {  	_ =	swait.ge @!p0 [sflag:s0], s1  }
0x4ca: {  	s1 =	ssub.s32 @!p0 $0x0, s1;
	[sflag:s0] =	ssyncset.done @!p0 $0x0  }
0x4cb: {  	[sflag:s0] =	ssyncadd.s32 @!p0 s1  }
0x4cc: {  	[bflag:$0x3] =	sbarrier.arrive $0xFFFF  }
0x4cd: {  	_ =	shalt  }

</sc_bundles>
